<compile_context>
chip_gen: v7x
topology: tpu7x:2x2x1
jax: 0.10.2.dev20260603
libtpu: 0.0.44.dev20260713+nightly
codegen_flags: <defaults>
</compile_context>

<pallas_src>
import functools

import jax
import jax.numpy as jnp
from jax import lax
from jax.experimental import pallas as pl
from jax.experimental.pallas import tpu as pltpu
from jax.experimental.pallas import tpu_sc as plsc

LMAX = 3
SH_DIM = (LMAX + 1) ** 2
N_NODES_C = 100000
N_EDGES_C = 3200000

NC, NS, L = 2, 16, 16
NW = NC * NS

PER_TILE = N_EDGES_C // NW
B = 800
CHUNKS = PER_TILE // B
EG = 8
UNROLL = 5

_FP2ACC = [0, 1, 1, 1, 2, 2, 2, 2]


def _sh_msg_body(row_hbm, col_hbm, node_hbm, o0, o1, o2, o3,
                 ri0, ci0, rr0, cr0, ri1, ci1, rr1, cr1,
                 oa0, oa1, oa2, oa3, ob0, ob1, ob2, ob3,
                 isem0, isem1, gsem0, gsem1, osem0, osem1):
    out_hbms = (o0, o1, o2, o3)
    out_bufs = ((oa0, oa1, oa2, oa3), (ob0, ob1, ob2, ob3))
    idx_bufs = ((ri0, ci0), (ri1, ci1))
    row_bufs = ((rr0, cr0), (rr1, cr1))
    isems = (isem0, isem1)
    gsems = (gsem0, gsem1)
    osems = (osem0, osem1)
    wid = lax.axis_index("s") * NC + lax.axis_index("c")
    tile_base = wid * PER_TILE

    lane = lax.iota(jnp.int32, L)
    ep = jnp.where(lane < EG, lane, 2 * EG - 1 - lane)
    f_off = jnp.where(lane < EG, 0, EG)
    low_mask = lane < EG

    def idx_fetch(c, b):
        s = tile_base + c * B
        ri, ci = idx_bufs[b]
        pltpu.async_copy(row_hbm.at[pl.ds(s, B)], ri, isems[b])
        pltpu.async_copy(col_hbm.at[pl.ds(s, B)], ci, isems[b])

    def gather_fire(b):
        ri, ci = idx_bufs[b]
        rr, cr = row_bufs[b]
        pltpu.make_async_copy(row_hbm.at[pl.ds(0, B)], ri, isems[b]).wait()
        pltpu.make_async_copy(col_hbm.at[pl.ds(0, B)], ci, isems[b]).wait()
        pltpu.async_copy(node_hbm.at[ri], rr, gsems[b])
        pltpu.async_copy(node_hbm.at[ci], cr, gsems[b])

    def gather_wait(b):
        ri, ci = idx_bufs[b]
        rr, cr = row_bufs[b]
        pltpu.make_async_copy(node_hbm.at[ri], rr, gsems[b]).wait()
        pltpu.make_async_copy(node_hbm.at[ci], cr, gsems[b]).wait()

    def out_wait(b):
        for l in range(LMAX + 1):
            pltpu.make_async_copy(
                out_bufs[b][l], out_hbms[l].at[pl.ds(0, B)], osems[b]).wait()

    def compute(c, b):
        rr, cr = row_bufs[b]

        def edge8(e0):
            evec = e0 + ep
            sidx = e0 + lane
            accs = [None, None, None]
            for fp in range(EG):
                fv = fp + f_off
                rf = plsc.load_gather(rr, [evec, fv])
                cf = plsc.load_gather(cr, [evec, fv])
                p = rf * cf
                a = _FP2ACC[fp]
                accs[a] = p if accs[a] is None else accs[a] + p
            acc_a, acc_b, acc_c = accs
            out0 = acc_a
            out1 = acc_b
            out2 = acc_c + lax.rev(acc_a, (0,))
            out3 = lax.rev(acc_b + acc_c, (0,))
            for l, v in enumerate((out0, out1, out2, out3)):
                plsc.store_scatter(out_bufs[b][l], [sidx], v, mask=low_mask)

        def step_body(i, carry):
            for u in range(UNROLL):
                edge8((i * UNROLL + u) * EG)
            return carry

        lax.fori_loop(0, B // (EG * UNROLL), step_body, 0)
        s = tile_base + c * B
        for l in range(LMAX + 1):
            pltpu.async_copy(out_bufs[b][l], out_hbms[l].at[pl.ds(s, B)],
                             osems[b])

    idx_fetch(0, 0)
    idx_fetch(1, 1)
    gather_fire(0)

    def loop_body(j, carry):
        c0 = 2 * j
        gather_fire(1)
        gather_wait(0)
        idx_fetch(c0 + 2, 0)

        @pl.when(j > 0)
        def _():
            out_wait(0)

        compute(c0, 0)
        gather_fire(0)
        gather_wait(1)

        @pl.when(2 * j + 3 < CHUNKS)
        def _():
            idx_fetch(c0 + 3, 1)

        @pl.when(j > 0)
        def _():
            out_wait(1)

        compute(c0 + 1, 1)
        return carry

    lax.fori_loop(0, (CHUNKS - 1) // 2, loop_body, 0)
    gather_wait(0)
    out_wait(0)
    compute(CHUNKS - 1, 0)
    out_wait(1)
    out_wait(0)


@jax.jit
def _sh_msg(row, col, node_sh):
    mesh = plsc.VectorSubcoreMesh(
        core_axis_name="c", subcore_axis_name="s",
        num_cores=NC, num_subcores=NS)
    return pl.kernel(
        _sh_msg_body,
        out_type=tuple(
            jax.ShapeDtypeStruct((N_EDGES_C,), jnp.float32)
            for _ in range(LMAX + 1)),
        mesh=mesh,
        scratch_types=[
            pltpu.VMEM((B,), jnp.int32),
            pltpu.VMEM((B,), jnp.int32),
            pltpu.VMEM((B, SH_DIM), jnp.float32),
            pltpu.VMEM((B, SH_DIM), jnp.float32),
            pltpu.VMEM((B,), jnp.int32),
            pltpu.VMEM((B,), jnp.int32),
            pltpu.VMEM((B, SH_DIM), jnp.float32),
            pltpu.VMEM((B, SH_DIM), jnp.float32),
            pltpu.VMEM((B,), jnp.float32),
            pltpu.VMEM((B,), jnp.float32),
            pltpu.VMEM((B,), jnp.float32),
            pltpu.VMEM((B,), jnp.float32),
            pltpu.VMEM((B,), jnp.float32),
            pltpu.VMEM((B,), jnp.float32),
            pltpu.VMEM((B,), jnp.float32),
            pltpu.VMEM((B,), jnp.float32),
            pltpu.SemaphoreType.DMA,
            pltpu.SemaphoreType.DMA,
            pltpu.SemaphoreType.DMA,
            pltpu.SemaphoreType.DMA,
            pltpu.SemaphoreType.DMA,
            pltpu.SemaphoreType.DMA,
        ],
        compiler_params=pltpu.CompilerParams(
            needs_layout_passes=False, use_tc_tiling_on_sc=False),
    )(row, col, node_sh)


def kernel(edge_index, node_sh):
    assert edge_index.shape == (2, N_EDGES_C)
    assert node_sh.shape == (N_NODES_C, SH_DIM)
    parts = _sh_msg(edge_index[0], edge_index[1], node_sh)
    return jnp.stack(parts, axis=-1)

# --- scband reference (transcript-rebuilt; emitter-appended) ---
"""Pipeline reference for scband-sh-msg-37606733644280 (READ-ONLY COPY).

The authoritative reference and input builder live on the scoring server;
editing this copy changes nothing except your own understanding.
"""

import jax, jax.numpy as jnp
import numpy as np

# sh_irreps = '1x0e+1x1o+1x2e+1x3o' (e3nn): lmax=3, dim=16
# per-l feature slices: l -> [l^2, (l+1)^2)
LMAX = 3
SLICES = [(l * l, (l + 1) * (l + 1)) for l in range(LMAX + 1)]
SH_DIM = (LMAX + 1) ** 2  # 16

N_NODES = 100000
N_EDGES = 3200000


def setup_inputs(seed: int = 0) -> dict:
    key = jax.random.key(seed)
    k1, k2 = jax.random.split(key)
    node_sh = jax.random.normal(k1, (N_NODES, SH_DIM), dtype=jnp.float32)
    edge_index = jax.random.randint(k2, (2, N_EDGES), 0, N_NODES, dtype=jnp.int32)
    return {"edge_index": edge_index, "node_sh": node_sh}


def reference(edge_index, node_sh):
    assert node_sh.shape[1] == SH_DIM
    row = edge_index[0]
    col = edge_index[1]
    temp = jnp.take(node_sh, row, axis=0) * jnp.take(node_sh, col, axis=0)
    parts = []
    for (start, end) in SLICES:
        parts.append(jnp.sum(temp[:, start:end], axis=-1))
    ip = jnp.stack(parts, axis=-1)  # [E, lmax+1]
    return ip

if __name__ == "__main__":
    import jax
    _d = setup_inputs()
    print(jax.jit(kernel)(*tuple(_d.values())))

</pallas_src>

<mosaic_0001>
#map = affine_map<(d0, d1) -> (0)>
#map1 = affine_map<(d0, d1) -> (0, 0)>
module attributes {stable_mosaic.version = 14 : i64} {
  func.func @_sh_msg_body(%arg0: i32, %arg1: i32, %arg2: memref<3200000xi32, #tpu.memory_space<hbm>>, %arg3: memref<3200000xi32, #tpu.memory_space<hbm>>, %arg4: memref<100000x16xf32, #tpu.memory_space<hbm>>, %arg5: memref<3200000xf32, #tpu.memory_space<hbm>>, %arg6: memref<3200000xf32, #tpu.memory_space<hbm>>, %arg7: memref<3200000xf32, #tpu.memory_space<hbm>>, %arg8: memref<3200000xf32, #tpu.memory_space<hbm>>, %arg9: memref<800xi32, #tpu.memory_space<vmem>>, %arg10: memref<800xi32, #tpu.memory_space<vmem>>, %arg11: memref<800x16xf32, #tpu.memory_space<vmem>>, %arg12: memref<800x16xf32, #tpu.memory_space<vmem>>, %arg13: memref<800xi32, #tpu.memory_space<vmem>>, %arg14: memref<800xi32, #tpu.memory_space<vmem>>, %arg15: memref<800x16xf32, #tpu.memory_space<vmem>>, %arg16: memref<800x16xf32, #tpu.memory_space<vmem>>, %arg17: memref<800xf32, #tpu.memory_space<vmem>>, %arg18: memref<800xf32, #tpu.memory_space<vmem>>, %arg19: memref<800xf32, #tpu.memory_space<vmem>>, %arg20: memref<800xf32, #tpu.memory_space<vmem>>, %arg21: memref<800xf32, #tpu.memory_space<vmem>>, %arg22: memref<800xf32, #tpu.memory_space<vmem>>, %arg23: memref<800xf32, #tpu.memory_space<vmem>>, %arg24: memref<800xf32, #tpu.memory_space<vmem>>, %arg25: memref<!tpu.dma_semaphore, #tpu.memory_space<semaphore_mem>>, %arg26: memref<!tpu.dma_semaphore, #tpu.memory_space<semaphore_mem>>, %arg27: memref<!tpu.dma_semaphore, #tpu.memory_space<semaphore_mem>>, %arg28: memref<!tpu.dma_semaphore, #tpu.memory_space<semaphore_mem>>, %arg29: memref<!tpu.dma_semaphore, #tpu.memory_space<semaphore_mem>>, %arg30: memref<!tpu.dma_semaphore, #tpu.memory_space<semaphore_mem>>) attributes {dimension_semantics = [#tpu.dimension_semantics<core_parallel>, #tpu.dimension_semantics<subcore_parallel>], iteration_bounds = array<i64: 2, 16>, scalar_prefetch = 0 : i64, scratch_operands = 22 : i64, tpu.core_type = #tpu.core_type<sc_vector_subcore>, window_params = [{transform_indices = #map}, {transform_indices = #map}, {transform_indices = #map1}, {transform_indices = #map}, {transform_indices = #map}, {transform_indices = #map}, {transform_indices = #map}]} {
    %mul3A = arith.constant 2 : i32
    %mul3A_0 = arith.muli %arg1, %mul3A : i32
    %add3A = arith.addi %mul3A_0, %arg0 : i32
    %mul3A_1 = arith.constant 100000 : i32
    %mul3A_2 = arith.muli %add3A, %mul3A_1 : i32
    %iota3A = tpu.iota {dimensions = array<i32: 0>} : vector<16xi32>
    %lt3A = arith.constant 8 : i32
    %lt3A_3 = vector.broadcast %lt3A : i32 to vector<16xi32>
    %lt3A_4 = arith.cmpi slt, %iota3A, %lt3A_3 : vector<16xi32>
    %sub3A = arith.constant 15 : i32
    %sub3A_5 = vector.broadcast %sub3A : i32 to vector<16xi32>
    %sub3A_6 = arith.subi %sub3A_5, %iota3A : vector<16xi32>
    %select_n3A = arith.select %lt3A_4, %iota3A, %sub3A_6 : vector<16xi1>, vector<16xi32>
    %lt3A_7 = arith.constant 8 : i32
    %lt3A_8 = vector.broadcast %lt3A_7 : i32 to vector<16xi32>
    %lt3A_9 = arith.cmpi slt, %iota3A, %lt3A_8 : vector<16xi32>
    %jit3A = arith.constant 0 : i32
    %jit3A_10 = arith.constant 8 : i32
    %broadcast_in_dim3A = vector.broadcast %jit3A : i32 to vector<16xi32>
    %broadcast_in_dim3A_11 = vector.broadcast %jit3A_10 : i32 to vector<16xi32>
    %select_n3A_12 = arith.select %lt3A_9, %broadcast_in_dim3A, %broadcast_in_dim3A_11 : vector<16xi1>, vector<16xi32>
    %lt3A_13 = arith.constant 8 : i32
    %lt3A_14 = vector.broadcast %lt3A_13 : i32 to vector<16xi32>
    %lt3A_15 = arith.cmpi slt, %iota3A, %lt3A_14 : vector<16xi32>
    %add3A_16 = arith.constant 0 : i32
    %add3A_17 = arith.addi %mul3A_2, %add3A_16 : i32
    %dma_start3A = tpu.memref_slice %arg2[%add3A_17] : memref<3200000xi32, #tpu.memory_space<hbm>> -> memref<800xi32, #tpu.memory_space<hbm>>
    %dma_start3A_18 = tpu.memref_slice %arg2[%add3A_17] : memref<3200000xi32, #tpu.memory_space<hbm>> -> memref<800xi32, #tpu.memory_space<hbm>>
    tpu.enqueue_dma source(%dma_start3A_18 : memref<800xi32, #tpu.memory_space<hbm>>) target(%arg9 : memref<800xi32, #tpu.memory_space<vmem>>) target_semaphore(%arg25 : memref<!tpu.dma_semaphore, #tpu.memory_space<semaphore_mem>>)
    %dma_start3A_19 = tpu.memref_slice %arg3[%add3A_17] : memref<3200000xi32, #tpu.memory_space<hbm>> -> memref<800xi32, #tpu.memory_space<hbm>>
    %dma_start3A_20 = tpu.memref_slice %arg3[%add3A_17] : memref<3200000xi32, #tpu.memory_space<hbm>> -> memref<800xi32, #tpu.memory_space<hbm>>
    tpu.enqueue_dma source(%dma_start3A_20 : memref<800xi32, #tpu.memory_space<hbm>>) target(%arg10 : memref<800xi32, #tpu.memory_space<vmem>>) target_semaphore(%arg25 : memref<!tpu.dma_semaphore, #tpu.memory_space<semaphore_mem>>)
    %add3A_21 = arith.constant 800 : i32
    %add3A_22 = arith.addi %mul3A_2, %add3A_21 : i32
    %dma_start3A_23 = tpu.memref_slice %arg2[%add3A_22] : memref<3200000xi32, #tpu.memory_space<hbm>> -> memref<800xi32, #tpu.memory_space<hbm>>
    %dma_start3A_24 = tpu.memref_slice %arg2[%add3A_22] : memref<3200000xi32, #tpu.memory_space<hbm>> -> memref<800xi32, #tpu.memory_space<hbm>>
    tpu.enqueue_dma source(%dma_start3A_24 : memref<800xi32, #tpu.memory_space<hbm>>) target(%arg13 : memref<800xi32, #tpu.memory_space<vmem>>) target_semaphore(%arg26 : memref<!tpu.dma_semaphore, #tpu.memory_space<semaphore_mem>>)
    %dma_start3A_25 = tpu.memref_slice %arg3[%add3A_22] : memref<3200000xi32, #tpu.memory_space<hbm>> -> memref<800xi32, #tpu.memory_space<hbm>>
    %dma_start3A_26 = tpu.memref_slice %arg3[%add3A_22] : memref<3200000xi32, #tpu.memory_space<hbm>> -> memref<800xi32, #tpu.memory_space<hbm>>
    tpu.enqueue_dma source(%dma_start3A_26 : memref<800xi32, #tpu.memory_space<hbm>>) target(%arg14 : memref<800xi32, #tpu.memory_space<vmem>>) target_semaphore(%arg26 : memref<!tpu.dma_semaphore, #tpu.memory_space<semaphore_mem>>)
    %dma_wait3A = arith.constant 0 : i32
    %dma_wait3A_27 = tpu.memref_slice %arg2[%dma_wait3A] : memref<3200000xi32, #tpu.memory_space<hbm>> -> memref<800xi32, #tpu.memory_space<hbm>>
    %dma_wait3A_28 = arith.constant 0 : i32
    %dma_wait3A_29 = tpu.memref_slice %arg2[%dma_wait3A_28] : memref<3200000xi32, #tpu.memory_space<hbm>> -> memref<800xi32, #tpu.memory_space<hbm>>
    tpu.wait_dma2 semaphore(%arg25 : memref<!tpu.dma_semaphore, #tpu.memory_space<semaphore_mem>>) src(%dma_wait3A_29 : memref<800xi32, #tpu.memory_space<hbm>>) dst(%arg9 : memref<800xi32, #tpu.memory_space<vmem>>)
    %dma_wait3A_30 = arith.constant 0 : i32
    %dma_wait3A_31 = tpu.memref_slice %arg3[%dma_wait3A_30] : memref<3200000xi32, #tpu.memory_space<hbm>> -> memref<800xi32, #tpu.memory_space<hbm>>
    %dma_wait3A_32 = arith.constant 0 : i32
    %dma_wait3A_33 = tpu.memref_slice %arg3[%dma_wait3A_32] : memref<3200000xi32, #tpu.memory_space<hbm>> -> memref<800xi32, #tpu.memory_space<hbm>>
    tpu.wait_dma2 semaphore(%arg25 : memref<!tpu.dma_semaphore, #tpu.memory_space<semaphore_mem>>) src(%dma_wait3A_33 : memref<800xi32, #tpu.memory_space<hbm>>) dst(%arg10 : memref<800xi32, #tpu.memory_space<vmem>>)
    %dma_start3A_34 = arith.constant 0 : i32
    %dma_start3A_35 = arith.constant 0 : i32
    %dma_start3A_36 = tpu.memref_slice %arg4[%dma_start3A_34, %dma_start3A_35] : memref<100000x16xf32, #tpu.memory_space<hbm>> -> memref<100000x16xf32, #tpu.memory_space<hbm>>
    tpu.enqueue_indirect_dma source(%dma_start3A_36 : memref<100000x16xf32, #tpu.memory_space<hbm>>) target(%arg11 : memref<800x16xf32, #tpu.memory_space<vmem>>) offsets(%arg9 : memref<800xi32, #tpu.memory_space<vmem>>) semaphore(%arg27 : memref<!tpu.dma_semaphore, #tpu.memory_space<semaphore_mem>>)
    %dma_start3A_37 = arith.constant 0 : i32
    %dma_start3A_38 = arith.constant 0 : i32
    %dma_start3A_39 = tpu.memref_slice %arg4[%dma_start3A_37, %dma_start3A_38] : memref<100000x16xf32, #tpu.memory_space<hbm>> -> memref<100000x16xf32, #tpu.memory_space<hbm>>
    tpu.enqueue_indirect_dma source(%dma_start3A_39 : memref<100000x16xf32, #tpu.memory_space<hbm>>) target(%arg12 : memref<800x16xf32, #tpu.memory_space<vmem>>) offsets(%arg10 : memref<800xi32, #tpu.memory_space<vmem>>) semaphore(%arg27 : memref<!tpu.dma_semaphore, #tpu.memory_space<semaphore_mem>>)
    %scan3A = arith.constant 0 : i32
    %scan3A_40 = arith.constant 0 : i32
    %scan3A_41 = arith.constant 62 : i32
    %scan3A_42 = arith.addi %scan3A_40, %scan3A_41 : i32
    %scan3A_43 = arith.constant 1 : i32
    scf.for %scan3A_115 = %scan3A_40 to %scan3A_42 step %scan3A_43  : i32 {
      %mul3A_116 = arith.constant 2 : i32
      %mul3A_117 = arith.muli %mul3A_116, %scan3A_115 : i32
      %dma_wait3A_118 = arith.constant 0 : i32
      %dma_wait3A_119 = tpu.memref_slice %arg2[%dma_wait3A_118] : memref<3200000xi32, #tpu.memory_space<hbm>> -> memref<800xi32, #tpu.memory_space<hbm>>
      %dma_wait3A_120 = arith.constant 0 : i32
      %dma_wait3A_121 = tpu.memref_slice %arg2[%dma_wait3A_120] : memref<3200000xi32, #tpu.memory_space<hbm>> -> memref<800xi32, #tpu.memory_space<hbm>>
      tpu.wait_dma2 semaphore(%arg26 : memref<!tpu.dma_semaphore, #tpu.memory_space<semaphore_mem>>) src(%dma_wait3A_121 : memref<800xi32, #tpu.memory_space<hbm>>) dst(%arg13 : memref<800xi32, #tpu.memory_space<vmem>>)
      %dma_wait3A_122 = arith.constant 0 : i32
      %dma_wait3A_123 = tpu.memref_slice %arg3[%dma_wait3A_122] : memref<3200000xi32, #tpu.memory_space<hbm>> -> memref<800xi32, #tpu.memory_space<hbm>>
      %dma_wait3A_124 = arith.constant 0 : i32
      %dma_wait3A_125 = tpu.memref_slice %arg3[%dma_wait3A_124] : memref<3200000xi32, #tpu.memory_space<hbm>> -> memref<800xi32, #tpu.memory_space<hbm>>
      tpu.wait_dma2 semaphore(%arg26 : memref<!tpu.dma_semaphore, #tpu.memory_space<semaphore_mem>>) src(%dma_wait3A_125 : memref<800xi32, #tpu.memory_space<hbm>>) dst(%arg14 : memref<800xi32, #tpu.memory_space<vmem>>)
      %dma_start3A_126 = arith.constant 0 : i32
      %dma_start3A_127 = arith.constant 0 : i32
      %dma_start3A_128 = tpu.memref_slice %arg4[%dma_start3A_126, %dma_start3A_127] : memref<100000x16xf32, #tpu.memory_space<hbm>> -> memref<100000x16xf32, #tpu.memory_space<hbm>>
      tpu.enqueue_indirect_dma source(%dma_start3A_128 : memref<100000x16xf32, #tpu.memory_space<hbm>>) target(%arg15 : memref<800x16xf32, #tpu.memory_space<vmem>>) offsets(%arg13 : memref<800xi32, #tpu.memory_space<vmem>>) semaphore(%arg28 : memref<!tpu.dma_semaphore, #tpu.memory_space<semaphore_mem>>)
      %dma_start3A_129 = arith.constant 0 : i32
      %dma_start3A_130 = arith.constant 0 : i32
      %dma_start3A_131 = tpu.memref_slice %arg4[%dma_start3A_129, %dma_start3A_130] : memref<100000x16xf32, #tpu.memory_space<hbm>> -> memref<100000x16xf32, #tpu.memory_space<hbm>>
      tpu.enqueue_indirect_dma source(%dma_start3A_131 : memref<100000x16xf32, #tpu.memory_space<hbm>>) target(%arg16 : memref<800x16xf32, #tpu.memory_space<vmem>>) offsets(%arg14 : memref<800xi32, #tpu.memory_space<vmem>>) semaphore(%arg28 : memref<!tpu.dma_semaphore, #tpu.memory_space<semaphore_mem>>)
      %dma_wait3A_132 = arith.constant 0 : i32
      %dma_wait3A_133 = arith.constant 0 : i32
      %dma_wait3A_134 = tpu.memref_slice %arg4[%dma_wait3A_132, %dma_wait3A_133] : memref<100000x16xf32, #tpu.memory_space<hbm>> -> memref<100000x16xf32, #tpu.memory_space<hbm>>
      tpu.wait_indirect_dma semaphore(%arg27 : memref<!tpu.dma_semaphore, #tpu.memory_space<semaphore_mem>>) src(%dma_wait3A_134 : memref<100000x16xf32, #tpu.memory_space<hbm>>) dst(%arg11 : memref<800x16xf32, #tpu.memory_space<vmem>>)
      %dma_wait3A_135 = arith.constant 0 : i32
      %dma_wait3A_136 = arith.constant 0 : i32
      %dma_wait3A_137 = tpu.memref_slice %arg4[%dma_wait3A_135, %dma_wait3A_136] : memref<100000x16xf32, #tpu.memory_space<hbm>> -> memref<100000x16xf32, #tpu.memory_space<hbm>>
      tpu.wait_indirect_dma semaphore(%arg27 : memref<!tpu.dma_semaphore, #tpu.memory_space<semaphore_mem>>) src(%dma_wait3A_137 : memref<100000x16xf32, #tpu.memory_space<hbm>>) dst(%arg12 : memref<800x16xf32, #tpu.memory_space<vmem>>)
      %add3A_138 = arith.constant 2 : i32
      %add3A_139 = arith.addi %mul3A_117, %add3A_138 : i32
      %mul3A_140 = arith.constant 800 : i32
      %mul3A_141 = arith.muli %add3A_139, %mul3A_140 : i32
      %add3A_142 = arith.addi %mul3A_2, %mul3A_141 : i32
      %dma_start3A_143 = tpu.memref_slice %arg2[%add3A_142] : memref<3200000xi32, #tpu.memory_space<hbm>> -> memref<800xi32, #tpu.memory_space<hbm>>
      %dma_start3A_144 = tpu.memref_slice %arg2[%add3A_142] : memref<3200000xi32, #tpu.memory_space<hbm>> -> memref<800xi32, #tpu.memory_space<hbm>>
      tpu.enqueue_dma source(%dma_start3A_144 : memref<800xi32, #tpu.memory_space<hbm>>) target(%arg9 : memref<800xi32, #tpu.memory_space<vmem>>) target_semaphore(%arg25 : memref<!tpu.dma_semaphore, #tpu.memory_space<semaphore_mem>>)
      %dma_start3A_145 = tpu.memref_slice %arg3[%add3A_142] : memref<3200000xi32, #tpu.memory_space<hbm>> -> memref<800xi32, #tpu.memory_space<hbm>>
      %dma_start3A_146 = tpu.memref_slice %arg3[%add3A_142] : memref<3200000xi32, #tpu.memory_space<hbm>> -> memref<800xi32, #tpu.memory_space<hbm>>
      tpu.enqueue_dma source(%dma_start3A_146 : memref<800xi32, #tpu.memory_space<hbm>>) target(%arg10 : memref<800xi32, #tpu.memory_space<vmem>>) target_semaphore(%arg25 : memref<!tpu.dma_semaphore, #tpu.memory_space<semaphore_mem>>)
      %gt3A = arith.constant 0 : i32
      %gt3A_147 = arith.cmpi sgt, %scan3A_115, %gt3A : i32
      %convert_element_type3A = arith.extui %gt3A_147 : i1 to i32
      %cond3A = arith.constant 0 : i32
      %cond3A_148 = arith.cmpi ne, %convert_element_type3A, %cond3A : i32
      scf.if %cond3A_148 {
        %dma_wait3A_219 = arith.constant 0 : i32
        %dma_wait3A_220 = tpu.memref_slice %arg5[%dma_wait3A_219] : memref<3200000xf32, #tpu.memory_space<hbm>> -> memref<800xf32, #tpu.memory_space<hbm>>
        %dma_wait3A_221 = arith.constant 0 : i32
        %dma_wait3A_222 = tpu.memref_slice %arg5[%dma_wait3A_221] : memref<3200000xf32, #tpu.memory_space<hbm>> -> memref<800xf32, #tpu.memory_space<hbm>>
        tpu.wait_dma2 semaphore(%arg29 : memref<!tpu.dma_semaphore, #tpu.memory_space<semaphore_mem>>) src(%arg17 : memref<800xf32, #tpu.memory_space<vmem>>) dst(%dma_wait3A_222 : memref<800xf32, #tpu.memory_space<hbm>>)
        %dma_wait3A_223 = arith.constant 0 : i32
        %dma_wait3A_224 = tpu.memref_slice %arg6[%dma_wait3A_223] : memref<3200000xf32, #tpu.memory_space<hbm>> -> memref<800xf32, #tpu.memory_space<hbm>>
        %dma_wait3A_225 = arith.constant 0 : i32
        %dma_wait3A_226 = tpu.memref_slice %arg6[%dma_wait3A_225] : memref<3200000xf32, #tpu.memory_space<hbm>> -> memref<800xf32, #tpu.memory_space<hbm>>
        tpu.wait_dma2 semaphore(%arg29 : memref<!tpu.dma_semaphore, #tpu.memory_space<semaphore_mem>>) src(%arg18 : memref<800xf32, #tpu.memory_space<vmem>>) dst(%dma_wait3A_226 : memref<800xf32, #tpu.memory_space<hbm>>)
        %dma_wait3A_227 = arith.constant 0 : i32
        %dma_wait3A_228 = tpu.memref_slice %arg7[%dma_wait3A_227] : memref<3200000xf32, #tpu.memory_space<hbm>> -> memref<800xf32, #tpu.memory_space<hbm>>
        %dma_wait3A_229 = arith.constant 0 : i32
        %dma_wait3A_230 = tpu.memref_slice %arg7[%dma_wait3A_229] : memref<3200000xf32, #tpu.memory_space<hbm>> -> memref<800xf32, #tpu.memory_space<hbm>>
        tpu.wait_dma2 semaphore(%arg29 : memref<!tpu.dma_semaphore, #tpu.memory_space<semaphore_mem>>) src(%arg19 : memref<800xf32, #tpu.memory_space<vmem>>) dst(%dma_wait3A_230 : memref<800xf32, #tpu.memory_space<hbm>>)
        %dma_wait3A_231 = arith.constant 0 : i32
        %dma_wait3A_232 = tpu.memref_slice %arg8[%dma_wait3A_231] : memref<3200000xf32, #tpu.memory_space<hbm>> -> memref<800xf32, #tpu.memory_space<hbm>>
        %dma_wait3A_233 = arith.constant 0 : i32
        %dma_wait3A_234 = tpu.memref_slice %arg8[%dma_wait3A_233] : memref<3200000xf32, #tpu.memory_space<hbm>> -> memref<800xf32, #tpu.memory_space<hbm>>
        tpu.wait_dma2 semaphore(%arg29 : memref<!tpu.dma_semaphore, #tpu.memory_space<semaphore_mem>>) src(%arg20 : memref<800xf32, #tpu.memory_space<vmem>>) dst(%dma_wait3A_234 : memref<800xf32, #tpu.memory_space<hbm>>)
      } else {
      }
      %scan3A_149 = arith.constant 0 : i32
      %scan3A_150 = arith.constant 0 : i32
      %scan3A_151 = arith.constant 20 : i32
      %scan3A_152 = arith.addi %scan3A_150, %scan3A_151 : i32
      %scan3A_153 = arith.constant 1 : i32
      scf.for %scan3A_219 = %scan3A_150 to %scan3A_152 step %scan3A_153  : i32 {
        %mul3A_220 = arith.constant 5 : i32
        %mul3A_221 = arith.muli %scan3A_219, %mul3A_220 : i32
        %add3A_222 = arith.constant 0 : i32
        %add3A_223 = arith.addi %mul3A_221, %add3A_222 : i32
        %mul3A_224 = arith.constant 8 : i32
        %mul3A_225 = arith.muli %add3A_223, %mul3A_224 : i32
        %add3A_226 = vector.broadcast %mul3A_225 : i32 to vector<16xi32>
        %add3A_227 = arith.addi %add3A_226, %select_n3A : vector<16xi32>
        %add3A_228 = vector.broadcast %mul3A_225 : i32 to vector<16xi32>
        %add3A_229 = arith.addi %add3A_228, %iota3A : vector<16xi32>
        %add3A_230 = arith.constant 0 : i32
        %add3A_231 = vector.broadcast %add3A_230 : i32 to vector<16xi32>
        %add3A_232 = arith.addi %add3A_231, %select_n3A_12 : vector<16xi32>
        %gather3A = tpu.vector_load_idx %arg11[%add3A_227, %add3A_232] : memref<800x16xf32, #tpu.memory_space<vmem>>[vector<16xi32>, vector<16xi32>], vector<16xf32>,
        %gather3A_233 = tpu.vector_load_idx %arg12[%add3A_227, %add3A_232] : memref<800x16xf32, #tpu.memory_space<vmem>>[vector<16xi32>, vector<16xi32>], vector<16xf32>,
        %mul3A_234 = arith.mulf %gather3A, %gather3A_233 : vector<16xf32>
        %add3A_235 = arith.constant 1 : i32
        %add3A_236 = vector.broadcast %add3A_235 : i32 to vector<16xi32>
        %add3A_237 = arith.addi %add3A_236, %select_n3A_12 : vector<16xi32>
        %gather3A_238 = tpu.vector_load_idx %arg11[%add3A_227, %add3A_237] : memref<800x16xf32, #tpu.memory_space<vmem>>[vector<16xi32>, vector<16xi32>], vector<16xf32>,
        %gather3A_239 = tpu.vector_load_idx %arg12[%add3A_227, %add3A_237] : memref<800x16xf32, #tpu.memory_space<vmem>>[vector<16xi32>, vector<16xi32>], vector<16xf32>,
        %mul3A_240 = arith.mulf %gather3A_238, %gather3A_239 : vector<16xf32>
        %add3A_241 = arith.constant 2 : i32
        %add3A_242 = vector.broadcast %add3A_241 : i32 to vector<16xi32>
        %add3A_243 = arith.addi %add3A_242, %select_n3A_12 : vector<16xi32>
        %gather3A_244 = tpu.vector_load_idx %arg11[%add3A_227, %add3A_243] : memref<800x16xf32, #tpu.memory_space<vmem>>[vector<16xi32>, vector<16xi32>], vector<16xf32>,
        %gather3A_245 = tpu.vector_load_idx %arg12[%add3A_227, %add3A_243] : memref<800x16xf32, #tpu.memory_space<vmem>>[vector<16xi32>, vector<16xi32>], vector<16xf32>,
        %mul3A_246 = arith.mulf %gather3A_244, %gather3A_245 : vector<16xf32>
        %add3A_247 = arith.addf %mul3A_240, %mul3A_246 : vector<16xf32>
        %add3A_248 = arith.constant 3 : i32
        %add3A_249 = vector.broadcast %add3A_248 : i32 to vector<16xi32>
        %add3A_250 = arith.addi %add3A_249, %select_n3A_12 : vector<16xi32>
        %gather3A_251 = tpu.vector_load_idx %arg11[%add3A_227, %add3A_250] : memref<800x16xf32, #tpu.memory_space<vmem>>[vector<16xi32>, vector<16xi32>], vector<16xf32>,
        %gather3A_252 = tpu.vector_load_idx %arg12[%add3A_227, %add3A_250] : memref<800x16xf32, #tpu.memory_space<vmem>>[vector<16xi32>, vector<16xi32>], vector<16xf32>,
        %mul3A_253 = arith.mulf %gather3A_251, %gather3A_252 : vector<16xf32>
        %add3A_254 = arith.addf %add3A_247, %mul3A_253 : vector<16xf32>
        %add3A_255 = arith.constant 4 : i32
        %add3A_256 = vector.broadcast %add3A_255 : i32 to vector<16xi32>
        %add3A_257 = arith.addi %add3A_256, %select_n3A_12 : vector<16xi32>
        %gather3A_258 = tpu.vector_load_idx %arg11[%add3A_227, %add3A_257] : memref<800x16xf32, #tpu.memory_space<vmem>>[vector<16xi32>, vector<16xi32>], vector<16xf32>,
        %gather3A_259 = tpu.vector_load_idx %arg12[%add3A_227, %add3A_257] : memref<800x16xf32, #tpu.memory_space<vmem>>[vector<16xi32>, vector<16xi32>], vector<16xf32>,
        %mul3A_260 = arith.mulf %gather3A_258, %gather3A_259 : vector<16xf32>
        %add3A_261 = arith.constant 5 : i32
        %add3A_262 = vector.broadcast %add3A_261 : i32 to vector<16xi32>
        %add3A_263 = arith.addi %add3A_262, %select_n3A_12 : vector<16xi32>
        %gather3A_264 = tpu.vector_load_idx %arg11[%add3A_227, %add3A_263] : memref<800x16xf32, #tpu.memory_space<vmem>>[vector<16xi32>, vector<16xi32>], vector<16xf32>,
        %gather3A_265 = tpu.vector_load_idx %arg12[%add3A_227, %add3A_263] : memref<800x16xf32, #tpu.memory_space<vmem>>[vector<16xi32>, vector<16xi32>], vector<16xf32>,
        %mul3A_266 = arith.mulf %gather3A_264, %gather3A_265 : vector<16xf32>
        %add3A_267 = arith.addf %mul3A_260, %mul3A_266 : vector<16xf32>
        %add3A_268 = arith.constant 6 : i32
        %add3A_269 = vector.broadcast %add3A_268 : i32 to vector<16xi32>
        %add3A_270 = arith.addi %add3A_269, %select_n3A_12 : vector<16xi32>
        %gather3A_271 = tpu.vector_load_idx %arg11[%add3A_227, %add3A_270] : memref<800x16xf32, #tpu.memory_space<vmem>>[vector<16xi32>, vector<16xi32>], vector<16xf32>,
        %gather3A_272 = tpu.vector_load_idx %arg12[%add3A_227, %add3A_270] : memref<800x16xf32, #tpu.memory_space<vmem>>[vector<16xi32>, vector<16xi32>], vector<16xf32>,
        %mul3A_273 = arith.mulf %gather3A_271, %gather3A_272 : vector<16xf32>
        %add3A_274 = arith.addf %add3A_267, %mul3A_273 : vector<16xf32>
        %add3A_275 = arith.constant 7 : i32
        %add3A_276 = vector.broadcast %add3A_275 : i32 to vector<16xi32>
        %add3A_277 = arith.addi %add3A_276, %select_n3A_12 : vector<16xi32>
        %gather3A_278 = tpu.vector_load_idx %arg11[%add3A_227, %add3A_277] : memref<800x16xf32, #tpu.memory_space<vmem>>[vector<16xi32>, vector<16xi32>], vector<16xf32>,
        %gather3A_279 = tpu.vector_load_idx %arg12[%add3A_227, %add3A_277] : memref<800x16xf32, #tpu.memory_space<vmem>>[vector<16xi32>, vector<16xi32>], vector<16xf32>,
        %mul3A_280 = arith.mulf %gather3A_278, %gather3A_279 : vector<16xf32>
        %add3A_281 = arith.addf %add3A_274, %mul3A_280 : vector<16xf32>
        %rev3A = arith.constant 15 : i32
        %rev3A_282 = vector.broadcast %rev3A : i32 to vector<16xi32>
        %rev3A_283 = tpu.iota {dimensions = array<i32: 0>} : vector<16xi32>
        %rev3A_284 = arith.subi %rev3A_282, %rev3A_283 : vector<16xi32>
        %rev3A_285 = tpu.dynamic_gather %mul3A_234[%rev3A_284] in [0] : vector<16xf32>, vector<16xi32> -> vector<16xf32>
        %add3A_286 = arith.addf %add3A_281, %rev3A_285 : vector<16xf32>
        %add3A_287 = arith.addf %add3A_254, %add3A_281 : vector<16xf32>
        %rev3A_288 = arith.constant 15 : i32
        %rev3A_289 = vector.broadcast %rev3A_288 : i32 to vector<16xi32>
        %rev3A_290 = tpu.iota {dimensions = array<i32: 0>} : vector<16xi32>
        %rev3A_291 = arith.subi %rev3A_289, %rev3A_290 : vector<16xi32>
        %rev3A_292 = tpu.dynamic_gather %add3A_287[%rev3A_291] in [0] : vector<16xf32>, vector<16xi32> -> vector<16xf32>
        tpu.vector_store_idx %arg17[%add3A_229], %mul3A_234 masked %lt3A_15 : memref<800xf32, #tpu.memory_space<vmem>>[vector<16xi32>], vector<16xf32>, vector<16xi1>
        tpu.vector_store_idx %arg18[%add3A_229], %add3A_254 masked %lt3A_15 : memref<800xf32, #tpu.memory_space<vmem>>[vector<16xi32>], vector<16xf32>, vector<16xi1>
        tpu.vector_store_idx %arg19[%add3A_229], %add3A_286 masked %lt3A_15 : memref<800xf32, #tpu.memory_space<vmem>>[vector<16xi32>], vector<16xf32>, vector<16xi1>
        tpu.vector_store_idx %arg20[%add3A_229], %rev3A_292 masked %lt3A_15 : memref<800xf32, #tpu.memory_space<vmem>>[vector<16xi32>], vector<16xf32>, vector<16xi1>
        %mul3A_293 = arith.constant 5 : i32
        %mul3A_294 = arith.muli %scan3A_219, %mul3A_293 : i32
        %add3A_295 = arith.constant 1 : i32
        %add3A_296 = arith.addi %mul3A_294, %add3A_295 : i32
        %mul3A_297 = arith.constant 8 : i32
        %mul3A_298 = arith.muli %add3A_296, %mul3A_297 : i32
        %add3A_299 = vector.broadcast %mul3A_298 : i32 to vector<16xi32>
        %add3A_300 = arith.addi %add3A_299, %select_n3A : vector<16xi32>
        %add3A_301 = vector.broadcast %mul3A_298 : i32 to vector<16xi32>
        %add3A_302 = arith.addi %add3A_301, %iota3A : vector<16xi32>
        %add3A_303 = arith.constant 0 : i32
        %add3A_304 = vector.broadcast %add3A_303 : i32 to vector<16xi32>
        %add3A_305 = arith.addi %add3A_304, %select_n3A_12 : vector<16xi32>
        %gather3A_306 = tpu.vector_load_idx %arg11[%add3A_300, %add3A_305] : memref<800x16xf32, #tpu.memory_space<vmem>>[vector<16xi32>, vector<16xi32>], vector<16xf32>,
        %gather3A_307 = tpu.vector_load_idx %arg12[%add3A_300, %add3A_305] : memref<800x16xf32, #tpu.memory_space<vmem>>[vector<16xi32>, vector<16xi32>], vector<16xf32>,
        %mul3A_308 = arith.mulf %gather3A_306, %gather3A_307 : vector<16xf32>
        %add3A_309 = arith.constant 1 : i32
        %add3A_310 = vector.broadcast %add3A_309 : i32 to vector<16xi32>
        %add3A_311 = arith.addi %add3A_310, %select_n3A_12 : vector<16xi32>
        %gather3A_312 = tpu.vector_load_idx %arg11[%add3A_300, %add3A_311] : memref<800x16xf32, #tpu.memory_space<vmem>>[vector<16xi32>, vector<16xi32>], vector<16xf32>,
        %gather3A_313 = tpu.vector_load_idx %arg12[%add3A_300, %add3A_311] : memref<800x16xf32, #tpu.memory_space<vmem>>[vector<16xi32>, vector<16xi32>], vector<16xf32>,
        %mul3A_314 = arith.mulf %gather3A_312, %gather3A_313 : vector<16xf32>
        %add3A_315 = arith.constant 2 : i32
        %add3A_316 = vector.broadcast %add3A_315 : i32 to vector<16xi32>
        %add3A_317 = arith.addi %add3A_316, %select_n3A_12 : vector<16xi32>
        %gather3A_318 = tpu.vector_load_idx %arg11[%add3A_300, %add3A_317] : memref<800x16xf32, #tpu.memory_space<vmem>>[vector<16xi32>, vector<16xi32>], vector<16xf32>,
        %gather3A_319 = tpu.vector_load_idx %arg12[%add3A_300, %add3A_317] : memref<800x16xf32, #tpu.memory_space<vmem>>[vector<16xi32>, vector<16xi32>], vector<16xf32>,
        %mul3A_320 = arith.mulf %gather3A_318, %gather3A_319 : vector<16xf32>
        %add3A_321 = arith.addf %mul3A_314, %mul3A_320 : vector<16xf32>
        %add3A_322 = arith.constant 3 : i32
        %add3A_323 = vector.broadcast %add3A_322 : i32 to vector<16xi32>
        %add3A_324 = arith.addi %add3A_323, %select_n3A_12 : vector<16xi32>
        %gather3A_325 = tpu.vector_load_idx %arg11[%add3A_300, %add3A_324] : memref<800x16xf32, #tpu.memory_space<vmem>>[vector<16xi32>, vector<16xi32>], vector<16xf32>,
        %gather3A_326 = tpu.vector_load_idx %arg12[%add3A_300, %add3A_324] : memref<800x16xf32, #tpu.memory_space<vmem>>[vector<16xi32>, vector<16xi32>], vector<16xf32>,
        %mul3A_327 = arith.mulf %gather3A_325, %gather3A_326 : vector<16xf32>
        %add3A_328 = arith.addf %add3A_321, %mul3A_327 : vector<16xf32>
        %add3A_329 = arith.constant 4 : i32
        %add3A_330 = vector.broadcast %add3A_329 : i32 to vector<16xi32>
        %add3A_331 = arith.addi %add3A_330, %select_n3A_12 : vector<16xi32>
        %gather3A_332 = tpu.vector_load_idx %arg11[%add3A_300, %add3A_331] : memref<800x16xf32, #tpu.memory_space<vmem>>[vector<16xi32>, vector<16xi32>], vector<16xf32>,
        %gather3A_333 = tpu.vector_load_idx %arg12[%add3A_300, %add3A_331] : memref<800x16xf32, #tpu.memory_space<vmem>>[vector<16xi32>, vector<16xi32>], vector<16xf32>,
        %mul3A_334 = arith.mulf %gather3A_332, %gather3A_333 : vector<16xf32>
        %add3A_335 = arith.constant 5 : i32
        %add3A_336 = vector.broadcast %add3A_335 : i32 to vector<16xi32>
        %add3A_337 = arith.addi %add3A_336, %select_n3A_12 : vector<16xi32>
        %gather3A_338 = tpu.vector_load_idx %arg11[%add3A_300, %add3A_337] : memref<800x16xf32, #tpu.memory_space<vmem>>[vector<16xi32>, vector<16xi32>], vector<16xf32>,
        %gather3A_339 = tpu.vector_load_idx %arg12[%add3A_300, %add3A_337] : memref<800x16xf32, #tpu.memory_space<vmem>>[vector<16xi32>, vector<16xi32>], vector<16xf32>,
        %mul3A_340 = arith.mulf %gather3A_338, %gather3A_339 : vector<16xf32>
        %add3A_341 = arith.addf %mul3A_334, %mul3A_340 : vector<16xf32>
        %add3A_342 = arith.constant 6 : i32
        %add3A_343 = vector.broadcast %add3A_342 : i32 to vector<16xi32>
        %add3A_344 = arith.addi %add3A_343, %select_n3A_12 : vector<16xi32>
        %gather3A_345 = tpu.vector_load_idx %arg11[%add3A_300, %add3A_344] : memref<800x16xf32, #tpu.memory_space<vmem>>[vector<16xi32>, vector<16xi32>], vector<16xf32>,
        %gather3A_346 = tpu.vector_load_idx %arg12[%add3A_300, %add3A_344] : memref<800x16xf32, #tpu.memory_space<vmem>>[vector<16xi32>, vector<16xi32>], vector<16xf32>,
        %mul3A_347 = arith.mulf %gather3A_345, %gather3A_346 : vector<16xf32>
        %add3A_348 = arith.addf %add3A_341, %mul3A_347 : vector<16xf32>
        %add3A_349 = arith.constant 7 : i32
        %add3A_350 = vector.broadcast %add3A_349 : i32 to vector<16xi32>
        %add3A_351 = arith.addi %add3A_350, %select_n3A_12 : vector<16xi32>
        %gather3A_352 = tpu.vector_load_idx %arg11[%add3A_300, %add3A_351] : memref<800x16xf32, #tpu.memory_space<vmem>>[vector<16xi32>, vector<16xi32>], vector<16xf32>,
        %gather3A_353 = tpu.vector_load_idx %arg12[%add3A_300, %add3A_351] : memref<800x16xf32, #tpu.memory_space<vmem>>[vector<16xi32>, vector<16xi32>], vector<16xf32>,
        %mul3A_354 = arith.mulf %gather3A_352, %gather3A_353 : vector<16xf32>
        %add3A_355 = arith.addf %add3A_348, %mul3A_354 : vector<16xf32>
        %rev3A_356 = arith.constant 15 : i32
        %rev3A_357 = vector.broadcast %rev3A_356 : i32 to vector<16xi32>
        %rev3A_358 = tpu.iota {dimensions = array<i32: 0>} : vector<16xi32>
        %rev3A_359 = arith.subi %rev3A_357, %rev3A_358 : vector<16xi32>
        %rev3A_360 = tpu.dynamic_gather %mul3A_308[%rev3A_359] in [0] : vector<16xf32>, vector<16xi32> -> vector<16xf32>
        %add3A_361 = arith.addf %add3A_355, %rev3A_360 : vector<16xf32>
        %add3A_362 = arith.addf %add3A_328, %add3A_355 : vector<16xf32>
        %rev3A_363 = arith.constant 15 : i32
        %rev3A_364 = vector.broadcast %rev3A_363 : i32 to vector<16xi32>
        %rev3A_365 = tpu.iota {dimensions = array<i32: 0>} : vector<16xi32>
        %rev3A_366 = arith.subi %rev3A_364, %rev3A_365 : vector<16xi32>
        %rev3A_367 = tpu.dynamic_gather %add3A_362[%rev3A_366] in [0] : vector<16xf32>, vector<16xi32> -> vector<16xf32>
        tpu.vector_store_idx %arg17[%add3A_302], %mul3A_308 masked %lt3A_15 : memref<800xf32, #tpu.memory_space<vmem>>[vector<16xi32>], vector<16xf32>, vector<16xi1>
        tpu.vector_store_idx %arg18[%add3A_302], %add3A_328 masked %lt3A_15 : memref<800xf32, #tpu.memory_space<vmem>>[vector<16xi32>], vector<16xf32>, vector<16xi1>
        tpu.vector_store_idx %arg19[%add3A_302], %add3A_361 masked %lt3A_15 : memref<800xf32, #tpu.memory_space<vmem>>[vector<16xi32>], vector<16xf32>, vector<16xi1>
        tpu.vector_store_idx %arg20[%add3A_302], %rev3A_367 masked %lt3A_15 : memref<800xf32, #tpu.memory_space<vmem>>[vector<16xi32>], vector<16xf32>, vector<16xi1>
        %mul3A_368 = arith.constant 5 : i32
        %mul3A_369 = arith.muli %scan3A_219, %mul3A_368 : i32
        %add3A_370 = arith.constant 2 : i32
        %add3A_371 = arith.addi %mul3A_369, %add3A_370 : i32
        %mul3A_372 = arith.constant 8 : i32
        %mul3A_373 = arith.muli %add3A_371, %mul3A_372 : i32
        %add3A_374 = vector.broadcast %mul3A_373 : i32 to vector<16xi32>
        %add3A_375 = arith.addi %add3A_374, %select_n3A : vector<16xi32>
        %add3A_376 = vector.broadcast %mul3A_373 : i32 to vector<16xi32>
        %add3A_377 = arith.addi %add3A_376, %iota3A : vector<16xi32>
        %add3A_378 = arith.constant 0 : i32
        %add3A_379 = vector.broadcast %add3A_378 : i32 to vector<16xi32>
        %add3A_380 = arith.addi %add3A_379, %select_n3A_12 : vector<16xi32>
        %gather3A_381 = tpu.vector_load_idx %arg11[%add3A_375, %add3A_380] : memref<800x16xf32, #tpu.memory_space<vmem>>[vector<16xi32>, vector<16xi32>], vector<16xf32>,
        %gather3A_382 = tpu.vector_load_idx %arg12[%add3A_375, %add3A_380] : memref<800x16xf32, #tpu.memory_space<vmem>>[vector<16xi32>, vector<16xi32>], vector<16xf32>,
        %mul3A_383 = arith.mulf %gather3A_381, %gather3A_382 : vector<16xf32>
        %add3A_384 = arith.constant 1 : i32
        %add3A_385 = vector.broadcast %add3A_384 : i32 to vector<16xi32>
        %add3A_386 = arith.addi %add3A_385, %select_n3A_12 : vector<16xi32>
        %gather3A_387 = tpu.vector_load_idx %arg11[%add3A_375, %add3A_386] : memref<800x16xf32, #tpu.memory_space<vmem>>[vector<16xi32>, vector<16xi32>], vector<16xf32>,
        %gather3A_388 = tpu.vector_load_idx %arg12[%add3A_375, %add3A_386] : memref<800x16xf32, #tpu.memory_space<vmem>>[vector<16xi32>, vector<16xi32>], vector<16xf32>,
        %mul3A_389 = arith.mulf %gather3A_387, %gather3A_388 : vector<16xf32>
        %add3A_390 = arith.constant 2 : i32
        %add3A_391 = vector.broadcast %add3A_390 : i32 to vector<16xi32>
        %add3A_392 = arith.addi %add3A_391, %select_n3A_12 : vector<16xi32>
        %gather3A_393 = tpu.vector_load_idx %arg11[%add3A_375, %add3A_392] : memref<800x16xf32, #tpu.memory_space<vmem>>[vector<16xi32>, vector<16xi32>], vector<16xf32>,
        %gather3A_394 = tpu.vector_load_idx %arg12[%add3A_375, %add3A_392] : memref<800x16xf32, #tpu.memory_space<vmem>>[vector<16xi32>, vector<16xi32>], vector<16xf32>,
        %mul3A_395 = arith.mulf %gather3A_393, %gather3A_394 : vector<16xf32>
        %add3A_396 = arith.addf %mul3A_389, %mul3A_395 : vector<16xf32>
        %add3A_397 = arith.constant 3 : i32
        %add3A_398 = vector.broadcast %add3A_397 : i32 to vector<16xi32>
        %add3A_399 = arith.addi %add3A_398, %select_n3A_12 : vector<16xi32>
        %gather3A_400 = tpu.vector_load_idx %arg11[%add3A_375, %add3A_399] : memref<800x16xf32, #tpu.memory_space<vmem>>[vector<16xi32>, vector<16xi32>], vector<16xf32>,
        %gather3A_401 = tpu.vector_load_idx %arg12[%add3A_375, %add3A_399] : memref<800x16xf32, #tpu.memory_space<vmem>>[vector<16xi32>, vector<16xi32>], vector<16xf32>,
        %mul3A_402 = arith.mulf %gather3A_400, %gather3A_401 : vector<16xf32>
        %add3A_403 = arith.addf %add3A_396, %mul3A_402 : vector<16xf32>
        %add3A_404 = arith.constant 4 : i32
        %add3A_405 = vector.broadcast %add3A_404 : i32 to vector<16xi32>
        %add3A_406 = arith.addi %add3A_405, %select_n3A_12 : vector<16xi32>
        %gather3A_407 = tpu.vector_load_idx %arg11[%add3A_375, %add3A_406] : memref<800x16xf32, #tpu.memory_space<vmem>>[vector<16xi32>, vector<16xi32>], vector<16xf32>,
        %gather3A_408 = tpu.vector_load_idx %arg12[%add3A_375, %add3A_406] : memref<800x16xf32, #tpu.memory_space<vmem>>[vector<16xi32>, vector<16xi32>], vector<16xf32>,
        %mul3A_409 = arith.mulf %gather3A_407, %gather3A_408 : vector<16xf32>
        %add3A_410 = arith.constant 5 : i32
        %add3A_411 = vector.broadcast %add3A_410 : i32 to vector<16xi32>
        %add3A_412 = arith.addi %add3A_411, %select_n3A_12 : vector<16xi32>
        %gather3A_413 = tpu.vector_load_idx %arg11[%add3A_375, %add3A_412] : memref<800x16xf32, #tpu.memory_space<vmem>>[vector<16xi32>, vector<16xi32>], vector<16xf32>,
        %gather3A_414 = tpu.vector_load_idx %arg12[%add3A_375, %add3A_412] : memref<800x16xf32, #tpu.memory_space<vmem>>[vector<16xi32>, vector<16xi32>], vector<16xf32>,
        %mul3A_415 = arith.mulf %gather3A_413, %gather3A_414 : vector<16xf32>
        %add3A_416 = arith.addf %mul3A_409, %mul3A_415 : vector<16xf32>
        %add3A_417 = arith.constant 6 : i32
        %add3A_418 = vector.broadcast %add3A_417 : i32 to vector<16xi32>
        %add3A_419 = arith.addi %add3A_418, %select_n3A_12 : vector<16xi32>
        %gather3A_420 = tpu.vector_load_idx %arg11[%add3A_375, %add3A_419] : memref<800x16xf32, #tpu.memory_space<vmem>>[vector<16xi32>, vector<16xi32>], vector<16xf32>,
        %gather3A_421 = tpu.vector_load_idx %arg12[%add3A_375, %add3A_419] : memref<800x16xf32, #tpu.memory_space<vmem>>[vector<16xi32>, vector<16xi32>], vector<16xf32>,
        %mul3A_422 = arith.mulf %gather3A_420, %gather3A_421 : vector<16xf32>
        %add3A_423 = arith.addf %add3A_416, %mul3A_422 : vector<16xf32>
        %add3A_424 = arith.constant 7 : i32
        %add3A_425 = vector.broadcast %add3A_424 : i32 to vector<16xi32>
        %add3A_426 = arith.addi %add3A_425, %select_n3A_12 : vector<16xi32>
        %gather3A_427 = tpu.vector_load_idx %arg11[%add3A_375, %add3A_426] : memref<800x16xf32, #tpu.memory_space<vmem>>[vector<16xi32>, vector<16xi32>], vector<16xf32>,
        %gather3A_428 = tpu.vector_load_idx %arg12[%add3A_375, %add3A_426] : memref<800x16xf32, #tpu.memory_space<vmem>>[vector<16xi32>, vector<16xi32>], vector<16xf32>,
        %mul3A_429 = arith.mulf %gather3A_427, %gather3A_428 : vector<16xf32>
        %add3A_430 = arith.addf %add3A_423, %mul3A_429 : vector<16xf32>
        %rev3A_431 = arith.constant 15 : i32
        %rev3A_432 = vector.broadcast %rev3A_431 : i32 to vector<16xi32>
        %rev3A_433 = tpu.iota {dimensions = array<i32: 0>} : vector<16xi32>
        %rev3A_434 = arith.subi %rev3A_432, %rev3A_433 : vector<16xi32>
        %rev3A_435 = tpu.dynamic_gather %mul3A_383[%rev3A_434] in [0] : vector<16xf32>, vector<16xi32> -> vector<16xf32>
        %add3A_436 = arith.addf %add3A_430, %rev3A_435 : vector<16xf32>
        %add3A_437 = arith.addf %add3A_403, %add3A_430 : vector<16xf32>
        %rev3A_438 = arith.constant 15 : i32
        %rev3A_439 = vector.broadcast %rev3A_438 : i32 to vector<16xi32>
        %rev3A_440 = tpu.iota {dimensions = array<i32: 0>} : vector<16xi32>
        %rev3A_441 = arith.subi %rev3A_439, %rev3A_440 : vector<16xi32>
        %rev3A_442 = tpu.dynamic_gather %add3A_437[%rev3A_441] in [0] : vector<16xf32>, vector<16xi32> -> vector<16xf32>
        tpu.vector_store_idx %arg17[%add3A_377], %mul3A_383 masked %lt3A_15 : memref<800xf32, #tpu.memory_space<vmem>>[vector<16xi32>], vector<16xf32>, vector<16xi1>
        tpu.vector_store_idx %arg18[%add3A_377], %add3A_403 masked %lt3A_15 : memref<800xf32, #tpu.memory_space<vmem>>[vector<16xi32>], vector<16xf32>, vector<16xi1>
        tpu.vector_store_idx %arg19[%add3A_377], %add3A_436 masked %lt3A_15 : memref<800xf32, #tpu.memory_space<vmem>>[vector<16xi32>], vector<16xf32>, vector<16xi1>
        tpu.vector_store_idx %arg20[%add3A_377], %rev3A_442 masked %lt3A_15 : memref<800xf32, #tpu.memory_space<vmem>>[vector<16xi32>], vector<16xf32>, vector<16xi1>
        %mul3A_443 = arith.constant 5 : i32
        %mul3A_444 = arith.muli %scan3A_219, %mul3A_443 : i32
        %add3A_445 = arith.constant 3 : i32
        %add3A_446 = arith.addi %mul3A_444, %add3A_445 : i32
        %mul3A_447 = arith.constant 8 : i32
        %mul3A_448 = arith.muli %add3A_446, %mul3A_447 : i32
        %add3A_449 = vector.broadcast %mul3A_448 : i32 to vector<16xi32>
        %add3A_450 = arith.addi %add3A_449, %select_n3A : vector<16xi32>
        %add3A_451 = vector.broadcast %mul3A_448 : i32 to vector<16xi32>
        %add3A_452 = arith.addi %add3A_451, %iota3A : vector<16xi32>
        %add3A_453 = arith.constant 0 : i32
        %add3A_454 = vector.broadcast %add3A_453 : i32 to vector<16xi32>
        %add3A_455 = arith.addi %add3A_454, %select_n3A_12 : vector<16xi32>
        %gather3A_456 = tpu.vector_load_idx %arg11[%add3A_450, %add3A_455] : memref<800x16xf32, #tpu.memory_space<vmem>>[vector<16xi32>, vector<16xi32>], vector<16xf32>,
        %gather3A_457 = tpu.vector_load_idx %arg12[%add3A_450, %add3A_455] : memref<800x16xf32, #tpu.memory_space<vmem>>[vector<16xi32>, vector<16xi32>], vector<16xf32>,
        %mul3A_458 = arith.mulf %gather3A_456, %gather3A_457 : vector<16xf32>
        %add3A_459 = arith.constant 1 : i32
        %add3A_460 = vector.broadcast %add3A_459 : i32 to vector<16xi32>
        %add3A_461 = arith.addi %add3A_460, %select_n3A_12 : vector<16xi32>
        %gather3A_462 = tpu.vector_load_idx %arg11[%add3A_450, %add3A_461] : memref<800x16xf32, #tpu.memory_space<vmem>>[vector<16xi32>, vector<16xi32>], vector<16xf32>,
        %gather3A_463 = tpu.vector_load_idx %arg12[%add3A_450, %add3A_461] : memref<800x16xf32, #tpu.memory_space<vmem>>[vector<16xi32>, vector<16xi32>], vector<16xf32>,
        %mul3A_464 = arith.mulf %gather3A_462, %gather3A_463 : vector<16xf32>
        %add3A_465 = arith.constant 2 : i32
        %add3A_466 = vector.broadcast %add3A_465 : i32 to vector<16xi32>
        %add3A_467 = arith.addi %add3A_466, %select_n3A_12 : vector<16xi32>
        %gather3A_468 = tpu.vector_load_idx %arg11[%add3A_450, %add3A_467] : memref<800x16xf32, #tpu.memory_space<vmem>>[vector<16xi32>, vector<16xi32>], vector<16xf32>,
        %gather3A_469 = tpu.vector_load_idx %arg12[%add3A_450, %add3A_467] : memref<800x16xf32, #tpu.memory_space<vmem>>[vector<16xi32>, vector<16xi32>], vector<16xf32>,
        %mul3A_470 = arith.mulf %gather3A_468, %gather3A_469 : vector<16xf32>
        %add3A_471 = arith.addf %mul3A_464, %mul3A_470 : vector<16xf32>
        %add3A_472 = arith.constant 3 : i32
        %add3A_473 = vector.broadcast %add3A_472 : i32 to vector<16xi32>
        %add3A_474 = arith.addi %add3A_473, %select_n3A_12 : vector<16xi32>
        %gather3A_475 = tpu.vector_load_idx %arg11[%add3A_450, %add3A_474] : memref<800x16xf32, #tpu.memory_space<vmem>>[vector<16xi32>, vector<16xi32>], vector<16xf32>,
        %gather3A_476 = tpu.vector_load_idx %arg12[%add3A_450, %add3A_474] : memref<800x16xf32, #tpu.memory_space<vmem>>[vector<16xi32>, vector<16xi32>], vector<16xf32>,
        %mul3A_477 = arith.mulf %gather3A_475, %gather3A_476 : vector<16xf32>
        %add3A_478 = arith.addf %add3A_471, %mul3A_477 : vector<16xf32>
        %add3A_479 = arith.constant 4 : i32
        %add3A_480 = vector.broadcast %add3A_479 : i32 to vector<16xi32>
        %add3A_481 = arith.addi %add3A_480, %select_n3A_12 : vector<16xi32>
        %gather3A_482 = tpu.vector_load_idx %arg11[%add3A_450, %add3A_481] : memref<800x16xf32, #tpu.memory_space<vmem>>[vector<16xi32>, vector<16xi32>], vector<16xf32>,
        %gather3A_483 = tpu.vector_load_idx %arg12[%add3A_450, %add3A_481] : memref<800x16xf32, #tpu.memory_space<vmem>>[vector<16xi32>, vector<16xi32>], vector<16xf32>,
        %mul3A_484 = arith.mulf %gather3A_482, %gather3A_483 : vector<16xf32>
        %add3A_485 = arith.constant 5 : i32
        %add3A_486 = vector.broadcast %add3A_485 : i32 to vector<16xi32>
        %add3A_487 = arith.addi %add3A_486, %select_n3A_12 : vector<16xi32>
        %gather3A_488 = tpu.vector_load_idx %arg11[%add3A_450, %add3A_487] : memref<800x16xf32, #tpu.memory_space<vmem>>[vector<16xi32>, vector<16xi32>], vector<16xf32>,
        %gather3A_489 = tpu.vector_load_idx %arg12[%add3A_450, %add3A_487] : memref<800x16xf32, #tpu.memory_space<vmem>>[vector<16xi32>, vector<16xi32>], vector<16xf32>,
        %mul3A_490 = arith.mulf %gather3A_488, %gather3A_489 : vector<16xf32>
        %add3A_491 = arith.addf %mul3A_484, %mul3A_490 : vector<16xf32>
        %add3A_492 = arith.constant 6 : i32
        %add3A_493 = vector.broadcast %add3A_492 : i32 to vector<16xi32>
        %add3A_494 = arith.addi %add3A_493, %select_n3A_12 : vector<16xi32>
        %gather3A_495 = tpu.vector_load_idx %arg11[%add3A_450, %add3A_494] : memref<800x16xf32, #tpu.memory_space<vmem>>[vector<16xi32>, vector<16xi32>], vector<16xf32>,
        %gather3A_496 = tpu.vector_load_idx %arg12[%add3A_450, %add3A_494] : memref<800x16xf32, #tpu.memory_space<vmem>>[vector<16xi32>, vector<16xi32>], vector<16xf32>,
        %mul3A_497 = arith.mulf %gather3A_495, %gather3A_496 : vector<16xf32>
        %add3A_498 = arith.addf %add3A_491, %mul3A_497 : vector<16xf32>
        %add3A_499 = arith.constant 7 : i32
        %add3A_500 = vector.broadcast %add3A_499 : i32 to vector<16xi32>
        %add3A_501 = arith.addi %add3A_500, %select_n3A_12 : vector<16xi32>
        %gather3A_502 = tpu.vector_load_idx %arg11[%add3A_450, %add3A_501] : memref<800x16xf32, #tpu.memory_space<vmem>>[vector<16xi32>, vector<16xi32>], vector<16xf32>,
        %gather3A_503 = tpu.vector_load_idx %arg12[%add3A_450, %add3A_501] : memref<800x16xf32, #tpu.memory_space<vmem>>[vector<16xi32>, vector<16xi32>], vector<16xf32>,
        %mul3A_504 = arith.mulf %gather3A_502, %gather3A_503 : vector<16xf32>
        %add3A_505 = arith.addf %add3A_498, %mul3A_504 : vector<16xf32>
        %rev3A_506 = arith.constant 15 : i32
        %rev3A_507 = vector.broadcast %rev3A_506 : i32 to vector<16xi32>
        %rev3A_508 = tpu.iota {dimensions = array<i32: 0>} : vector<16xi32>
        %rev3A_509 = arith.subi %rev3A_507, %rev3A_508 : vector<16xi32>
        %rev3A_510 = tpu.dynamic_gather %mul3A_458[%rev3A_509] in [0] : vector<16xf32>, vector<16xi32> -> vector<16xf32>
        %add3A_511 = arith.addf %add3A_505, %rev3A_510 : vector<16xf32>
        %add3A_512 = arith.addf %add3A_478, %add3A_505 : vector<16xf32>
        %rev3A_513 = arith.constant 15 : i32
        %rev3A_514 = vector.broadcast %rev3A_513 : i32 to vector<16xi32>
        %rev3A_515 = tpu.iota {dimensions = array<i32: 0>} : vector<16xi32>
        %rev3A_516 = arith.subi %rev3A_514, %rev3A_515 : vector<16xi32>
        %rev3A_517 = tpu.dynamic_gather %add3A_512[%rev3A_516] in [0] : vector<16xf32>, vector<16xi32> -> vector<16xf32>
        tpu.vector_store_idx %arg17[%add3A_452], %mul3A_458 masked %lt3A_15 : memref<800xf32, #tpu.memory_space<vmem>>[vector<16xi32>], vector<16xf32>, vector<16xi1>
        tpu.vector_store_idx %arg18[%add3A_452], %add3A_478 masked %lt3A_15 : memref<800xf32, #tpu.memory_space<vmem>>[vector<16xi32>], vector<16xf32>, vector<16xi1>
        tpu.vector_store_idx %arg19[%add3A_452], %add3A_511 masked %lt3A_15 : memref<800xf32, #tpu.memory_space<vmem>>[vector<16xi32>], vector<16xf32>, vector<16xi1>
        tpu.vector_store_idx %arg20[%add3A_452], %rev3A_517 masked %lt3A_15 : memref<800xf32, #tpu.memory_space<vmem>>[vector<16xi32>], vector<16xf32>, vector<16xi1>
        %mul3A_518 = arith.constant 5 : i32
        %mul3A_519 = arith.muli %scan3A_219, %mul3A_518 : i32
        %add3A_520 = arith.constant 4 : i32
        %add3A_521 = arith.addi %mul3A_519, %add3A_520 : i32
        %mul3A_522 = arith.constant 8 : i32
        %mul3A_523 = arith.muli %add3A_521, %mul3A_522 : i32
        %add3A_524 = vector.broadcast %mul3A_523 : i32 to vector<16xi32>
        %add3A_525 = arith.addi %add3A_524, %select_n3A : vector<16xi32>
        %add3A_526 = vector.broadcast %mul3A_523 : i32 to vector<16xi32>
        %add3A_527 = arith.addi %add3A_526, %iota3A : vector<16xi32>
        %add3A_528 = arith.constant 0 : i32
        %add3A_529 = vector.broadcast %add3A_528 : i32 to vector<16xi32>
        %add3A_530 = arith.addi %add3A_529, %select_n3A_12 : vector<16xi32>
        %gather3A_531 = tpu.vector_load_idx %arg11[%add3A_525, %add3A_530] : memref<800x16xf32, #tpu.memory_space<vmem>>[vector<16xi32>, vector<16xi32>], vector<16xf32>,
        %gather3A_532 = tpu.vector_load_idx %arg12[%add3A_525, %add3A_530] : memref<800x16xf32, #tpu.memory_space<vmem>>[vector<16xi32>, vector<16xi32>], vector<16xf32>,
        %mul3A_533 = arith.mulf %gather3A_531, %gather3A_532 : vector<16xf32>
        %add3A_534 = arith.constant 1 : i32
        %add3A_535 = vector.broadcast %add3A_534 : i32 to vector<16xi32>
        %add3A_536 = arith.addi %add3A_535, %select_n3A_12 : vector<16xi32>
        %gather3A_537 = tpu.vector_load_idx %arg11[%add3A_525, %add3A_536] : memref<800x16xf32, #tpu.memory_space<vmem>>[vector<16xi32>, vector<16xi32>], vector<16xf32>,
        %gather3A_538 = tpu.vector_load_idx %arg12[%add3A_525, %add3A_536] : memref<800x16xf32, #tpu.memory_space<vmem>>[vector<16xi32>, vector<16xi32>], vector<16xf32>,
        %mul3A_539 = arith.mulf %gather3A_537, %gather3A_538 : vector<16xf32>
        %add3A_540 = arith.constant 2 : i32
        %add3A_541 = vector.broadcast %add3A_540 : i32 to vector<16xi32>
        %add3A_542 = arith.addi %add3A_541, %select_n3A_12 : vector<16xi32>
        %gather3A_543 = tpu.vector_load_idx %arg11[%add3A_525, %add3A_542] : memref<800x16xf32, #tpu.memory_space<vmem>>[vector<16xi32>, vector<16xi32>], vector<16xf32>,
        %gather3A_544 = tpu.vector_load_idx %arg12[%add3A_525, %add3A_542] : memref<800x16xf32, #tpu.memory_space<vmem>>[vector<16xi32>, vector<16xi32>], vector<16xf32>,
        %mul3A_545 = arith.mulf %gather3A_543, %gather3A_544 : vector<16xf32>
        %add3A_546 = arith.addf %mul3A_539, %mul3A_545 : vector<16xf32>
        %add3A_547 = arith.constant 3 : i32
        %add3A_548 = vector.broadcast %add3A_547 : i32 to vector<16xi32>
        %add3A_549 = arith.addi %add3A_548, %select_n3A_12 : vector<16xi32>
        %gather3A_550 = tpu.vector_load_idx %arg11[%add3A_525, %add3A_549] : memref<800x16xf32, #tpu.memory_space<vmem>>[vector<16xi32>, vector<16xi32>], vector<16xf32>,
        %gather3A_551 = tpu.vector_load_idx %arg12[%add3A_525, %add3A_549] : memref<800x16xf32, #tpu.memory_space<vmem>>[vector<16xi32>, vector<16xi32>], vector<16xf32>,
        %mul3A_552 = arith.mulf %gather3A_550, %gather3A_551 : vector<16xf32>
        %add3A_553 = arith.addf %add3A_546, %mul3A_552 : vector<16xf32>
        %add3A_554 = arith.constant 4 : i32
        %add3A_555 = vector.broadcast %add3A_554 : i32 to vector<16xi32>
        %add3A_556 = arith.addi %add3A_555, %select_n3A_12 : vector<16xi32>
        %gather3A_557 = tpu.vector_load_idx %arg11[%add3A_525, %add3A_556] : memref<800x16xf32, #tpu.memory_space<vmem>>[vector<16xi32>, vector<16xi32>], vector<16xf32>,
        %gather3A_558 = tpu.vector_load_idx %arg12[%add3A_525, %add3A_556] : memref<800x16xf32, #tpu.memory_space<vmem>>[vector<16xi32>, vector<16xi32>], vector<16xf32>,
        %mul3A_559 = arith.mulf %gather3A_557, %gather3A_558 : vector<16xf32>
        %add3A_560 = arith.constant 5 : i32
        %add3A_561 = vector.broadcast %add3A_560 : i32 to vector<16xi32>
        %add3A_562 = arith.addi %add3A_561, %select_n3A_12 : vector<16xi32>
        %gather3A_563 = tpu.vector_load_idx %arg11[%add3A_525, %add3A_562] : memref<800x16xf32, #tpu.memory_space<vmem>>[vector<16xi32>, vector<16xi32>], vector<16xf32>,
        %gather3A_564 = tpu.vector_load_idx %arg12[%add3A_525, %add3A_562] : memref<800x16xf32, #tpu.memory_space<vmem>>[vector<16xi32>, vector<16xi32>], vector<16xf32>,
        %mul3A_565 = arith.mulf %gather3A_563, %gather3A_564 : vector<16xf32>
        %add3A_566 = arith.addf %mul3A_559, %mul3A_565 : vector<16xf32>
        %add3A_567 = arith.constant 6 : i32
        %add3A_568 = vector.broadcast %add3A_567 : i32 to vector<16xi32>
        %add3A_569 = arith.addi %add3A_568, %select_n3A_12 : vector<16xi32>
        %gather3A_570 = tpu.vector_load_idx %arg11[%add3A_525, %add3A_569] : memref<800x16xf32, #tpu.memory_space<vmem>>[vector<16xi32>, vector<16xi32>], vector<16xf32>,
        %gather3A_571 = tpu.vector_load_idx %arg12[%add3A_525, %add3A_569] : memref<800x16xf32, #tpu.memory_space<vmem>>[vector<16xi32>, vector<16xi32>], vector<16xf32>,
        %mul3A_572 = arith.mulf %gather3A_570, %gather3A_571 : vector<16xf32>
        %add3A_573 = arith.addf %add3A_566, %mul3A_572 : vector<16xf32>
        %add3A_574 = arith.constant 7 : i32
        %add3A_575 = vector.broadcast %add3A_574 : i32 to vector<16xi32>
        %add3A_576 = arith.addi %add3A_575, %select_n3A_12 : vector<16xi32>
        %gather3A_577 = tpu.vector_load_idx %arg11[%add3A_525, %add3A_576] : memref<800x16xf32, #tpu.memory_space<vmem>>[vector<16xi32>, vector<16xi32>], vector<16xf32>,
        %gather3A_578 = tpu.vector_load_idx %arg12[%add3A_525, %add3A_576] : memref<800x16xf32, #tpu.memory_space<vmem>>[vector<16xi32>, vector<16xi32>], vector<16xf32>,
        %mul3A_579 = arith.mulf %gather3A_577, %gather3A_578 : vector<16xf32>
        %add3A_580 = arith.addf %add3A_573, %mul3A_579 : vector<16xf32>
        %rev3A_581 = arith.constant 15 : i32
        %rev3A_582 = vector.broadcast %rev3A_581 : i32 to vector<16xi32>
        %rev3A_583 = tpu.iota {dimensions = array<i32: 0>} : vector<16xi32>
        %rev3A_584 = arith.subi %rev3A_582, %rev3A_583 : vector<16xi32>
        %rev3A_585 = tpu.dynamic_gather %mul3A_533[%rev3A_584] in [0] : vector<16xf32>, vector<16xi32> -> vector<16xf32>
        %add3A_586 = arith.addf %add3A_580, %rev3A_585 : vector<16xf32>
        %add3A_587 = arith.addf %add3A_553, %add3A_580 : vector<16xf32>
        %rev3A_588 = arith.constant 15 : i32
        %rev3A_589 = vector.broadcast %rev3A_588 : i32 to vector<16xi32>
        %rev3A_590 = tpu.iota {dimensions = array<i32: 0>} : vector<16xi32>
        %rev3A_591 = arith.subi %rev3A_589, %rev3A_590 : vector<16xi32>
        %rev3A_592 = tpu.dynamic_gather %add3A_587[%rev3A_591] in [0] : vector<16xf32>, vector<16xi32> -> vector<16xf32>
        tpu.vector_store_idx %arg17[%add3A_527], %mul3A_533 masked %lt3A_15 : memref<800xf32, #tpu.memory_space<vmem>>[vector<16xi32>], vector<16xf32>, vector<16xi1>
        tpu.vector_store_idx %arg18[%add3A_527], %add3A_553 masked %lt3A_15 : memref<800xf32, #tpu.memory_space<vmem>>[vector<16xi32>], vector<16xf32>, vector<16xi1>
        tpu.vector_store_idx %arg19[%add3A_527], %add3A_586 masked %lt3A_15 : memref<800xf32, #tpu.memory_space<vmem>>[vector<16xi32>], vector<16xf32>, vector<16xi1>
        tpu.vector_store_idx %arg20[%add3A_527], %rev3A_592 masked %lt3A_15 : memref<800xf32, #tpu.memory_space<vmem>>[vector<16xi32>], vector<16xf32>, vector<16xi1>
      }
      %scan3A_154 = arith.constant 20 : i32
      %mul3A_155 = arith.constant 800 : i32
      %mul3A_156 = arith.muli %mul3A_117, %mul3A_155 : i32
      %add3A_157 = arith.addi %mul3A_2, %mul3A_156 : i32
      %dma_start3A_158 = tpu.memref_slice %arg5[%add3A_157] : memref<3200000xf32, #tpu.memory_space<hbm>> -> memref<800xf32, #tpu.memory_space<hbm>>
      %dma_start3A_159 = tpu.memref_slice %arg5[%add3A_157] : memref<3200000xf32, #tpu.memory_space<hbm>> -> memref<800xf32, #tpu.memory_space<hbm>>
      tpu.enqueue_dma source(%arg17 : memref<800xf32, #tpu.memory_space<vmem>>) target(%dma_start3A_159 : memref<800xf32, #tpu.memory_space<hbm>>) target_semaphore(%arg29 : memref<!tpu.dma_semaphore, #tpu.memory_space<semaphore_mem>>)
      %dma_start3A_160 = tpu.memref_slice %arg6[%add3A_157] : memref<3200000xf32, #tpu.memory_space<hbm>> -> memref<800xf32, #tpu.memory_space<hbm>>
      %dma_start3A_161 = tpu.memref_slice %arg6[%add3A_157] : memref<3200000xf32, #tpu.memory_space<hbm>> -> memref<800xf32, #tpu.memory_space<hbm>>
      tpu.enqueue_dma source(%arg18 : memref<800xf32, #tpu.memory_space<vmem>>) target(%dma_start3A_161 : memref<800xf32, #tpu.memory_space<hbm>>) target_semaphore(%arg29 : memref<!tpu.dma_semaphore, #tpu.memory_space<semaphore_mem>>)
      %dma_start3A_162 = tpu.memref_slice %arg7[%add3A_157] : memref<3200000xf32, #tpu.memory_space<hbm>> -> memref<800xf32, #tpu.memory_space<hbm>>
      %dma_start3A_163 = tpu.memref_slice %arg7[%add3A_157] : memref<3200000xf32, #tpu.memory_space<hbm>> -> memref<800xf32, #tpu.memory_space<hbm>>
      tpu.enqueue_dma source(%arg19 : memref<800xf32, #tpu.memory_space<vmem>>) target(%dma_start3A_163 : memref<800xf32, #tpu.memory_space<hbm>>) target_semaphore(%arg29 : memref<!tpu.dma_semaphore, #tpu.memory_space<semaphore_mem>>)
      %dma_start3A_164 = tpu.memref_slice %arg8[%add3A_157] : memref<3200000xf32, #tpu.memory_space<hbm>> -> memref<800xf32, #tpu.memory_space<hbm>>
      %dma_start3A_165 = tpu.memref_slice %arg8[%add3A_157] : memref<3200000xf32, #tpu.memory_space<hbm>> -> memref<800xf32, #tpu.memory_space<hbm>>
      tpu.enqueue_dma source(%arg20 : memref<800xf32, #tpu.memory_space<vmem>>) target(%dma_start3A_165 : memref<800xf32, #tpu.memory_space<hbm>>) target_semaphore(%arg29 : memref<!tpu.dma_semaphore, #tpu.memory_space<semaphore_mem>>)
      %dma_wait3A_166 = arith.constant 0 : i32
      %dma_wait3A_167 = tpu.memref_slice %arg2[%dma_wait3A_166] : memref<3200000xi32, #tpu.memory_space<hbm>> -> memref<800xi32, #tpu.memory_space<hbm>>
      %dma_wait3A_168 = arith.constant 0 : i32
      %dma_wait3A_169 = tpu.memref_slice %arg2[%dma_wait3A_168] : memref<3200000xi32, #tpu.memory_space<hbm>> -> memref<800xi32, #tpu.memory_space<hbm>>
      tpu.wait_dma2 semaphore(%arg25 : memref<!tpu.dma_semaphore, #tpu.memory_space<semaphore_mem>>) src(%dma_wait3A_169 : memref<800xi32, #tpu.memory_space<hbm>>) dst(%arg9 : memref<800xi32, #tpu.memory_space<vmem>>)
      %dma_wait3A_170 = arith.constant 0 : i32
      %dma_wait3A_171 = tpu.memref_slice %arg3[%dma_wait3A_170] : memref<3200000xi32, #tpu.memory_space<hbm>> -> memref<800xi32, #tpu.memory_space<hbm>>
      %dma_wait3A_172 = arith.constant 0 : i32
      %dma_wait3A_173 = tpu.memref_slice %arg3[%dma_wait3A_172] : memref<3200000xi32, #tpu.memory_space<hbm>> -> memref<800xi32, #tpu.memory_space<hbm>>
      tpu.wait_dma2 semaphore(%arg25 : memref<!tpu.dma_semaphore, #tpu.memory_space<semaphore_mem>>) src(%dma_wait3A_173 : memref<800xi32, #tpu.memory_space<hbm>>) dst(%arg10 : memref<800xi32, #tpu.memory_space<vmem>>)
      %dma_start3A_174 = arith.constant 0 : i32
      %dma_start3A_175 = arith.constant 0 : i32
      %dma_start3A_176 = tpu.memref_slice %arg4[%dma_start3A_174, %dma_start3A_175] : memref<100000x16xf32, #tpu.memory_space<hbm>> -> memref<100000x16xf32, #tpu.memory_space<hbm>>
      tpu.enqueue_indirect_dma source(%dma_start3A_176 : memref<100000x16xf32, #tpu.memory_space<hbm>>) target(%arg11 : memref<800x16xf32, #tpu.memory_space<vmem>>) offsets(%arg9 : memref<800xi32, #tpu.memory_space<vmem>>) semaphore(%arg27 : memref<!tpu.dma_semaphore, #tpu.memory_space<semaphore_mem>>)
      %dma_start3A_177 = arith.constant 0 : i32
      %dma_start3A_178 = arith.constant 0 : i32
      %dma_start3A_179 = tpu.memref_slice %arg4[%dma_start3A_177, %dma_start3A_178] : memref<100000x16xf32, #tpu.memory_space<hbm>> -> memref<100000x16xf32, #tpu.memory_space<hbm>>
      tpu.enqueue_indirect_dma source(%dma_start3A_179 : memref<100000x16xf32, #tpu.memory_space<hbm>>) target(%arg12 : memref<800x16xf32, #tpu.memory_space<vmem>>) offsets(%arg10 : memref<800xi32, #tpu.memory_space<vmem>>) semaphore(%arg27 : memref<!tpu.dma_semaphore, #tpu.memory_space<semaphore_mem>>)
      %dma_wait3A_180 = arith.constant 0 : i32
      %dma_wait3A_181 = arith.constant 0 : i32
      %dma_wait3A_182 = tpu.memref_slice %arg4[%dma_wait3A_180, %dma_wait3A_181] : memref<100000x16xf32, #tpu.memory_space<hbm>> -> memref<100000x16xf32, #tpu.memory_space<hbm>>
      tpu.wait_indirect_dma semaphore(%arg28 : memref<!tpu.dma_semaphore, #tpu.memory_space<semaphore_mem>>) src(%dma_wait3A_182 : memref<100000x16xf32, #tpu.memory_space<hbm>>) dst(%arg15 : memref<800x16xf32, #tpu.memory_space<vmem>>)
      %dma_wait3A_183 = arith.constant 0 : i32
      %dma_wait3A_184 = arith.constant 0 : i32
      %dma_wait3A_185 = tpu.memref_slice %arg4[%dma_wait3A_183, %dma_wait3A_184] : memref<100000x16xf32, #tpu.memory_space<hbm>> -> memref<100000x16xf32, #tpu.memory_space<hbm>>
      tpu.wait_indirect_dma semaphore(%arg28 : memref<!tpu.dma_semaphore, #tpu.memory_space<semaphore_mem>>) src(%dma_wait3A_185 : memref<100000x16xf32, #tpu.memory_space<hbm>>) dst(%arg16 : memref<800x16xf32, #tpu.memory_space<vmem>>)
      %mul3A_186 = arith.constant 2 : i32
      %mul3A_187 = arith.muli %mul3A_186, %scan3A_115 : i32
      %add3A_188 = arith.constant 3 : i32
      %add3A_189 = arith.addi %mul3A_187, %add3A_188 : i32
      %lt3A_190 = arith.constant 125 : i32
      %lt3A_191 = arith.cmpi slt, %add3A_189, %lt3A_190 : i32
      %convert_element_type3A_192 = arith.extui %lt3A_191 : i1 to i32
      %cond3A_193 = arith.constant 0 : i32
      %cond3A_194 = arith.cmpi ne, %convert_element_type3A_192, %cond3A_193 : i32
      scf.if %cond3A_194 {
        %add3A_219 = arith.constant 3 : i32
        %add3A_220 = arith.addi %mul3A_117, %add3A_219 : i32
        %mul3A_221 = arith.constant 800 : i32
        %mul3A_222 = arith.muli %add3A_220, %mul3A_221 : i32
        %add3A_223 = arith.addi %mul3A_2, %mul3A_222 : i32
        %dma_start3A_224 = tpu.memref_slice %arg2[%add3A_223] : memref<3200000xi32, #tpu.memory_space<hbm>> -> memref<800xi32, #tpu.memory_space<hbm>>
        %dma_start3A_225 = tpu.memref_slice %arg2[%add3A_223] : memref<3200000xi32, #tpu.memory_space<hbm>> -> memref<800xi32, #tpu.memory_space<hbm>>
        tpu.enqueue_dma source(%dma_start3A_225 : memref<800xi32, #tpu.memory_space<hbm>>) target(%arg13 : memref<800xi32, #tpu.memory_space<vmem>>) target_semaphore(%arg26 : memref<!tpu.dma_semaphore, #tpu.memory_space<semaphore_mem>>)
        %dma_start3A_226 = tpu.memref_slice %arg3[%add3A_223] : memref<3200000xi32, #tpu.memory_space<hbm>> -> memref<800xi32, #tpu.memory_space<hbm>>
        %dma_start3A_227 = tpu.memref_slice %arg3[%add3A_223] : memref<3200000xi32, #tpu.memory_space<hbm>> -> memref<800xi32, #tpu.memory_space<hbm>>
        tpu.enqueue_dma source(%dma_start3A_227 : memref<800xi32, #tpu.memory_space<hbm>>) target(%arg14 : memref<800xi32, #tpu.memory_space<vmem>>) target_semaphore(%arg26 : memref<!tpu.dma_semaphore, #tpu.memory_space<semaphore_mem>>)
      } else {
      }
      %gt3A_195 = arith.constant 0 : i32
      %gt3A_196 = arith.cmpi sgt, %scan3A_115, %gt3A_195 : i32
      %convert_element_type3A_197 = arith.extui %gt3A_196 : i1 to i32
      %cond3A_198 = arith.constant 0 : i32
      %cond3A_199 = arith.cmpi ne, %convert_element_type3A_197, %cond3A_198 : i32
      scf.if %cond3A_199 {
        %dma_wait3A_219 = arith.constant 0 : i32
        %dma_wait3A_220 = tpu.memref_slice %arg5[%dma_wait3A_219] : memref<3200000xf32, #tpu.memory_space<hbm>> -> memref<800xf32, #tpu.memory_space<hbm>>
        %dma_wait3A_221 = arith.constant 0 : i32
        %dma_wait3A_222 = tpu.memref_slice %arg5[%dma_wait3A_221] : memref<3200000xf32, #tpu.memory_space<hbm>> -> memref<800xf32, #tpu.memory_space<hbm>>
        tpu.wait_dma2 semaphore(%arg30 : memref<!tpu.dma_semaphore, #tpu.memory_space<semaphore_mem>>) src(%arg21 : memref<800xf32, #tpu.memory_space<vmem>>) dst(%dma_wait3A_222 : memref<800xf32, #tpu.memory_space<hbm>>)
        %dma_wait3A_223 = arith.constant 0 : i32
        %dma_wait3A_224 = tpu.memref_slice %arg6[%dma_wait3A_223] : memref<3200000xf32, #tpu.memory_space<hbm>> -> memref<800xf32, #tpu.memory_space<hbm>>
        %dma_wait3A_225 = arith.constant 0 : i32
        %dma_wait3A_226 = tpu.memref_slice %arg6[%dma_wait3A_225] : memref<3200000xf32, #tpu.memory_space<hbm>> -> memref<800xf32, #tpu.memory_space<hbm>>
        tpu.wait_dma2 semaphore(%arg30 : memref<!tpu.dma_semaphore, #tpu.memory_space<semaphore_mem>>) src(%arg22 : memref<800xf32, #tpu.memory_space<vmem>>) dst(%dma_wait3A_226 : memref<800xf32, #tpu.memory_space<hbm>>)
        %dma_wait3A_227 = arith.constant 0 : i32
        %dma_wait3A_228 = tpu.memref_slice %arg7[%dma_wait3A_227] : memref<3200000xf32, #tpu.memory_space<hbm>> -> memref<800xf32, #tpu.memory_space<hbm>>
        %dma_wait3A_229 = arith.constant 0 : i32
        %dma_wait3A_230 = tpu.memref_slice %arg7[%dma_wait3A_229] : memref<3200000xf32, #tpu.memory_space<hbm>> -> memref<800xf32, #tpu.memory_space<hbm>>
        tpu.wait_dma2 semaphore(%arg30 : memref<!tpu.dma_semaphore, #tpu.memory_space<semaphore_mem>>) src(%arg23 : memref<800xf32, #tpu.memory_space<vmem>>) dst(%dma_wait3A_230 : memref<800xf32, #tpu.memory_space<hbm>>)
        %dma_wait3A_231 = arith.constant 0 : i32
        %dma_wait3A_232 = tpu.memref_slice %arg8[%dma_wait3A_231] : memref<3200000xf32, #tpu.memory_space<hbm>> -> memref<800xf32, #tpu.memory_space<hbm>>
        %dma_wait3A_233 = arith.constant 0 : i32
        %dma_wait3A_234 = tpu.memref_slice %arg8[%dma_wait3A_233] : memref<3200000xf32, #tpu.memory_space<hbm>> -> memref<800xf32, #tpu.memory_space<hbm>>
        tpu.wait_dma2 semaphore(%arg30 : memref<!tpu.dma_semaphore, #tpu.memory_space<semaphore_mem>>) src(%arg24 : memref<800xf32, #tpu.memory_space<vmem>>) dst(%dma_wait3A_234 : memref<800xf32, #tpu.memory_space<hbm>>)
      } else {
      }
      %add3A_200 = arith.constant 1 : i32
      %add3A_201 = arith.addi %mul3A_117, %add3A_200 : i32
      %scan3A_202 = arith.constant 0 : i32
      %scan3A_203 = arith.constant 0 : i32
      %scan3A_204 = arith.constant 20 : i32
      %scan3A_205 = arith.addi %scan3A_203, %scan3A_204 : i32
      %scan3A_206 = arith.constant 1 : i32
      scf.for %scan3A_219 = %scan3A_203 to %scan3A_205 step %scan3A_206  : i32 {
        %mul3A_220 = arith.constant 5 : i32
        %mul3A_221 = arith.muli %scan3A_219, %mul3A_220 : i32
        %add3A_222 = arith.constant 0 : i32
        %add3A_223 = arith.addi %mul3A_221, %add3A_222 : i32
        %mul3A_224 = arith.constant 8 : i32
        %mul3A_225 = arith.muli %add3A_223, %mul3A_224 : i32
        %add3A_226 = vector.broadcast %mul3A_225 : i32 to vector<16xi32>
        %add3A_227 = arith.addi %add3A_226, %select_n3A : vector<16xi32>
        %add3A_228 = vector.broadcast %mul3A_225 : i32 to vector<16xi32>
        %add3A_229 = arith.addi %add3A_228, %iota3A : vector<16xi32>
        %add3A_230 = arith.constant 0 : i32
        %add3A_231 = vector.broadcast %add3A_230 : i32 to vector<16xi32>
        %add3A_232 = arith.addi %add3A_231, %select_n3A_12 : vector<16xi32>
        %gather3A = tpu.vector_load_idx %arg15[%add3A_227, %add3A_232] : memref<800x16xf32, #tpu.memory_space<vmem>>[vector<16xi32>, vector<16xi32>], vector<16xf32>,
        %gather3A_233 = tpu.vector_load_idx %arg16[%add3A_227, %add3A_232] : memref<800x16xf32, #tpu.memory_space<vmem>>[vector<16xi32>, vector<16xi32>], vector<16xf32>,
        %mul3A_234 = arith.mulf %gather3A, %gather3A_233 : vector<16xf32>
        %add3A_235 = arith.constant 1 : i32
        %add3A_236 = vector.broadcast %add3A_235 : i32 to vector<16xi32>
        %add3A_237 = arith.addi %add3A_236, %select_n3A_12 : vector<16xi32>
        %gather3A_238 = tpu.vector_load_idx %arg15[%add3A_227, %add3A_237] : memref<800x16xf32, #tpu.memory_space<vmem>>[vector<16xi32>, vector<16xi32>], vector<16xf32>,
        %gather3A_239 = tpu.vector_load_idx %arg16[%add3A_227, %add3A_237] : memref<800x16xf32, #tpu.memory_space<vmem>>[vector<16xi32>, vector<16xi32>], vector<16xf32>,
        %mul3A_240 = arith.mulf %gather3A_238, %gather3A_239 : vector<16xf32>
        %add3A_241 = arith.constant 2 : i32
        %add3A_242 = vector.broadcast %add3A_241 : i32 to vector<16xi32>
        %add3A_243 = arith.addi %add3A_242, %select_n3A_12 : vector<16xi32>
        %gather3A_244 = tpu.vector_load_idx %arg15[%add3A_227, %add3A_243] : memref<800x16xf32, #tpu.memory_space<vmem>>[vector<16xi32>, vector<16xi32>], vector<16xf32>,
        %gather3A_245 = tpu.vector_load_idx %arg16[%add3A_227, %add3A_243] : memref<800x16xf32, #tpu.memory_space<vmem>>[vector<16xi32>, vector<16xi32>], vector<16xf32>,
        %mul3A_246 = arith.mulf %gather3A_244, %gather3A_245 : vector<16xf32>
        %add3A_247 = arith.addf %mul3A_240, %mul3A_246 : vector<16xf32>
        %add3A_248 = arith.constant 3 : i32
        %add3A_249 = vector.broadcast %add3A_248 : i32 to vector<16xi32>
        %add3A_250 = arith.addi %add3A_249, %select_n3A_12 : vector<16xi32>
        %gather3A_251 = tpu.vector_load_idx %arg15[%add3A_227, %add3A_250] : memref<800x16xf32, #tpu.memory_space<vmem>>[vector<16xi32>, vector<16xi32>], vector<16xf32>,
        %gather3A_252 = tpu.vector_load_idx %arg16[%add3A_227, %add3A_250] : memref<800x16xf32, #tpu.memory_space<vmem>>[vector<16xi32>, vector<16xi32>], vector<16xf32>,
        %mul3A_253 = arith.mulf %gather3A_251, %gather3A_252 : vector<16xf32>
        %add3A_254 = arith.addf %add3A_247, %mul3A_253 : vector<16xf32>
        %add3A_255 = arith.constant 4 : i32
        %add3A_256 = vector.broadcast %add3A_255 : i32 to vector<16xi32>
        %add3A_257 = arith.addi %add3A_256, %select_n3A_12 : vector<16xi32>
        %gather3A_258 = tpu.vector_load_idx %arg15[%add3A_227, %add3A_257] : memref<800x16xf32, #tpu.memory_space<vmem>>[vector<16xi32>, vector<16xi32>], vector<16xf32>,
        %gather3A_259 = tpu.vector_load_idx %arg16[%add3A_227, %add3A_257] : memref<800x16xf32, #tpu.memory_space<vmem>>[vector<16xi32>, vector<16xi32>], vector<16xf32>,
        %mul3A_260 = arith.mulf %gather3A_258, %gather3A_259 : vector<16xf32>
        %add3A_261 = arith.constant 5 : i32
        %add3A_262 = vector.broadcast %add3A_261 : i32 to vector<16xi32>
        %add3A_263 = arith.addi %add3A_262, %select_n3A_12 : vector<16xi32>
        %gather3A_264 = tpu.vector_load_idx %arg15[%add3A_227, %add3A_263] : memref<800x16xf32, #tpu.memory_space<vmem>>[vector<16xi32>, vector<16xi32>], vector<16xf32>,
        %gather3A_265 = tpu.vector_load_idx %arg16[%add3A_227, %add3A_263] : memref<800x16xf32, #tpu.memory_space<vmem>>[vector<16xi32>, vector<16xi32>], vector<16xf32>,
        %mul3A_266 = arith.mulf %gather3A_264, %gather3A_265 : vector<16xf32>
        %add3A_267 = arith.addf %mul3A_260, %mul3A_266 : vector<16xf32>
        %add3A_268 = arith.constant 6 : i32
        %add3A_269 = vector.broadcast %add3A_268 : i32 to vector<16xi32>
        %add3A_270 = arith.addi %add3A_269, %select_n3A_12 : vector<16xi32>
        %gather3A_271 = tpu.vector_load_idx %arg15[%add3A_227, %add3A_270] : memref<800x16xf32, #tpu.memory_space<vmem>>[vector<16xi32>, vector<16xi32>], vector<16xf32>,
        %gather3A_272 = tpu.vector_load_idx %arg16[%add3A_227, %add3A_270] : memref<800x16xf32, #tpu.memory_space<vmem>>[vector<16xi32>, vector<16xi32>], vector<16xf32>,
        %mul3A_273 = arith.mulf %gather3A_271, %gather3A_272 : vector<16xf32>
        %add3A_274 = arith.addf %add3A_267, %mul3A_273 : vector<16xf32>
        %add3A_275 = arith.constant 7 : i32
        %add3A_276 = vector.broadcast %add3A_275 : i32 to vector<16xi32>
        %add3A_277 = arith.addi %add3A_276, %select_n3A_12 : vector<16xi32>
        %gather3A_278 = tpu.vector_load_idx %arg15[%add3A_227, %add3A_277] : memref<800x16xf32, #tpu.memory_space<vmem>>[vector<16xi32>, vector<16xi32>], vector<16xf32>,
        %gather3A_279 = tpu.vector_load_idx %arg16[%add3A_227, %add3A_277] : memref<800x16xf32, #tpu.memory_space<vmem>>[vector<16xi32>, vector<16xi32>], vector<16xf32>,
        %mul3A_280 = arith.mulf %gather3A_278, %gather3A_279 : vector<16xf32>
        %add3A_281 = arith.addf %add3A_274, %mul3A_280 : vector<16xf32>
        %rev3A = arith.constant 15 : i32
        %rev3A_282 = vector.broadcast %rev3A : i32 to vector<16xi32>
        %rev3A_283 = tpu.iota {dimensions = array<i32: 0>} : vector<16xi32>
        %rev3A_284 = arith.subi %rev3A_282, %rev3A_283 : vector<16xi32>
        %rev3A_285 = tpu.dynamic_gather %mul3A_234[%rev3A_284] in [0] : vector<16xf32>, vector<16xi32> -> vector<16xf32>
        %add3A_286 = arith.addf %add3A_281, %rev3A_285 : vector<16xf32>
        %add3A_287 = arith.addf %add3A_254, %add3A_281 : vector<16xf32>
        %rev3A_288 = arith.constant 15 : i32
        %rev3A_289 = vector.broadcast %rev3A_288 : i32 to vector<16xi32>
        %rev3A_290 = tpu.iota {dimensions = array<i32: 0>} : vector<16xi32>
        %rev3A_291 = arith.subi %rev3A_289, %rev3A_290 : vector<16xi32>
        %rev3A_292 = tpu.dynamic_gather %add3A_287[%rev3A_291] in [0] : vector<16xf32>, vector<16xi32> -> vector<16xf32>
        tpu.vector_store_idx %arg21[%add3A_229], %mul3A_234 masked %lt3A_15 : memref<800xf32, #tpu.memory_space<vmem>>[vector<16xi32>], vector<16xf32>, vector<16xi1>
        tpu.vector_store_idx %arg22[%add3A_229], %add3A_254 masked %lt3A_15 : memref<800xf32, #tpu.memory_space<vmem>>[vector<16xi32>], vector<16xf32>, vector<16xi1>
        tpu.vector_store_idx %arg23[%add3A_229], %add3A_286 masked %lt3A_15 : memref<800xf32, #tpu.memory_space<vmem>>[vector<16xi32>], vector<16xf32>, vector<16xi1>
        tpu.vector_store_idx %arg24[%add3A_229], %rev3A_292 masked %lt3A_15 : memref<800xf32, #tpu.memory_space<vmem>>[vector<16xi32>], vector<16xf32>, vector<16xi1>
        %mul3A_293 = arith.constant 5 : i32
        %mul3A_294 = arith.muli %scan3A_219, %mul3A_293 : i32
        %add3A_295 = arith.constant 1 : i32
        %add3A_296 = arith.addi %mul3A_294, %add3A_295 : i32
        %mul3A_297 = arith.constant 8 : i32
        %mul3A_298 = arith.muli %add3A_296, %mul3A_297 : i32
        %add3A_299 = vector.broadcast %mul3A_298 : i32 to vector<16xi32>
        %add3A_300 = arith.addi %add3A_299, %select_n3A : vector<16xi32>
        %add3A_301 = vector.broadcast %mul3A_298 : i32 to vector<16xi32>
        %add3A_302 = arith.addi %add3A_301, %iota3A : vector<16xi32>
        %add3A_303 = arith.constant 0 : i32
        %add3A_304 = vector.broadcast %add3A_303 : i32 to vector<16xi32>
        %add3A_305 = arith.addi %add3A_304, %select_n3A_12 : vector<16xi32>
        %gather3A_306 = tpu.vector_load_idx %arg15[%add3A_300, %add3A_305] : memref<800x16xf32, #tpu.memory_space<vmem>>[vector<16xi32>, vector<16xi32>], vector<16xf32>,
        %gather3A_307 = tpu.vector_load_idx %arg16[%add3A_300, %add3A_305] : memref<800x16xf32, #tpu.memory_space<vmem>>[vector<16xi32>, vector<16xi32>], vector<16xf32>,
        %mul3A_308 = arith.mulf %gather3A_306, %gather3A_307 : vector<16xf32>
        %add3A_309 = arith.constant 1 : i32
        %add3A_310 = vector.broadcast %add3A_309 : i32 to vector<16xi32>
        %add3A_311 = arith.addi %add3A_310, %select_n3A_12 : vector<16xi32>
        %gather3A_312 = tpu.vector_load_idx %arg15[%add3A_300, %add3A_311] : memref<800x16xf32, #tpu.memory_space<vmem>>[vector<16xi32>, vector<16xi32>], vector<16xf32>,
        %gather3A_313 = tpu.vector_load_idx %arg16[%add3A_300, %add3A_311] : memref<800x16xf32, #tpu.memory_space<vmem>>[vector<16xi32>, vector<16xi32>], vector<16xf32>,
        %mul3A_314 = arith.mulf %gather3A_312, %gather3A_313 : vector<16xf32>
        %add3A_315 = arith.constant 2 : i32
        %add3A_316 = vector.broadcast %add3A_315 : i32 to vector<16xi32>
        %add3A_317 = arith.addi %add3A_316, %select_n3A_12 : vector<16xi32>
        %gather3A_318 = tpu.vector_load_idx %arg15[%add3A_300, %add3A_317] : memref<800x16xf32, #tpu.memory_space<vmem>>[vector<16xi32>, vector<16xi32>], vector<16xf32>,
        %gather3A_319 = tpu.vector_load_idx %arg16[%add3A_300, %add3A_317] : memref<800x16xf32, #tpu.memory_space<vmem>>[vector<16xi32>, vector<16xi32>], vector<16xf32>,
        %mul3A_320 = arith.mulf %gather3A_318, %gather3A_319 : vector<16xf32>
        %add3A_321 = arith.addf %mul3A_314, %mul3A_320 : vector<16xf32>
        %add3A_322 = arith.constant 3 : i32
        %add3A_323 = vector.broadcast %add3A_322 : i32 to vector<16xi32>
        %add3A_324 = arith.addi %add3A_323, %select_n3A_12 : vector<16xi32>
        %gather3A_325 = tpu.vector_load_idx %arg15[%add3A_300, %add3A_324] : memref<800x16xf32, #tpu.memory_space<vmem>>[vector<16xi32>, vector<16xi32>], vector<16xf32>,
        %gather3A_326 = tpu.vector_load_idx %arg16[%add3A_300, %add3A_324] : memref<800x16xf32, #tpu.memory_space<vmem>>[vector<16xi32>, vector<16xi32>], vector<16xf32>,
        %mul3A_327 = arith.mulf %gather3A_325, %gather3A_326 : vector<16xf32>
        %add3A_328 = arith.addf %add3A_321, %mul3A_327 : vector<16xf32>
        %add3A_329 = arith.constant 4 : i32
        %add3A_330 = vector.broadcast %add3A_329 : i32 to vector<16xi32>
        %add3A_331 = arith.addi %add3A_330, %select_n3A_12 : vector<16xi32>
        %gather3A_332 = tpu.vector_load_idx %arg15[%add3A_300, %add3A_331] : memref<800x16xf32, #tpu.memory_space<vmem>>[vector<16xi32>, vector<16xi32>], vector<16xf32>,
        %gather3A_333 = tpu.vector_load_idx %arg16[%add3A_300, %add3A_331] : memref<800x16xf32, #tpu.memory_space<vmem>>[vector<16xi32>, vector<16xi32>], vector<16xf32>,
        %mul3A_334 = arith.mulf %gather3A_332, %gather3A_333 : vector<16xf32>
        %add3A_335 = arith.constant 5 : i32
        %add3A_336 = vector.broadcast %add3A_335 : i32 to vector<16xi32>
        %add3A_337 = arith.addi %add3A_336, %select_n3A_12 : vector<16xi32>
        %gather3A_338 = tpu.vector_load_idx %arg15[%add3A_300, %add3A_337] : memref<800x16xf32, #tpu.memory_space<vmem>>[vector<16xi32>, vector<16xi32>], vector<16xf32>,
        %gather3A_339 = tpu.vector_load_idx %arg16[%add3A_300, %add3A_337] : memref<800x16xf32, #tpu.memory_space<vmem>>[vector<16xi32>, vector<16xi32>], vector<16xf32>,
        %mul3A_340 = arith.mulf %gather3A_338, %gather3A_339 : vector<16xf32>
        %add3A_341 = arith.addf %mul3A_334, %mul3A_340 : vector<16xf32>
        %add3A_342 = arith.constant 6 : i32
        %add3A_343 = vector.broadcast %add3A_342 : i32 to vector<16xi32>
        %add3A_344 = arith.addi %add3A_343, %select_n3A_12 : vector<16xi32>
        %gather3A_345 = tpu.vector_load_idx %arg15[%add3A_300, %add3A_344] : memref<800x16xf32, #tpu.memory_space<vmem>>[vector<16xi32>, vector<16xi32>], vector<16xf32>,
        %gather3A_346 = tpu.vector_load_idx %arg16[%add3A_300, %add3A_344] : memref<800x16xf32, #tpu.memory_space<vmem>>[vector<16xi32>, vector<16xi32>], vector<16xf32>,
        %mul3A_347 = arith.mulf %gather3A_345, %gather3A_346 : vector<16xf32>
        %add3A_348 = arith.addf %add3A_341, %mul3A_347 : vector<16xf32>
        %add3A_349 = arith.constant 7 : i32
        %add3A_350 = vector.broadcast %add3A_349 : i32 to vector<16xi32>
        %add3A_351 = arith.addi %add3A_350, %select_n3A_12 : vector<16xi32>
        %gather3A_352 = tpu.vector_load_idx %arg15[%add3A_300, %add3A_351] : memref<800x16xf32, #tpu.memory_space<vmem>>[vector<16xi32>, vector<16xi32>], vector<16xf32>,
        %gather3A_353 = tpu.vector_load_idx %arg16[%add3A_300, %add3A_351] : memref<800x16xf32, #tpu.memory_space<vmem>>[vector<16xi32>, vector<16xi32>], vector<16xf32>,
        %mul3A_354 = arith.mulf %gather3A_352, %gather3A_353 : vector<16xf32>
        %add3A_355 = arith.addf %add3A_348, %mul3A_354 : vector<16xf32>
        %rev3A_356 = arith.constant 15 : i32
        %rev3A_357 = vector.broadcast %rev3A_356 : i32 to vector<16xi32>
        %rev3A_358 = tpu.iota {dimensions = array<i32: 0>} : vector<16xi32>
        %rev3A_359 = arith.subi %rev3A_357, %rev3A_358 : vector<16xi32>
        %rev3A_360 = tpu.dynamic_gather %mul3A_308[%rev3A_359] in [0] : vector<16xf32>, vector<16xi32> -> vector<16xf32>
        %add3A_361 = arith.addf %add3A_355, %rev3A_360 : vector<16xf32>
        %add3A_362 = arith.addf %add3A_328, %add3A_355 : vector<16xf32>
        %rev3A_363 = arith.constant 15 : i32
        %rev3A_364 = vector.broadcast %rev3A_363 : i32 to vector<16xi32>
        %rev3A_365 = tpu.iota {dimensions = array<i32: 0>} : vector<16xi32>
        %rev3A_366 = arith.subi %rev3A_364, %rev3A_365 : vector<16xi32>
        %rev3A_367 = tpu.dynamic_gather %add3A_362[%rev3A_366] in [0] : vector<16xf32>, vector<16xi32> -> vector<16xf32>
        tpu.vector_store_idx %arg21[%add3A_302], %mul3A_308 masked %lt3A_15 : memref<800xf32, #tpu.memory_space<vmem>>[vector<16xi32>], vector<16xf32>, vector<16xi1>
        tpu.vector_store_idx %arg22[%add3A_302], %add3A_328 masked %lt3A_15 : memref<800xf32, #tpu.memory_space<vmem>>[vector<16xi32>], vector<16xf32>, vector<16xi1>
        tpu.vector_store_idx %arg23[%add3A_302], %add3A_361 masked %lt3A_15 : memref<800xf32, #tpu.memory_space<vmem>>[vector<16xi32>], vector<16xf32>, vector<16xi1>
        tpu.vector_store_idx %arg24[%add3A_302], %rev3A_367 masked %lt3A_15 : memref<800xf32, #tpu.memory_space<vmem>>[vector<16xi32>], vector<16xf32>, vector<16xi1>
        %mul3A_368 = arith.constant 5 : i32
        %mul3A_369 = arith.muli %scan3A_219, %mul3A_368 : i32
        %add3A_370 = arith.constant 2 : i32
        %add3A_371 = arith.addi %mul3A_369, %add3A_370 : i32
        %mul3A_372 = arith.constant 8 : i32
        %mul3A_373 = arith.muli %add3A_371, %mul3A_372 : i32
        %add3A_374 = vector.broadcast %mul3A_373 : i32 to vector<16xi32>
        %add3A_375 = arith.addi %add3A_374, %select_n3A : vector<16xi32>
        %add3A_376 = vector.broadcast %mul3A_373 : i32 to vector<16xi32>
        %add3A_377 = arith.addi %add3A_376, %iota3A : vector<16xi32>
        %add3A_378 = arith.constant 0 : i32
        %add3A_379 = vector.broadcast %add3A_378 : i32 to vector<16xi32>
        %add3A_380 = arith.addi %add3A_379, %select_n3A_12 : vector<16xi32>
        %gather3A_381 = tpu.vector_load_idx %arg15[%add3A_375, %add3A_380] : memref<800x16xf32, #tpu.memory_space<vmem>>[vector<16xi32>, vector<16xi32>], vector<16xf32>,
        %gather3A_382 = tpu.vector_load_idx %arg16[%add3A_375, %add3A_380] : memref<800x16xf32, #tpu.memory_space<vmem>>[vector<16xi32>, vector<16xi32>], vector<16xf32>,
        %mul3A_383 = arith.mulf %gather3A_381, %gather3A_382 : vector<16xf32>
        %add3A_384 = arith.constant 1 : i32
        %add3A_385 = vector.broadcast %add3A_384 : i32 to vector<16xi32>
        %add3A_386 = arith.addi %add3A_385, %select_n3A_12 : vector<16xi32>
        %gather3A_387 = tpu.vector_load_idx %arg15[%add3A_375, %add3A_386] : memref<800x16xf32, #tpu.memory_space<vmem>>[vector<16xi32>, vector<16xi32>], vector<16xf32>,
        %gather3A_388 = tpu.vector_load_idx %arg16[%add3A_375, %add3A_386] : memref<800x16xf32, #tpu.memory_space<vmem>>[vector<16xi32>, vector<16xi32>], vector<16xf32>,
        %mul3A_389 = arith.mulf %gather3A_387, %gather3A_388 : vector<16xf32>
        %add3A_390 = arith.constant 2 : i32
        %add3A_391 = vector.broadcast %add3A_390 : i32 to vector<16xi32>
        %add3A_392 = arith.addi %add3A_391, %select_n3A_12 : vector<16xi32>
        %gather3A_393 = tpu.vector_load_idx %arg15[%add3A_375, %add3A_392] : memref<800x16xf32, #tpu.memory_space<vmem>>[vector<16xi32>, vector<16xi32>], vector<16xf32>,
        %gather3A_394 = tpu.vector_load_idx %arg16[%add3A_375, %add3A_392] : memref<800x16xf32, #tpu.memory_space<vmem>>[vector<16xi32>, vector<16xi32>], vector<16xf32>,
        %mul3A_395 = arith.mulf %gather3A_393, %gather3A_394 : vector<16xf32>
        %add3A_396 = arith.addf %mul3A_389, %mul3A_395 : vector<16xf32>
        %add3A_397 = arith.constant 3 : i32
        %add3A_398 = vector.broadcast %add3A_397 : i32 to vector<16xi32>
        %add3A_399 = arith.addi %add3A_398, %select_n3A_12 : vector<16xi32>
        %gather3A_400 = tpu.vector_load_idx %arg15[%add3A_375, %add3A_399] : memref<800x16xf32, #tpu.memory_space<vmem>>[vector<16xi32>, vector<16xi32>], vector<16xf32>,
        %gather3A_401 = tpu.vector_load_idx %arg16[%add3A_375, %add3A_399] : memref<800x16xf32, #tpu.memory_space<vmem>>[vector<16xi32>, vector<16xi32>], vector<16xf32>,
        %mul3A_402 = arith.mulf %gather3A_400, %gather3A_401 : vector<16xf32>
        %add3A_403 = arith.addf %add3A_396, %mul3A_402 : vector<16xf32>
        %add3A_404 = arith.constant 4 : i32
        %add3A_405 = vector.broadcast %add3A_404 : i32 to vector<16xi32>
        %add3A_406 = arith.addi %add3A_405, %select_n3A_12 : vector<16xi32>
        %gather3A_407 = tpu.vector_load_idx %arg15[%add3A_375, %add3A_406] : memref<800x16xf32, #tpu.memory_space<vmem>>[vector<16xi32>, vector<16xi32>], vector<16xf32>,
        %gather3A_408 = tpu.vector_load_idx %arg16[%add3A_375, %add3A_406] : memref<800x16xf32, #tpu.memory_space<vmem>>[vector<16xi32>, vector<16xi32>], vector<16xf32>,
        %mul3A_409 = arith.mulf %gather3A_407, %gather3A_408 : vector<16xf32>
        %add3A_410 = arith.constant 5 : i32
        %add3A_411 = vector.broadcast %add3A_410 : i32 to vector<16xi32>
        %add3A_412 = arith.addi %add3A_411, %select_n3A_12 : vector<16xi32>
        %gather3A_413 = tpu.vector_load_idx %arg15[%add3A_375, %add3A_412] : memref<800x16xf32, #tpu.memory_space<vmem>>[vector<16xi32>, vector<16xi32>], vector<16xf32>,
        %gather3A_414 = tpu.vector_load_idx %arg16[%add3A_375, %add3A_412] : memref<800x16xf32, #tpu.memory_space<vmem>>[vector<16xi32>, vector<16xi32>], vector<16xf32>,
        %mul3A_415 = arith.mulf %gather3A_413, %gather3A_414 : vector<16xf32>
        %add3A_416 = arith.addf %mul3A_409, %mul3A_415 : vector<16xf32>
        %add3A_417 = arith.constant 6 : i32
        %add3A_418 = vector.broadcast %add3A_417 : i32 to vector<16xi32>
        %add3A_419 = arith.addi %add3A_418, %select_n3A_12 : vector<16xi32>
        %gather3A_420 = tpu.vector_load_idx %arg15[%add3A_375, %add3A_419] : memref<800x16xf32, #tpu.memory_space<vmem>>[vector<16xi32>, vector<16xi32>], vector<16xf32>,
        %gather3A_421 = tpu.vector_load_idx %arg16[%add3A_375, %add3A_419] : memref<800x16xf32, #tpu.memory_space<vmem>>[vector<16xi32>, vector<16xi32>], vector<16xf32>,
        %mul3A_422 = arith.mulf %gather3A_420, %gather3A_421 : vector<16xf32>
        %add3A_423 = arith.addf %add3A_416, %mul3A_422 : vector<16xf32>
        %add3A_424 = arith.constant 7 : i32
        %add3A_425 = vector.broadcast %add3A_424 : i32 to vector<16xi32>
        %add3A_426 = arith.addi %add3A_425, %select_n3A_12 : vector<16xi32>
        %gather3A_427 = tpu.vector_load_idx %arg15[%add3A_375, %add3A_426] : memref<800x16xf32, #tpu.memory_space<vmem>>[vector<16xi32>, vector<16xi32>], vector<16xf32>,
        %gather3A_428 = tpu.vector_load_idx %arg16[%add3A_375, %add3A_426] : memref<800x16xf32, #tpu.memory_space<vmem>>[vector<16xi32>, vector<16xi32>], vector<16xf32>,
        %mul3A_429 = arith.mulf %gather3A_427, %gather3A_428 : vector<16xf32>
        %add3A_430 = arith.addf %add3A_423, %mul3A_429 : vector<16xf32>
        %rev3A_431 = arith.constant 15 : i32
        %rev3A_432 = vector.broadcast %rev3A_431 : i32 to vector<16xi32>
        %rev3A_433 = tpu.iota {dimensions = array<i32: 0>} : vector<16xi32>
        %rev3A_434 = arith.subi %rev3A_432, %rev3A_433 : vector<16xi32>
        %rev3A_435 = tpu.dynamic_gather %mul3A_383[%rev3A_434] in [0] : vector<16xf32>, vector<16xi32> -> vector<16xf32>
        %add3A_436 = arith.addf %add3A_430, %rev3A_435 : vector<16xf32>
        %add3A_437 = arith.addf %add3A_403, %add3A_430 : vector<16xf32>
        %rev3A_438 = arith.constant 15 : i32
        %rev3A_439 = vector.broadcast %rev3A_438 : i32 to vector<16xi32>
        %rev3A_440 = tpu.iota {dimensions = array<i32: 0>} : vector<16xi32>
        %rev3A_441 = arith.subi %rev3A_439, %rev3A_440 : vector<16xi32>
        %rev3A_442 = tpu.dynamic_gather %add3A_437[%rev3A_441] in [0] : vector<16xf32>, vector<16xi32> -> vector<16xf32>
        tpu.vector_store_idx %arg21[%add3A_377], %mul3A_383 masked %lt3A_15 : memref<800xf32, #tpu.memory_space<vmem>>[vector<16xi32>], vector<16xf32>, vector<16xi1>
        tpu.vector_store_idx %arg22[%add3A_377], %add3A_403 masked %lt3A_15 : memref<800xf32, #tpu.memory_space<vmem>>[vector<16xi32>], vector<16xf32>, vector<16xi1>
        tpu.vector_store_idx %arg23[%add3A_377], %add3A_436 masked %lt3A_15 : memref<800xf32, #tpu.memory_space<vmem>>[vector<16xi32>], vector<16xf32>, vector<16xi1>
        tpu.vector_store_idx %arg24[%add3A_377], %rev3A_442 masked %lt3A_15 : memref<800xf32, #tpu.memory_space<vmem>>[vector<16xi32>], vector<16xf32>, vector<16xi1>
        %mul3A_443 = arith.constant 5 : i32
        %mul3A_444 = arith.muli %scan3A_219, %mul3A_443 : i32
        %add3A_445 = arith.constant 3 : i32
        %add3A_446 = arith.addi %mul3A_444, %add3A_445 : i32
        %mul3A_447 = arith.constant 8 : i32
        %mul3A_448 = arith.muli %add3A_446, %mul3A_447 : i32
        %add3A_449 = vector.broadcast %mul3A_448 : i32 to vector<16xi32>
        %add3A_450 = arith.addi %add3A_449, %select_n3A : vector<16xi32>
        %add3A_451 = vector.broadcast %mul3A_448 : i32 to vector<16xi32>
        %add3A_452 = arith.addi %add3A_451, %iota3A : vector<16xi32>
        %add3A_453 = arith.constant 0 : i32
        %add3A_454 = vector.broadcast %add3A_453 : i32 to vector<16xi32>
        %add3A_455 = arith.addi %add3A_454, %select_n3A_12 : vector<16xi32>
        %gather3A_456 = tpu.vector_load_idx %arg15[%add3A_450, %add3A_455] : memref<800x16xf32, #tpu.memory_space<vmem>>[vector<16xi32>, vector<16xi32>], vector<16xf32>,
        %gather3A_457 = tpu.vector_load_idx %arg16[%add3A_450, %add3A_455] : memref<800x16xf32, #tpu.memory_space<vmem>>[vector<16xi32>, vector<16xi32>], vector<16xf32>,
        %mul3A_458 = arith.mulf %gather3A_456, %gather3A_457 : vector<16xf32>
        %add3A_459 = arith.constant 1 : i32
        %add3A_460 = vector.broadcast %add3A_459 : i32 to vector<16xi32>
        %add3A_461 = arith.addi %add3A_460, %select_n3A_12 : vector<16xi32>
        %gather3A_462 = tpu.vector_load_idx %arg15[%add3A_450, %add3A_461] : memref<800x16xf32, #tpu.memory_space<vmem>>[vector<16xi32>, vector<16xi32>], vector<16xf32>,
        %gather3A_463 = tpu.vector_load_idx %arg16[%add3A_450, %add3A_461] : memref<800x16xf32, #tpu.memory_space<vmem>>[vector<16xi32>, vector<16xi32>], vector<16xf32>,
        %mul3A_464 = arith.mulf %gather3A_462, %gather3A_463 : vector<16xf32>
        %add3A_465 = arith.constant 2 : i32
        %add3A_466 = vector.broadcast %add3A_465 : i32 to vector<16xi32>
        %add3A_467 = arith.addi %add3A_466, %select_n3A_12 : vector<16xi32>
        %gather3A_468 = tpu.vector_load_idx %arg15[%add3A_450, %add3A_467] : memref<800x16xf32, #tpu.memory_space<vmem>>[vector<16xi32>, vector<16xi32>], vector<16xf32>,
        %gather3A_469 = tpu.vector_load_idx %arg16[%add3A_450, %add3A_467] : memref<800x16xf32, #tpu.memory_space<vmem>>[vector<16xi32>, vector<16xi32>], vector<16xf32>,
        %mul3A_470 = arith.mulf %gather3A_468, %gather3A_469 : vector<16xf32>
        %add3A_471 = arith.addf %mul3A_464, %mul3A_470 : vector<16xf32>
        %add3A_472 = arith.constant 3 : i32
        %add3A_473 = vector.broadcast %add3A_472 : i32 to vector<16xi32>
        %add3A_474 = arith.addi %add3A_473, %select_n3A_12 : vector<16xi32>
        %gather3A_475 = tpu.vector_load_idx %arg15[%add3A_450, %add3A_474] : memref<800x16xf32, #tpu.memory_space<vmem>>[vector<16xi32>, vector<16xi32>], vector<16xf32>,
        %gather3A_476 = tpu.vector_load_idx %arg16[%add3A_450, %add3A_474] : memref<800x16xf32, #tpu.memory_space<vmem>>[vector<16xi32>, vector<16xi32>], vector<16xf32>,
        %mul3A_477 = arith.mulf %gather3A_475, %gather3A_476 : vector<16xf32>
        %add3A_478 = arith.addf %add3A_471, %mul3A_477 : vector<16xf32>
        %add3A_479 = arith.constant 4 : i32
        %add3A_480 = vector.broadcast %add3A_479 : i32 to vector<16xi32>
        %add3A_481 = arith.addi %add3A_480, %select_n3A_12 : vector<16xi32>
        %gather3A_482 = tpu.vector_load_idx %arg15[%add3A_450, %add3A_481] : memref<800x16xf32, #tpu.memory_space<vmem>>[vector<16xi32>, vector<16xi32>], vector<16xf32>,
        %gather3A_483 = tpu.vector_load_idx %arg16[%add3A_450, %add3A_481] : memref<800x16xf32, #tpu.memory_space<vmem>>[vector<16xi32>, vector<16xi32>], vector<16xf32>,
        %mul3A_484 = arith.mulf %gather3A_482, %gather3A_483 : vector<16xf32>
        %add3A_485 = arith.constant 5 : i32
        %add3A_486 = vector.broadcast %add3A_485 : i32 to vector<16xi32>
        %add3A_487 = arith.addi %add3A_486, %select_n3A_12 : vector<16xi32>
        %gather3A_488 = tpu.vector_load_idx %arg15[%add3A_450, %add3A_487] : memref<800x16xf32, #tpu.memory_space<vmem>>[vector<16xi32>, vector<16xi32>], vector<16xf32>,
        %gather3A_489 = tpu.vector_load_idx %arg16[%add3A_450, %add3A_487] : memref<800x16xf32, #tpu.memory_space<vmem>>[vector<16xi32>, vector<16xi32>], vector<16xf32>,
        %mul3A_490 = arith.mulf %gather3A_488, %gather3A_489 : vector<16xf32>
        %add3A_491 = arith.addf %mul3A_484, %mul3A_490 : vector<16xf32>
        %add3A_492 = arith.constant 6 : i32
        %add3A_493 = vector.broadcast %add3A_492 : i32 to vector<16xi32>
        %add3A_494 = arith.addi %add3A_493, %select_n3A_12 : vector<16xi32>
        %gather3A_495 = tpu.vector_load_idx %arg15[%add3A_450, %add3A_494] : memref<800x16xf32, #tpu.memory_space<vmem>>[vector<16xi32>, vector<16xi32>], vector<16xf32>,
        %gather3A_496 = tpu.vector_load_idx %arg16[%add3A_450, %add3A_494] : memref<800x16xf32, #tpu.memory_space<vmem>>[vector<16xi32>, vector<16xi32>], vector<16xf32>,
        %mul3A_497 = arith.mulf %gather3A_495, %gather3A_496 : vector<16xf32>
        %add3A_498 = arith.addf %add3A_491, %mul3A_497 : vector<16xf32>
        %add3A_499 = arith.constant 7 : i32
        %add3A_500 = vector.broadcast %add3A_499 : i32 to vector<16xi32>
        %add3A_501 = arith.addi %add3A_500, %select_n3A_12 : vector<16xi32>
        %gather3A_502 = tpu.vector_load_idx %arg15[%add3A_450, %add3A_501] : memref<800x16xf32, #tpu.memory_space<vmem>>[vector<16xi32>, vector<16xi32>], vector<16xf32>,
        %gather3A_503 = tpu.vector_load_idx %arg16[%add3A_450, %add3A_501] : memref<800x16xf32, #tpu.memory_space<vmem>>[vector<16xi32>, vector<16xi32>], vector<16xf32>,
        %mul3A_504 = arith.mulf %gather3A_502, %gather3A_503 : vector<16xf32>
        %add3A_505 = arith.addf %add3A_498, %mul3A_504 : vector<16xf32>
        %rev3A_506 = arith.constant 15 : i32
        %rev3A_507 = vector.broadcast %rev3A_506 : i32 to vector<16xi32>
        %rev3A_508 = tpu.iota {dimensions = array<i32: 0>} : vector<16xi32>
        %rev3A_509 = arith.subi %rev3A_507, %rev3A_508 : vector<16xi32>
        %rev3A_510 = tpu.dynamic_gather %mul3A_458[%rev3A_509] in [0] : vector<16xf32>, vector<16xi32> -> vector<16xf32>
        %add3A_511 = arith.addf %add3A_505, %rev3A_510 : vector<16xf32>
        %add3A_512 = arith.addf %add3A_478, %add3A_505 : vector<16xf32>
        %rev3A_513 = arith.constant 15 : i32
        %rev3A_514 = vector.broadcast %rev3A_513 : i32 to vector<16xi32>
        %rev3A_515 = tpu.iota {dimensions = array<i32: 0>} : vector<16xi32>
        %rev3A_516 = arith.subi %rev3A_514, %rev3A_515 : vector<16xi32>
        %rev3A_517 = tpu.dynamic_gather %add3A_512[%rev3A_516] in [0] : vector<16xf32>, vector<16xi32> -> vector<16xf32>
        tpu.vector_store_idx %arg21[%add3A_452], %mul3A_458 masked %lt3A_15 : memref<800xf32, #tpu.memory_space<vmem>>[vector<16xi32>], vector<16xf32>, vector<16xi1>
        tpu.vector_store_idx %arg22[%add3A_452], %add3A_478 masked %lt3A_15 : memref<800xf32, #tpu.memory_space<vmem>>[vector<16xi32>], vector<16xf32>, vector<16xi1>
        tpu.vector_store_idx %arg23[%add3A_452], %add3A_511 masked %lt3A_15 : memref<800xf32, #tpu.memory_space<vmem>>[vector<16xi32>], vector<16xf32>, vector<16xi1>
        tpu.vector_store_idx %arg24[%add3A_452], %rev3A_517 masked %lt3A_15 : memref<800xf32, #tpu.memory_space<vmem>>[vector<16xi32>], vector<16xf32>, vector<16xi1>
        %mul3A_518 = arith.constant 5 : i32
        %mul3A_519 = arith.muli %scan3A_219, %mul3A_518 : i32
        %add3A_520 = arith.constant 4 : i32
        %add3A_521 = arith.addi %mul3A_519, %add3A_520 : i32
        %mul3A_522 = arith.constant 8 : i32
        %mul3A_523 = arith.muli %add3A_521, %mul3A_522 : i32
        %add3A_524 = vector.broadcast %mul3A_523 : i32 to vector<16xi32>
        %add3A_525 = arith.addi %add3A_524, %select_n3A : vector<16xi32>
        %add3A_526 = vector.broadcast %mul3A_523 : i32 to vector<16xi32>
        %add3A_527 = arith.addi %add3A_526, %iota3A : vector<16xi32>
        %add3A_528 = arith.constant 0 : i32
        %add3A_529 = vector.broadcast %add3A_528 : i32 to vector<16xi32>
        %add3A_530 = arith.addi %add3A_529, %select_n3A_12 : vector<16xi32>
        %gather3A_531 = tpu.vector_load_idx %arg15[%add3A_525, %add3A_530] : memref<800x16xf32, #tpu.memory_space<vmem>>[vector<16xi32>, vector<16xi32>], vector<16xf32>,
        %gather3A_532 = tpu.vector_load_idx %arg16[%add3A_525, %add3A_530] : memref<800x16xf32, #tpu.memory_space<vmem>>[vector<16xi32>, vector<16xi32>], vector<16xf32>,
        %mul3A_533 = arith.mulf %gather3A_531, %gather3A_532 : vector<16xf32>
        %add3A_534 = arith.constant 1 : i32
        %add3A_535 = vector.broadcast %add3A_534 : i32 to vector<16xi32>
        %add3A_536 = arith.addi %add3A_535, %select_n3A_12 : vector<16xi32>
        %gather3A_537 = tpu.vector_load_idx %arg15[%add3A_525, %add3A_536] : memref<800x16xf32, #tpu.memory_space<vmem>>[vector<16xi32>, vector<16xi32>], vector<16xf32>,
        %gather3A_538 = tpu.vector_load_idx %arg16[%add3A_525, %add3A_536] : memref<800x16xf32, #tpu.memory_space<vmem>>[vector<16xi32>, vector<16xi32>], vector<16xf32>,
        %mul3A_539 = arith.mulf %gather3A_537, %gather3A_538 : vector<16xf32>
        %add3A_540 = arith.constant 2 : i32
        %add3A_541 = vector.broadcast %add3A_540 : i32 to vector<16xi32>
        %add3A_542 = arith.addi %add3A_541, %select_n3A_12 : vector<16xi32>
        %gather3A_543 = tpu.vector_load_idx %arg15[%add3A_525, %add3A_542] : memref<800x16xf32, #tpu.memory_space<vmem>>[vector<16xi32>, vector<16xi32>], vector<16xf32>,
        %gather3A_544 = tpu.vector_load_idx %arg16[%add3A_525, %add3A_542] : memref<800x16xf32, #tpu.memory_space<vmem>>[vector<16xi32>, vector<16xi32>], vector<16xf32>,
        %mul3A_545 = arith.mulf %gather3A_543, %gather3A_544 : vector<16xf32>
        %add3A_546 = arith.addf %mul3A_539, %mul3A_545 : vector<16xf32>
        %add3A_547 = arith.constant 3 : i32
        %add3A_548 = vector.broadcast %add3A_547 : i32 to vector<16xi32>
        %add3A_549 = arith.addi %add3A_548, %select_n3A_12 : vector<16xi32>
        %gather3A_550 = tpu.vector_load_idx %arg15[%add3A_525, %add3A_549] : memref<800x16xf32, #tpu.memory_space<vmem>>[vector<16xi32>, vector<16xi32>], vector<16xf32>,
        %gather3A_551 = tpu.vector_load_idx %arg16[%add3A_525, %add3A_549] : memref<800x16xf32, #tpu.memory_space<vmem>>[vector<16xi32>, vector<16xi32>], vector<16xf32>,
        %mul3A_552 = arith.mulf %gather3A_550, %gather3A_551 : vector<16xf32>
        %add3A_553 = arith.addf %add3A_546, %mul3A_552 : vector<16xf32>
        %add3A_554 = arith.constant 4 : i32
        %add3A_555 = vector.broadcast %add3A_554 : i32 to vector<16xi32>
        %add3A_556 = arith.addi %add3A_555, %select_n3A_12 : vector<16xi32>
        %gather3A_557 = tpu.vector_load_idx %arg15[%add3A_525, %add3A_556] : memref<800x16xf32, #tpu.memory_space<vmem>>[vector<16xi32>, vector<16xi32>], vector<16xf32>,
        %gather3A_558 = tpu.vector_load_idx %arg16[%add3A_525, %add3A_556] : memref<800x16xf32, #tpu.memory_space<vmem>>[vector<16xi32>, vector<16xi32>], vector<16xf32>,
        %mul3A_559 = arith.mulf %gather3A_557, %gather3A_558 : vector<16xf32>
        %add3A_560 = arith.constant 5 : i32
        %add3A_561 = vector.broadcast %add3A_560 : i32 to vector<16xi32>
        %add3A_562 = arith.addi %add3A_561, %select_n3A_12 : vector<16xi32>
        %gather3A_563 = tpu.vector_load_idx %arg15[%add3A_525, %add3A_562] : memref<800x16xf32, #tpu.memory_space<vmem>>[vector<16xi32>, vector<16xi32>], vector<16xf32>,
        %gather3A_564 = tpu.vector_load_idx %arg16[%add3A_525, %add3A_562] : memref<800x16xf32, #tpu.memory_space<vmem>>[vector<16xi32>, vector<16xi32>], vector<16xf32>,
        %mul3A_565 = arith.mulf %gather3A_563, %gather3A_564 : vector<16xf32>
        %add3A_566 = arith.addf %mul3A_559, %mul3A_565 : vector<16xf32>
        %add3A_567 = arith.constant 6 : i32
        %add3A_568 = vector.broadcast %add3A_567 : i32 to vector<16xi32>
        %add3A_569 = arith.addi %add3A_568, %select_n3A_12 : vector<16xi32>
        %gather3A_570 = tpu.vector_load_idx %arg15[%add3A_525, %add3A_569] : memref<800x16xf32, #tpu.memory_space<vmem>>[vector<16xi32>, vector<16xi32>], vector<16xf32>,
        %gather3A_571 = tpu.vector_load_idx %arg16[%add3A_525, %add3A_569] : memref<800x16xf32, #tpu.memory_space<vmem>>[vector<16xi32>, vector<16xi32>], vector<16xf32>,
        %mul3A_572 = arith.mulf %gather3A_570, %gather3A_571 : vector<16xf32>
        %add3A_573 = arith.addf %add3A_566, %mul3A_572 : vector<16xf32>
        %add3A_574 = arith.constant 7 : i32
        %add3A_575 = vector.broadcast %add3A_574 : i32 to vector<16xi32>
        %add3A_576 = arith.addi %add3A_575, %select_n3A_12 : vector<16xi32>
        %gather3A_577 = tpu.vector_load_idx %arg15[%add3A_525, %add3A_576] : memref<800x16xf32, #tpu.memory_space<vmem>>[vector<16xi32>, vector<16xi32>], vector<16xf32>,
        %gather3A_578 = tpu.vector_load_idx %arg16[%add3A_525, %add3A_576] : memref<800x16xf32, #tpu.memory_space<vmem>>[vector<16xi32>, vector<16xi32>], vector<16xf32>,
        %mul3A_579 = arith.mulf %gather3A_577, %gather3A_578 : vector<16xf32>
        %add3A_580 = arith.addf %add3A_573, %mul3A_579 : vector<16xf32>
        %rev3A_581 = arith.constant 15 : i32
        %rev3A_582 = vector.broadcast %rev3A_581 : i32 to vector<16xi32>
        %rev3A_583 = tpu.iota {dimensions = array<i32: 0>} : vector<16xi32>
        %rev3A_584 = arith.subi %rev3A_582, %rev3A_583 : vector<16xi32>
        %rev3A_585 = tpu.dynamic_gather %mul3A_533[%rev3A_584] in [0] : vector<16xf32>, vector<16xi32> -> vector<16xf32>
        %add3A_586 = arith.addf %add3A_580, %rev3A_585 : vector<16xf32>
        %add3A_587 = arith.addf %add3A_553, %add3A_580 : vector<16xf32>
        %rev3A_588 = arith.constant 15 : i32
        %rev3A_589 = vector.broadcast %rev3A_588 : i32 to vector<16xi32>
        %rev3A_590 = tpu.iota {dimensions = array<i32: 0>} : vector<16xi32>
        %rev3A_591 = arith.subi %rev3A_589, %rev3A_590 : vector<16xi32>
        %rev3A_592 = tpu.dynamic_gather %add3A_587[%rev3A_591] in [0] : vector<16xf32>, vector<16xi32> -> vector<16xf32>
        tpu.vector_store_idx %arg21[%add3A_527], %mul3A_533 masked %lt3A_15 : memref<800xf32, #tpu.memory_space<vmem>>[vector<16xi32>], vector<16xf32>, vector<16xi1>
        tpu.vector_store_idx %arg22[%add3A_527], %add3A_553 masked %lt3A_15 : memref<800xf32, #tpu.memory_space<vmem>>[vector<16xi32>], vector<16xf32>, vector<16xi1>
        tpu.vector_store_idx %arg23[%add3A_527], %add3A_586 masked %lt3A_15 : memref<800xf32, #tpu.memory_space<vmem>>[vector<16xi32>], vector<16xf32>, vector<16xi1>
        tpu.vector_store_idx %arg24[%add3A_527], %rev3A_592 masked %lt3A_15 : memref<800xf32, #tpu.memory_space<vmem>>[vector<16xi32>], vector<16xf32>, vector<16xi1>
      }
      %scan3A_207 = arith.constant 20 : i32
      %mul3A_208 = arith.constant 800 : i32
      %mul3A_209 = arith.muli %add3A_201, %mul3A_208 : i32
      %add3A_210 = arith.addi %mul3A_2, %mul3A_209 : i32
      %dma_start3A_211 = tpu.memref_slice %arg5[%add3A_210] : memref<3200000xf32, #tpu.memory_space<hbm>> -> memref<800xf32, #tpu.memory_space<hbm>>
      %dma_start3A_212 = tpu.memref_slice %arg5[%add3A_210] : memref<3200000xf32, #tpu.memory_space<hbm>> -> memref<800xf32, #tpu.memory_space<hbm>>
      tpu.enqueue_dma source(%arg21 : memref<800xf32, #tpu.memory_space<vmem>>) target(%dma_start3A_212 : memref<800xf32, #tpu.memory_space<hbm>>) target_semaphore(%arg30 : memref<!tpu.dma_semaphore, #tpu.memory_space<semaphore_mem>>)
      %dma_start3A_213 = tpu.memref_slice %arg6[%add3A_210] : memref<3200000xf32, #tpu.memory_space<hbm>> -> memref<800xf32, #tpu.memory_space<hbm>>
      %dma_start3A_214 = tpu.memref_slice %arg6[%add3A_210] : memref<3200000xf32, #tpu.memory_space<hbm>> -> memref<800xf32, #tpu.memory_space<hbm>>
      tpu.enqueue_dma source(%arg22 : memref<800xf32, #tpu.memory_space<vmem>>) target(%dma_start3A_214 : memref<800xf32, #tpu.memory_space<hbm>>) target_semaphore(%arg30 : memref<!tpu.dma_semaphore, #tpu.memory_space<semaphore_mem>>)
      %dma_start3A_215 = tpu.memref_slice %arg7[%add3A_210] : memref<3200000xf32, #tpu.memory_space<hbm>> -> memref<800xf32, #tpu.memory_space<hbm>>
      %dma_start3A_216 = tpu.memref_slice %arg7[%add3A_210] : memref<3200000xf32, #tpu.memory_space<hbm>> -> memref<800xf32, #tpu.memory_space<hbm>>
      tpu.enqueue_dma source(%arg23 : memref<800xf32, #tpu.memory_space<vmem>>) target(%dma_start3A_216 : memref<800xf32, #tpu.memory_space<hbm>>) target_semaphore(%arg30 : memref<!tpu.dma_semaphore, #tpu.memory_space<semaphore_mem>>)
      %dma_start3A_217 = tpu.memref_slice %arg8[%add3A_210] : memref<3200000xf32, #tpu.memory_space<hbm>> -> memref<800xf32, #tpu.memory_space<hbm>>
      %dma_start3A_218 = tpu.memref_slice %arg8[%add3A_210] : memref<3200000xf32, #tpu.memory_space<hbm>> -> memref<800xf32, #tpu.memory_space<hbm>>
      tpu.enqueue_dma source(%arg24 : memref<800xf32, #tpu.memory_space<vmem>>) target(%dma_start3A_218 : memref<800xf32, #tpu.memory_space<hbm>>) target_semaphore(%arg30 : memref<!tpu.dma_semaphore, #tpu.memory_space<semaphore_mem>>)
    }
    %scan3A_44 = arith.constant 62 : i32
    %dma_wait3A_45 = arith.constant 0 : i32
    %dma_wait3A_46 = arith.constant 0 : i32
    %dma_wait3A_47 = tpu.memref_slice %arg4[%dma_wait3A_45, %dma_wait3A_46] : memref<100000x16xf32, #tpu.memory_space<hbm>> -> memref<100000x16xf32, #tpu.memory_space<hbm>>
    tpu.wait_indirect_dma semaphore(%arg27 : memref<!tpu.dma_semaphore, #tpu.memory_space<semaphore_mem>>) src(%dma_wait3A_47 : memref<100000x16xf32, #tpu.memory_space<hbm>>) dst(%arg11 : memref<800x16xf32, #tpu.memory_space<vmem>>)
    %dma_wait3A_48 = arith.constant 0 : i32
    %dma_wait3A_49 = arith.constant 0 : i32
    %dma_wait3A_50 = tpu.memref_slice %arg4[%dma_wait3A_48, %dma_wait3A_49] : memref<100000x16xf32, #tpu.memory_space<hbm>> -> memref<100000x16xf32, #tpu.memory_space<hbm>>
    tpu.wait_indirect_dma semaphore(%arg27 : memref<!tpu.dma_semaphore, #tpu.memory_space<semaphore_mem>>) src(%dma_wait3A_50 : memref<100000x16xf32, #tpu.memory_space<hbm>>) dst(%arg12 : memref<800x16xf32, #tpu.memory_space<vmem>>)
    %dma_wait3A_51 = arith.constant 0 : i32
    %dma_wait3A_52 = tpu.memref_slice %arg5[%dma_wait3A_51] : memref<3200000xf32, #tpu.memory_space<hbm>> -> memref<800xf32, #tpu.memory_space<hbm>>
    %dma_wait3A_53 = arith.constant 0 : i32
    %dma_wait3A_54 = tpu.memref_slice %arg5[%dma_wait3A_53] : memref<3200000xf32, #tpu.memory_space<hbm>> -> memref<800xf32, #tpu.memory_space<hbm>>
    tpu.wait_dma2 semaphore(%arg29 : memref<!tpu.dma_semaphore, #tpu.memory_space<semaphore_mem>>) src(%arg17 : memref<800xf32, #tpu.memory_space<vmem>>) dst(%dma_wait3A_54 : memref<800xf32, #tpu.memory_space<hbm>>)
    %dma_wait3A_55 = arith.constant 0 : i32
    %dma_wait3A_56 = tpu.memref_slice %arg6[%dma_wait3A_55] : memref<3200000xf32, #tpu.memory_space<hbm>> -> memref<800xf32, #tpu.memory_space<hbm>>
    %dma_wait3A_57 = arith.constant 0 : i32
    %dma_wait3A_58 = tpu.memref_slice %arg6[%dma_wait3A_57] : memref<3200000xf32, #tpu.memory_space<hbm>> -> memref<800xf32, #tpu.memory_space<hbm>>
    tpu.wait_dma2 semaphore(%arg29 : memref<!tpu.dma_semaphore, #tpu.memory_space<semaphore_mem>>) src(%arg18 : memref<800xf32, #tpu.memory_space<vmem>>) dst(%dma_wait3A_58 : memref<800xf32, #tpu.memory_space<hbm>>)
    %dma_wait3A_59 = arith.constant 0 : i32
    %dma_wait3A_60 = tpu.memref_slice %arg7[%dma_wait3A_59] : memref<3200000xf32, #tpu.memory_space<hbm>> -> memref<800xf32, #tpu.memory_space<hbm>>
    %dma_wait3A_61 = arith.constant 0 : i32
    %dma_wait3A_62 = tpu.memref_slice %arg7[%dma_wait3A_61] : memref<3200000xf32, #tpu.memory_space<hbm>> -> memref<800xf32, #tpu.memory_space<hbm>>
    tpu.wait_dma2 semaphore(%arg29 : memref<!tpu.dma_semaphore, #tpu.memory_space<semaphore_mem>>) src(%arg19 : memref<800xf32, #tpu.memory_space<vmem>>) dst(%dma_wait3A_62 : memref<800xf32, #tpu.memory_space<hbm>>)
    %dma_wait3A_63 = arith.constant 0 : i32
    %dma_wait3A_64 = tpu.memref_slice %arg8[%dma_wait3A_63] : memref<3200000xf32, #tpu.memory_space<hbm>> -> memref<800xf32, #tpu.memory_space<hbm>>
    %dma_wait3A_65 = arith.constant 0 : i32
    %dma_wait3A_66 = tpu.memref_slice %arg8[%dma_wait3A_65] : memref<3200000xf32, #tpu.memory_space<hbm>> -> memref<800xf32, #tpu.memory_space<hbm>>
    tpu.wait_dma2 semaphore(%arg29 : memref<!tpu.dma_semaphore, #tpu.memory_space<semaphore_mem>>) src(%arg20 : memref<800xf32, #tpu.memory_space<vmem>>) dst(%dma_wait3A_66 : memref<800xf32, #tpu.memory_space<hbm>>)
    %scan3A_67 = arith.constant 0 : i32
    %scan3A_68 = arith.constant 0 : i32
    %scan3A_69 = arith.constant 20 : i32
    %scan3A_70 = arith.addi %scan3A_68, %scan3A_69 : i32
    %scan3A_71 = arith.constant 1 : i32
    scf.for %scan3A_115 = %scan3A_68 to %scan3A_70 step %scan3A_71  : i32 {
      %mul3A_116 = arith.constant 5 : i32
      %mul3A_117 = arith.muli %scan3A_115, %mul3A_116 : i32
      %add3A_118 = arith.constant 0 : i32
      %add3A_119 = arith.addi %mul3A_117, %add3A_118 : i32
      %mul3A_120 = arith.constant 8 : i32
      %mul3A_121 = arith.muli %add3A_119, %mul3A_120 : i32
      %add3A_122 = vector.broadcast %mul3A_121 : i32 to vector<16xi32>
      %add3A_123 = arith.addi %add3A_122, %select_n3A : vector<16xi32>
      %add3A_124 = vector.broadcast %mul3A_121 : i32 to vector<16xi32>
      %add3A_125 = arith.addi %add3A_124, %iota3A : vector<16xi32>
      %add3A_126 = arith.constant 0 : i32
      %add3A_127 = vector.broadcast %add3A_126 : i32 to vector<16xi32>
      %add3A_128 = arith.addi %add3A_127, %select_n3A_12 : vector<16xi32>
      %gather3A = tpu.vector_load_idx %arg11[%add3A_123, %add3A_128] : memref<800x16xf32, #tpu.memory_space<vmem>>[vector<16xi32>, vector<16xi32>], vector<16xf32>,
      %gather3A_129 = tpu.vector_load_idx %arg12[%add3A_123, %add3A_128] : memref<800x16xf32, #tpu.memory_space<vmem>>[vector<16xi32>, vector<16xi32>], vector<16xf32>,
      %mul3A_130 = arith.mulf %gather3A, %gather3A_129 : vector<16xf32>
      %add3A_131 = arith.constant 1 : i32
      %add3A_132 = vector.broadcast %add3A_131 : i32 to vector<16xi32>
      %add3A_133 = arith.addi %add3A_132, %select_n3A_12 : vector<16xi32>
      %gather3A_134 = tpu.vector_load_idx %arg11[%add3A_123, %add3A_133] : memref<800x16xf32, #tpu.memory_space<vmem>>[vector<16xi32>, vector<16xi32>], vector<16xf32>,
      %gather3A_135 = tpu.vector_load_idx %arg12[%add3A_123, %add3A_133] : memref<800x16xf32, #tpu.memory_space<vmem>>[vector<16xi32>, vector<16xi32>], vector<16xf32>,
      %mul3A_136 = arith.mulf %gather3A_134, %gather3A_135 : vector<16xf32>
      %add3A_137 = arith.constant 2 : i32
      %add3A_138 = vector.broadcast %add3A_137 : i32 to vector<16xi32>
      %add3A_139 = arith.addi %add3A_138, %select_n3A_12 : vector<16xi32>
      %gather3A_140 = tpu.vector_load_idx %arg11[%add3A_123, %add3A_139] : memref<800x16xf32, #tpu.memory_space<vmem>>[vector<16xi32>, vector<16xi32>], vector<16xf32>,
      %gather3A_141 = tpu.vector_load_idx %arg12[%add3A_123, %add3A_139] : memref<800x16xf32, #tpu.memory_space<vmem>>[vector<16xi32>, vector<16xi32>], vector<16xf32>,
      %mul3A_142 = arith.mulf %gather3A_140, %gather3A_141 : vector<16xf32>
      %add3A_143 = arith.addf %mul3A_136, %mul3A_142 : vector<16xf32>
      %add3A_144 = arith.constant 3 : i32
      %add3A_145 = vector.broadcast %add3A_144 : i32 to vector<16xi32>
      %add3A_146 = arith.addi %add3A_145, %select_n3A_12 : vector<16xi32>
      %gather3A_147 = tpu.vector_load_idx %arg11[%add3A_123, %add3A_146] : memref<800x16xf32, #tpu.memory_space<vmem>>[vector<16xi32>, vector<16xi32>], vector<16xf32>,
      %gather3A_148 = tpu.vector_load_idx %arg12[%add3A_123, %add3A_146] : memref<800x16xf32, #tpu.memory_space<vmem>>[vector<16xi32>, vector<16xi32>], vector<16xf32>,
      %mul3A_149 = arith.mulf %gather3A_147, %gather3A_148 : vector<16xf32>
      %add3A_150 = arith.addf %add3A_143, %mul3A_149 : vector<16xf32>
      %add3A_151 = arith.constant 4 : i32
      %add3A_152 = vector.broadcast %add3A_151 : i32 to vector<16xi32>
      %add3A_153 = arith.addi %add3A_152, %select_n3A_12 : vector<16xi32>
      %gather3A_154 = tpu.vector_load_idx %arg11[%add3A_123, %add3A_153] : memref<800x16xf32, #tpu.memory_space<vmem>>[vector<16xi32>, vector<16xi32>], vector<16xf32>,
      %gather3A_155 = tpu.vector_load_idx %arg12[%add3A_123, %add3A_153] : memref<800x16xf32, #tpu.memory_space<vmem>>[vector<16xi32>, vector<16xi32>], vector<16xf32>,
      %mul3A_156 = arith.mulf %gather3A_154, %gather3A_155 : vector<16xf32>
      %add3A_157 = arith.constant 5 : i32
      %add3A_158 = vector.broadcast %add3A_157 : i32 to vector<16xi32>
      %add3A_159 = arith.addi %add3A_158, %select_n3A_12 : vector<16xi32>
      %gather3A_160 = tpu.vector_load_idx %arg11[%add3A_123, %add3A_159] : memref<800x16xf32, #tpu.memory_space<vmem>>[vector<16xi32>, vector<16xi32>], vector<16xf32>,
      %gather3A_161 = tpu.vector_load_idx %arg12[%add3A_123, %add3A_159] : memref<800x16xf32, #tpu.memory_space<vmem>>[vector<16xi32>, vector<16xi32>], vector<16xf32>,
      %mul3A_162 = arith.mulf %gather3A_160, %gather3A_161 : vector<16xf32>
      %add3A_163 = arith.addf %mul3A_156, %mul3A_162 : vector<16xf32>
      %add3A_164 = arith.constant 6 : i32
      %add3A_165 = vector.broadcast %add3A_164 : i32 to vector<16xi32>
      %add3A_166 = arith.addi %add3A_165, %select_n3A_12 : vector<16xi32>
      %gather3A_167 = tpu.vector_load_idx %arg11[%add3A_123, %add3A_166] : memref<800x16xf32, #tpu.memory_space<vmem>>[vector<16xi32>, vector<16xi32>], vector<16xf32>,
      %gather3A_168 = tpu.vector_load_idx %arg12[%add3A_123, %add3A_166] : memref<800x16xf32, #tpu.memory_space<vmem>>[vector<16xi32>, vector<16xi32>], vector<16xf32>,
      %mul3A_169 = arith.mulf %gather3A_167, %gather3A_168 : vector<16xf32>
      %add3A_170 = arith.addf %add3A_163, %mul3A_169 : vector<16xf32>
      %add3A_171 = arith.constant 7 : i32
      %add3A_172 = vector.broadcast %add3A_171 : i32 to vector<16xi32>
      %add3A_173 = arith.addi %add3A_172, %select_n3A_12 : vector<16xi32>
      %gather3A_174 = tpu.vector_load_idx %arg11[%add3A_123, %add3A_173] : memref<800x16xf32, #tpu.memory_space<vmem>>[vector<16xi32>, vector<16xi32>], vector<16xf32>,
      %gather3A_175 = tpu.vector_load_idx %arg12[%add3A_123, %add3A_173] : memref<800x16xf32, #tpu.memory_space<vmem>>[vector<16xi32>, vector<16xi32>], vector<16xf32>,
      %mul3A_176 = arith.mulf %gather3A_174, %gather3A_175 : vector<16xf32>
      %add3A_177 = arith.addf %add3A_170, %mul3A_176 : vector<16xf32>
      %rev3A = arith.constant 15 : i32
      %rev3A_178 = vector.broadcast %rev3A : i32 to vector<16xi32>
      %rev3A_179 = tpu.iota {dimensions = array<i32: 0>} : vector<16xi32>
      %rev3A_180 = arith.subi %rev3A_178, %rev3A_179 : vector<16xi32>
      %rev3A_181 = tpu.dynamic_gather %mul3A_130[%rev3A_180] in [0] : vector<16xf32>, vector<16xi32> -> vector<16xf32>
      %add3A_182 = arith.addf %add3A_177, %rev3A_181 : vector<16xf32>
      %add3A_183 = arith.addf %add3A_150, %add3A_177 : vector<16xf32>
      %rev3A_184 = arith.constant 15 : i32
      %rev3A_185 = vector.broadcast %rev3A_184 : i32 to vector<16xi32>
      %rev3A_186 = tpu.iota {dimensions = array<i32: 0>} : vector<16xi32>
      %rev3A_187 = arith.subi %rev3A_185, %rev3A_186 : vector<16xi32>
      %rev3A_188 = tpu.dynamic_gather %add3A_183[%rev3A_187] in [0] : vector<16xf32>, vector<16xi32> -> vector<16xf32>
      tpu.vector_store_idx %arg17[%add3A_125], %mul3A_130 masked %lt3A_15 : memref<800xf32, #tpu.memory_space<vmem>>[vector<16xi32>], vector<16xf32>, vector<16xi1>
      tpu.vector_store_idx %arg18[%add3A_125], %add3A_150 masked %lt3A_15 : memref<800xf32, #tpu.memory_space<vmem>>[vector<16xi32>], vector<16xf32>, vector<16xi1>
      tpu.vector_store_idx %arg19[%add3A_125], %add3A_182 masked %lt3A_15 : memref<800xf32, #tpu.memory_space<vmem>>[vector<16xi32>], vector<16xf32>, vector<16xi1>
      tpu.vector_store_idx %arg20[%add3A_125], %rev3A_188 masked %lt3A_15 : memref<800xf32, #tpu.memory_space<vmem>>[vector<16xi32>], vector<16xf32>, vector<16xi1>
      %mul3A_189 = arith.constant 5 : i32
      %mul3A_190 = arith.muli %scan3A_115, %mul3A_189 : i32
      %add3A_191 = arith.constant 1 : i32
      %add3A_192 = arith.addi %mul3A_190, %add3A_191 : i32
      %mul3A_193 = arith.constant 8 : i32
      %mul3A_194 = arith.muli %add3A_192, %mul3A_193 : i32
      %add3A_195 = vector.broadcast %mul3A_194 : i32 to vector<16xi32>
      %add3A_196 = arith.addi %add3A_195, %select_n3A : vector<16xi32>
      %add3A_197 = vector.broadcast %mul3A_194 : i32 to vector<16xi32>
      %add3A_198 = arith.addi %add3A_197, %iota3A : vector<16xi32>
      %add3A_199 = arith.constant 0 : i32
      %add3A_200 = vector.broadcast %add3A_199 : i32 to vector<16xi32>
      %add3A_201 = arith.addi %add3A_200, %select_n3A_12 : vector<16xi32>
      %gather3A_202 = tpu.vector_load_idx %arg11[%add3A_196, %add3A_201] : memref<800x16xf32, #tpu.memory_space<vmem>>[vector<16xi32>, vector<16xi32>], vector<16xf32>,
      %gather3A_203 = tpu.vector_load_idx %arg12[%add3A_196, %add3A_201] : memref<800x16xf32, #tpu.memory_space<vmem>>[vector<16xi32>, vector<16xi32>], vector<16xf32>,
      %mul3A_204 = arith.mulf %gather3A_202, %gather3A_203 : vector<16xf32>
      %add3A_205 = arith.constant 1 : i32
      %add3A_206 = vector.broadcast %add3A_205 : i32 to vector<16xi32>
      %add3A_207 = arith.addi %add3A_206, %select_n3A_12 : vector<16xi32>
      %gather3A_208 = tpu.vector_load_idx %arg11[%add3A_196, %add3A_207] : memref<800x16xf32, #tpu.memory_space<vmem>>[vector<16xi32>, vector<16xi32>], vector<16xf32>,
      %gather3A_209 = tpu.vector_load_idx %arg12[%add3A_196, %add3A_207] : memref<800x16xf32, #tpu.memory_space<vmem>>[vector<16xi32>, vector<16xi32>], vector<16xf32>,
      %mul3A_210 = arith.mulf %gather3A_208, %gather3A_209 : vector<16xf32>
      %add3A_211 = arith.constant 2 : i32
      %add3A_212 = vector.broadcast %add3A_211 : i32 to vector<16xi32>
      %add3A_213 = arith.addi %add3A_212, %select_n3A_12 : vector<16xi32>
      %gather3A_214 = tpu.vector_load_idx %arg11[%add3A_196, %add3A_213] : memref<800x16xf32, #tpu.memory_space<vmem>>[vector<16xi32>, vector<16xi32>], vector<16xf32>,
      %gather3A_215 = tpu.vector_load_idx %arg12[%add3A_196, %add3A_213] : memref<800x16xf32, #tpu.memory_space<vmem>>[vector<16xi32>, vector<16xi32>], vector<16xf32>,
      %mul3A_216 = arith.mulf %gather3A_214, %gather3A_215 : vector<16xf32>
      %add3A_217 = arith.addf %mul3A_210, %mul3A_216 : vector<16xf32>
      %add3A_218 = arith.constant 3 : i32
      %add3A_219 = vector.broadcast %add3A_218 : i32 to vector<16xi32>
      %add3A_220 = arith.addi %add3A_219, %select_n3A_12 : vector<16xi32>
      %gather3A_221 = tpu.vector_load_idx %arg11[%add3A_196, %add3A_220] : memref<800x16xf32, #tpu.memory_space<vmem>>[vector<16xi32>, vector<16xi32>], vector<16xf32>,
      %gather3A_222 = tpu.vector_load_idx %arg12[%add3A_196, %add3A_220] : memref<800x16xf32, #tpu.memory_space<vmem>>[vector<16xi32>, vector<16xi32>], vector<16xf32>,
      %mul3A_223 = arith.mulf %gather3A_221, %gather3A_222 : vector<16xf32>
      %add3A_224 = arith.addf %add3A_217, %mul3A_223 : vector<16xf32>
      %add3A_225 = arith.constant 4 : i32
      %add3A_226 = vector.broadcast %add3A_225 : i32 to vector<16xi32>
      %add3A_227 = arith.addi %add3A_226, %select_n3A_12 : vector<16xi32>
      %gather3A_228 = tpu.vector_load_idx %arg11[%add3A_196, %add3A_227] : memref<800x16xf32, #tpu.memory_space<vmem>>[vector<16xi32>, vector<16xi32>], vector<16xf32>,
      %gather3A_229 = tpu.vector_load_idx %arg12[%add3A_196, %add3A_227] : memref<800x16xf32, #tpu.memory_space<vmem>>[vector<16xi32>, vector<16xi32>], vector<16xf32>,
      %mul3A_230 = arith.mulf %gather3A_228, %gather3A_229 : vector<16xf32>
      %add3A_231 = arith.constant 5 : i32
      %add3A_232 = vector.broadcast %add3A_231 : i32 to vector<16xi32>
      %add3A_233 = arith.addi %add3A_232, %select_n3A_12 : vector<16xi32>
      %gather3A_234 = tpu.vector_load_idx %arg11[%add3A_196, %add3A_233] : memref<800x16xf32, #tpu.memory_space<vmem>>[vector<16xi32>, vector<16xi32>], vector<16xf32>,
      %gather3A_235 = tpu.vector_load_idx %arg12[%add3A_196, %add3A_233] : memref<800x16xf32, #tpu.memory_space<vmem>>[vector<16xi32>, vector<16xi32>], vector<16xf32>,
      %mul3A_236 = arith.mulf %gather3A_234, %gather3A_235 : vector<16xf32>
      %add3A_237 = arith.addf %mul3A_230, %mul3A_236 : vector<16xf32>
      %add3A_238 = arith.constant 6 : i32
      %add3A_239 = vector.broadcast %add3A_238 : i32 to vector<16xi32>
      %add3A_240 = arith.addi %add3A_239, %select_n3A_12 : vector<16xi32>
      %gather3A_241 = tpu.vector_load_idx %arg11[%add3A_196, %add3A_240] : memref<800x16xf32, #tpu.memory_space<vmem>>[vector<16xi32>, vector<16xi32>], vector<16xf32>,
      %gather3A_242 = tpu.vector_load_idx %arg12[%add3A_196, %add3A_240] : memref<800x16xf32, #tpu.memory_space<vmem>>[vector<16xi32>, vector<16xi32>], vector<16xf32>,
      %mul3A_243 = arith.mulf %gather3A_241, %gather3A_242 : vector<16xf32>
      %add3A_244 = arith.addf %add3A_237, %mul3A_243 : vector<16xf32>
      %add3A_245 = arith.constant 7 : i32
      %add3A_246 = vector.broadcast %add3A_245 : i32 to vector<16xi32>
      %add3A_247 = arith.addi %add3A_246, %select_n3A_12 : vector<16xi32>
      %gather3A_248 = tpu.vector_load_idx %arg11[%add3A_196, %add3A_247] : memref<800x16xf32, #tpu.memory_space<vmem>>[vector<16xi32>, vector<16xi32>], vector<16xf32>,
      %gather3A_249 = tpu.vector_load_idx %arg12[%add3A_196, %add3A_247] : memref<800x16xf32, #tpu.memory_space<vmem>>[vector<16xi32>, vector<16xi32>], vector<16xf32>,
      %mul3A_250 = arith.mulf %gather3A_248, %gather3A_249 : vector<16xf32>
      %add3A_251 = arith.addf %add3A_244, %mul3A_250 : vector<16xf32>
      %rev3A_252 = arith.constant 15 : i32
      %rev3A_253 = vector.broadcast %rev3A_252 : i32 to vector<16xi32>
      %rev3A_254 = tpu.iota {dimensions = array<i32: 0>} : vector<16xi32>
      %rev3A_255 = arith.subi %rev3A_253, %rev3A_254 : vector<16xi32>
      %rev3A_256 = tpu.dynamic_gather %mul3A_204[%rev3A_255] in [0] : vector<16xf32>, vector<16xi32> -> vector<16xf32>
      %add3A_257 = arith.addf %add3A_251, %rev3A_256 : vector<16xf32>
      %add3A_258 = arith.addf %add3A_224, %add3A_251 : vector<16xf32>
      %rev3A_259 = arith.constant 15 : i32
      %rev3A_260 = vector.broadcast %rev3A_259 : i32 to vector<16xi32>
      %rev3A_261 = tpu.iota {dimensions = array<i32: 0>} : vector<16xi32>
      %rev3A_262 = arith.subi %rev3A_260, %rev3A_261 : vector<16xi32>
      %rev3A_263 = tpu.dynamic_gather %add3A_258[%rev3A_262] in [0] : vector<16xf32>, vector<16xi32> -> vector<16xf32>
      tpu.vector_store_idx %arg17[%add3A_198], %mul3A_204 masked %lt3A_15 : memref<800xf32, #tpu.memory_space<vmem>>[vector<16xi32>], vector<16xf32>, vector<16xi1>
      tpu.vector_store_idx %arg18[%add3A_198], %add3A_224 masked %lt3A_15 : memref<800xf32, #tpu.memory_space<vmem>>[vector<16xi32>], vector<16xf32>, vector<16xi1>
      tpu.vector_store_idx %arg19[%add3A_198], %add3A_257 masked %lt3A_15 : memref<800xf32, #tpu.memory_space<vmem>>[vector<16xi32>], vector<16xf32>, vector<16xi1>
      tpu.vector_store_idx %arg20[%add3A_198], %rev3A_263 masked %lt3A_15 : memref<800xf32, #tpu.memory_space<vmem>>[vector<16xi32>], vector<16xf32>, vector<16xi1>
      %mul3A_264 = arith.constant 5 : i32
      %mul3A_265 = arith.muli %scan3A_115, %mul3A_264 : i32
      %add3A_266 = arith.constant 2 : i32
      %add3A_267 = arith.addi %mul3A_265, %add3A_266 : i32
      %mul3A_268 = arith.constant 8 : i32
      %mul3A_269 = arith.muli %add3A_267, %mul3A_268 : i32
      %add3A_270 = vector.broadcast %mul3A_269 : i32 to vector<16xi32>
      %add3A_271 = arith.addi %add3A_270, %select_n3A : vector<16xi32>
      %add3A_272 = vector.broadcast %mul3A_269 : i32 to vector<16xi32>
      %add3A_273 = arith.addi %add3A_272, %iota3A : vector<16xi32>
      %add3A_274 = arith.constant 0 : i32
      %add3A_275 = vector.broadcast %add3A_274 : i32 to vector<16xi32>
      %add3A_276 = arith.addi %add3A_275, %select_n3A_12 : vector<16xi32>
      %gather3A_277 = tpu.vector_load_idx %arg11[%add3A_271, %add3A_276] : memref<800x16xf32, #tpu.memory_space<vmem>>[vector<16xi32>, vector<16xi32>], vector<16xf32>,
      %gather3A_278 = tpu.vector_load_idx %arg12[%add3A_271, %add3A_276] : memref<800x16xf32, #tpu.memory_space<vmem>>[vector<16xi32>, vector<16xi32>], vector<16xf32>,
      %mul3A_279 = arith.mulf %gather3A_277, %gather3A_278 : vector<16xf32>
      %add3A_280 = arith.constant 1 : i32
      %add3A_281 = vector.broadcast %add3A_280 : i32 to vector<16xi32>
      %add3A_282 = arith.addi %add3A_281, %select_n3A_12 : vector<16xi32>
      %gather3A_283 = tpu.vector_load_idx %arg11[%add3A_271, %add3A_282] : memref<800x16xf32, #tpu.memory_space<vmem>>[vector<16xi32>, vector<16xi32>], vector<16xf32>,
      %gather3A_284 = tpu.vector_load_idx %arg12[%add3A_271, %add3A_282] : memref<800x16xf32, #tpu.memory_space<vmem>>[vector<16xi32>, vector<16xi32>], vector<16xf32>,
      %mul3A_285 = arith.mulf %gather3A_283, %gather3A_284 : vector<16xf32>
      %add3A_286 = arith.constant 2 : i32
      %add3A_287 = vector.broadcast %add3A_286 : i32 to vector<16xi32>
      %add3A_288 = arith.addi %add3A_287, %select_n3A_12 : vector<16xi32>
      %gather3A_289 = tpu.vector_load_idx %arg11[%add3A_271, %add3A_288] : memref<800x16xf32, #tpu.memory_space<vmem>>[vector<16xi32>, vector<16xi32>], vector<16xf32>,
      %gather3A_290 = tpu.vector_load_idx %arg12[%add3A_271, %add3A_288] : memref<800x16xf32, #tpu.memory_space<vmem>>[vector<16xi32>, vector<16xi32>], vector<16xf32>,
      %mul3A_291 = arith.mulf %gather3A_289, %gather3A_290 : vector<16xf32>
      %add3A_292 = arith.addf %mul3A_285, %mul3A_291 : vector<16xf32>
      %add3A_293 = arith.constant 3 : i32
      %add3A_294 = vector.broadcast %add3A_293 : i32 to vector<16xi32>
      %add3A_295 = arith.addi %add3A_294, %select_n3A_12 : vector<16xi32>
      %gather3A_296 = tpu.vector_load_idx %arg11[%add3A_271, %add3A_295] : memref<800x16xf32, #tpu.memory_space<vmem>>[vector<16xi32>, vector<16xi32>], vector<16xf32>,
      %gather3A_297 = tpu.vector_load_idx %arg12[%add3A_271, %add3A_295] : memref<800x16xf32, #tpu.memory_space<vmem>>[vector<16xi32>, vector<16xi32>], vector<16xf32>,
      %mul3A_298 = arith.mulf %gather3A_296, %gather3A_297 : vector<16xf32>
      %add3A_299 = arith.addf %add3A_292, %mul3A_298 : vector<16xf32>
      %add3A_300 = arith.constant 4 : i32
      %add3A_301 = vector.broadcast %add3A_300 : i32 to vector<16xi32>
      %add3A_302 = arith.addi %add3A_301, %select_n3A_12 : vector<16xi32>
      %gather3A_303 = tpu.vector_load_idx %arg11[%add3A_271, %add3A_302] : memref<800x16xf32, #tpu.memory_space<vmem>>[vector<16xi32>, vector<16xi32>], vector<16xf32>,
      %gather3A_304 = tpu.vector_load_idx %arg12[%add3A_271, %add3A_302] : memref<800x16xf32, #tpu.memory_space<vmem>>[vector<16xi32>, vector<16xi32>], vector<16xf32>,
      %mul3A_305 = arith.mulf %gather3A_303, %gather3A_304 : vector<16xf32>
      %add3A_306 = arith.constant 5 : i32
      %add3A_307 = vector.broadcast %add3A_306 : i32 to vector<16xi32>
      %add3A_308 = arith.addi %add3A_307, %select_n3A_12 : vector<16xi32>
      %gather3A_309 = tpu.vector_load_idx %arg11[%add3A_271, %add3A_308] : memref<800x16xf32, #tpu.memory_space<vmem>>[vector<16xi32>, vector<16xi32>], vector<16xf32>,
      %gather3A_310 = tpu.vector_load_idx %arg12[%add3A_271, %add3A_308] : memref<800x16xf32, #tpu.memory_space<vmem>>[vector<16xi32>, vector<16xi32>], vector<16xf32>,
      %mul3A_311 = arith.mulf %gather3A_309, %gather3A_310 : vector<16xf32>
      %add3A_312 = arith.addf %mul3A_305, %mul3A_311 : vector<16xf32>
      %add3A_313 = arith.constant 6 : i32
      %add3A_314 = vector.broadcast %add3A_313 : i32 to vector<16xi32>
      %add3A_315 = arith.addi %add3A_314, %select_n3A_12 : vector<16xi32>
      %gather3A_316 = tpu.vector_load_idx %arg11[%add3A_271, %add3A_315] : memref<800x16xf32, #tpu.memory_space<vmem>>[vector<16xi32>, vector<16xi32>], vector<16xf32>,
      %gather3A_317 = tpu.vector_load_idx %arg12[%add3A_271, %add3A_315] : memref<800x16xf32, #tpu.memory_space<vmem>>[vector<16xi32>, vector<16xi32>], vector<16xf32>,
      %mul3A_318 = arith.mulf %gather3A_316, %gather3A_317 : vector<16xf32>
      %add3A_319 = arith.addf %add3A_312, %mul3A_318 : vector<16xf32>
      %add3A_320 = arith.constant 7 : i32
      %add3A_321 = vector.broadcast %add3A_320 : i32 to vector<16xi32>
      %add3A_322 = arith.addi %add3A_321, %select_n3A_12 : vector<16xi32>
      %gather3A_323 = tpu.vector_load_idx %arg11[%add3A_271, %add3A_322] : memref<800x16xf32, #tpu.memory_space<vmem>>[vector<16xi32>, vector<16xi32>], vector<16xf32>,
      %gather3A_324 = tpu.vector_load_idx %arg12[%add3A_271, %add3A_322] : memref<800x16xf32, #tpu.memory_space<vmem>>[vector<16xi32>, vector<16xi32>], vector<16xf32>,
      %mul3A_325 = arith.mulf %gather3A_323, %gather3A_324 : vector<16xf32>
      %add3A_326 = arith.addf %add3A_319, %mul3A_325 : vector<16xf32>
      %rev3A_327 = arith.constant 15 : i32
      %rev3A_328 = vector.broadcast %rev3A_327 : i32 to vector<16xi32>
      %rev3A_329 = tpu.iota {dimensions = array<i32: 0>} : vector<16xi32>
      %rev3A_330 = arith.subi %rev3A_328, %rev3A_329 : vector<16xi32>
      %rev3A_331 = tpu.dynamic_gather %mul3A_279[%rev3A_330] in [0] : vector<16xf32>, vector<16xi32> -> vector<16xf32>
      %add3A_332 = arith.addf %add3A_326, %rev3A_331 : vector<16xf32>
      %add3A_333 = arith.addf %add3A_299, %add3A_326 : vector<16xf32>
      %rev3A_334 = arith.constant 15 : i32
      %rev3A_335 = vector.broadcast %rev3A_334 : i32 to vector<16xi32>
      %rev3A_336 = tpu.iota {dimensions = array<i32: 0>} : vector<16xi32>
      %rev3A_337 = arith.subi %rev3A_335, %rev3A_336 : vector<16xi32>
      %rev3A_338 = tpu.dynamic_gather %add3A_333[%rev3A_337] in [0] : vector<16xf32>, vector<16xi32> -> vector<16xf32>
      tpu.vector_store_idx %arg17[%add3A_273], %mul3A_279 masked %lt3A_15 : memref<800xf32, #tpu.memory_space<vmem>>[vector<16xi32>], vector<16xf32>, vector<16xi1>
      tpu.vector_store_idx %arg18[%add3A_273], %add3A_299 masked %lt3A_15 : memref<800xf32, #tpu.memory_space<vmem>>[vector<16xi32>], vector<16xf32>, vector<16xi1>
      tpu.vector_store_idx %arg19[%add3A_273], %add3A_332 masked %lt3A_15 : memref<800xf32, #tpu.memory_space<vmem>>[vector<16xi32>], vector<16xf32>, vector<16xi1>
      tpu.vector_store_idx %arg20[%add3A_273], %rev3A_338 masked %lt3A_15 : memref<800xf32, #tpu.memory_space<vmem>>[vector<16xi32>], vector<16xf32>, vector<16xi1>
      %mul3A_339 = arith.constant 5 : i32
      %mul3A_340 = arith.muli %scan3A_115, %mul3A_339 : i32
      %add3A_341 = arith.constant 3 : i32
      %add3A_342 = arith.addi %mul3A_340, %add3A_341 : i32
      %mul3A_343 = arith.constant 8 : i32
      %mul3A_344 = arith.muli %add3A_342, %mul3A_343 : i32
      %add3A_345 = vector.broadcast %mul3A_344 : i32 to vector<16xi32>
      %add3A_346 = arith.addi %add3A_345, %select_n3A : vector<16xi32>
      %add3A_347 = vector.broadcast %mul3A_344 : i32 to vector<16xi32>
      %add3A_348 = arith.addi %add3A_347, %iota3A : vector<16xi32>
      %add3A_349 = arith.constant 0 : i32
      %add3A_350 = vector.broadcast %add3A_349 : i32 to vector<16xi32>
      %add3A_351 = arith.addi %add3A_350, %select_n3A_12 : vector<16xi32>
      %gather3A_352 = tpu.vector_load_idx %arg11[%add3A_346, %add3A_351] : memref<800x16xf32, #tpu.memory_space<vmem>>[vector<16xi32>, vector<16xi32>], vector<16xf32>,
      %gather3A_353 = tpu.vector_load_idx %arg12[%add3A_346, %add3A_351] : memref<800x16xf32, #tpu.memory_space<vmem>>[vector<16xi32>, vector<16xi32>], vector<16xf32>,
      %mul3A_354 = arith.mulf %gather3A_352, %gather3A_353 : vector<16xf32>
      %add3A_355 = arith.constant 1 : i32
      %add3A_356 = vector.broadcast %add3A_355 : i32 to vector<16xi32>
      %add3A_357 = arith.addi %add3A_356, %select_n3A_12 : vector<16xi32>
      %gather3A_358 = tpu.vector_load_idx %arg11[%add3A_346, %add3A_357] : memref<800x16xf32, #tpu.memory_space<vmem>>[vector<16xi32>, vector<16xi32>], vector<16xf32>,
      %gather3A_359 = tpu.vector_load_idx %arg12[%add3A_346, %add3A_357] : memref<800x16xf32, #tpu.memory_space<vmem>>[vector<16xi32>, vector<16xi32>], vector<16xf32>,
      %mul3A_360 = arith.mulf %gather3A_358, %gather3A_359 : vector<16xf32>
      %add3A_361 = arith.constant 2 : i32
      %add3A_362 = vector.broadcast %add3A_361 : i32 to vector<16xi32>
      %add3A_363 = arith.addi %add3A_362, %select_n3A_12 : vector<16xi32>
      %gather3A_364 = tpu.vector_load_idx %arg11[%add3A_346, %add3A_363] : memref<800x16xf32, #tpu.memory_space<vmem>>[vector<16xi32>, vector<16xi32>], vector<16xf32>,
      %gather3A_365 = tpu.vector_load_idx %arg12[%add3A_346, %add3A_363] : memref<800x16xf32, #tpu.memory_space<vmem>>[vector<16xi32>, vector<16xi32>], vector<16xf32>,
      %mul3A_366 = arith.mulf %gather3A_364, %gather3A_365 : vector<16xf32>
      %add3A_367 = arith.addf %mul3A_360, %mul3A_366 : vector<16xf32>
      %add3A_368 = arith.constant 3 : i32
      %add3A_369 = vector.broadcast %add3A_368 : i32 to vector<16xi32>
      %add3A_370 = arith.addi %add3A_369, %select_n3A_12 : vector<16xi32>
      %gather3A_371 = tpu.vector_load_idx %arg11[%add3A_346, %add3A_370] : memref<800x16xf32, #tpu.memory_space<vmem>>[vector<16xi32>, vector<16xi32>], vector<16xf32>,
      %gather3A_372 = tpu.vector_load_idx %arg12[%add3A_346, %add3A_370] : memref<800x16xf32, #tpu.memory_space<vmem>>[vector<16xi32>, vector<16xi32>], vector<16xf32>,
      %mul3A_373 = arith.mulf %gather3A_371, %gather3A_372 : vector<16xf32>
      %add3A_374 = arith.addf %add3A_367, %mul3A_373 : vector<16xf32>
      %add3A_375 = arith.constant 4 : i32
      %add3A_376 = vector.broadcast %add3A_375 : i32 to vector<16xi32>
      %add3A_377 = arith.addi %add3A_376, %select_n3A_12 : vector<16xi32>
      %gather3A_378 = tpu.vector_load_idx %arg11[%add3A_346, %add3A_377] : memref<800x16xf32, #tpu.memory_space<vmem>>[vector<16xi32>, vector<16xi32>], vector<16xf32>,
      %gather3A_379 = tpu.vector_load_idx %arg12[%add3A_346, %add3A_377] : memref<800x16xf32, #tpu.memory_space<vmem>>[vector<16xi32>, vector<16xi32>], vector<16xf32>,
      %mul3A_380 = arith.mulf %gather3A_378, %gather3A_379 : vector<16xf32>
      %add3A_381 = arith.constant 5 : i32
      %add3A_382 = vector.broadcast %add3A_381 : i32 to vector<16xi32>
      %add3A_383 = arith.addi %add3A_382, %select_n3A_12 : vector<16xi32>
      %gather3A_384 = tpu.vector_load_idx %arg11[%add3A_346, %add3A_383] : memref<800x16xf32, #tpu.memory_space<vmem>>[vector<16xi32>, vector<16xi32>], vector<16xf32>,
      %gather3A_385 = tpu.vector_load_idx %arg12[%add3A_346, %add3A_383] : memref<800x16xf32, #tpu.memory_space<vmem>>[vector<16xi32>, vector<16xi32>], vector<16xf32>,
      %mul3A_386 = arith.mulf %gather3A_384, %gather3A_385 : vector<16xf32>
      %add3A_387 = arith.addf %mul3A_380, %mul3A_386 : vector<16xf32>
      %add3A_388 = arith.constant 6 : i32
      %add3A_389 = vector.broadcast %add3A_388 : i32 to vector<16xi32>
      %add3A_390 = arith.addi %add3A_389, %select_n3A_12 : vector<16xi32>
      %gather3A_391 = tpu.vector_load_idx %arg11[%add3A_346, %add3A_390] : memref<800x16xf32, #tpu.memory_space<vmem>>[vector<16xi32>, vector<16xi32>], vector<16xf32>,
      %gather3A_392 = tpu.vector_load_idx %arg12[%add3A_346, %add3A_390] : memref<800x16xf32, #tpu.memory_space<vmem>>[vector<16xi32>, vector<16xi32>], vector<16xf32>,
      %mul3A_393 = arith.mulf %gather3A_391, %gather3A_392 : vector<16xf32>
      %add3A_394 = arith.addf %add3A_387, %mul3A_393 : vector<16xf32>
      %add3A_395 = arith.constant 7 : i32
      %add3A_396 = vector.broadcast %add3A_395 : i32 to vector<16xi32>
      %add3A_397 = arith.addi %add3A_396, %select_n3A_12 : vector<16xi32>
      %gather3A_398 = tpu.vector_load_idx %arg11[%add3A_346, %add3A_397] : memref<800x16xf32, #tpu.memory_space<vmem>>[vector<16xi32>, vector<16xi32>], vector<16xf32>,
      %gather3A_399 = tpu.vector_load_idx %arg12[%add3A_346, %add3A_397] : memref<800x16xf32, #tpu.memory_space<vmem>>[vector<16xi32>, vector<16xi32>], vector<16xf32>,
      %mul3A_400 = arith.mulf %gather3A_398, %gather3A_399 : vector<16xf32>
      %add3A_401 = arith.addf %add3A_394, %mul3A_400 : vector<16xf32>
      %rev3A_402 = arith.constant 15 : i32
      %rev3A_403 = vector.broadcast %rev3A_402 : i32 to vector<16xi32>
      %rev3A_404 = tpu.iota {dimensions = array<i32: 0>} : vector<16xi32>
      %rev3A_405 = arith.subi %rev3A_403, %rev3A_404 : vector<16xi32>
      %rev3A_406 = tpu.dynamic_gather %mul3A_354[%rev3A_405] in [0] : vector<16xf32>, vector<16xi32> -> vector<16xf32>
      %add3A_407 = arith.addf %add3A_401, %rev3A_406 : vector<16xf32>
      %add3A_408 = arith.addf %add3A_374, %add3A_401 : vector<16xf32>
      %rev3A_409 = arith.constant 15 : i32
      %rev3A_410 = vector.broadcast %rev3A_409 : i32 to vector<16xi32>
      %rev3A_411 = tpu.iota {dimensions = array<i32: 0>} : vector<16xi32>
      %rev3A_412 = arith.subi %rev3A_410, %rev3A_411 : vector<16xi32>
      %rev3A_413 = tpu.dynamic_gather %add3A_408[%rev3A_412] in [0] : vector<16xf32>, vector<16xi32> -> vector<16xf32>
      tpu.vector_store_idx %arg17[%add3A_348], %mul3A_354 masked %lt3A_15 : memref<800xf32, #tpu.memory_space<vmem>>[vector<16xi32>], vector<16xf32>, vector<16xi1>
      tpu.vector_store_idx %arg18[%add3A_348], %add3A_374 masked %lt3A_15 : memref<800xf32, #tpu.memory_space<vmem>>[vector<16xi32>], vector<16xf32>, vector<16xi1>
      tpu.vector_store_idx %arg19[%add3A_348], %add3A_407 masked %lt3A_15 : memref<800xf32, #tpu.memory_space<vmem>>[vector<16xi32>], vector<16xf32>, vector<16xi1>
      tpu.vector_store_idx %arg20[%add3A_348], %rev3A_413 masked %lt3A_15 : memref<800xf32, #tpu.memory_space<vmem>>[vector<16xi32>], vector<16xf32>, vector<16xi1>
      %mul3A_414 = arith.constant 5 : i32
      %mul3A_415 = arith.muli %scan3A_115, %mul3A_414 : i32
      %add3A_416 = arith.constant 4 : i32
      %add3A_417 = arith.addi %mul3A_415, %add3A_416 : i32
      %mul3A_418 = arith.constant 8 : i32
      %mul3A_419 = arith.muli %add3A_417, %mul3A_418 : i32
      %add3A_420 = vector.broadcast %mul3A_419 : i32 to vector<16xi32>
      %add3A_421 = arith.addi %add3A_420, %select_n3A : vector<16xi32>
      %add3A_422 = vector.broadcast %mul3A_419 : i32 to vector<16xi32>
      %add3A_423 = arith.addi %add3A_422, %iota3A : vector<16xi32>
      %add3A_424 = arith.constant 0 : i32
      %add3A_425 = vector.broadcast %add3A_424 : i32 to vector<16xi32>
      %add3A_426 = arith.addi %add3A_425, %select_n3A_12 : vector<16xi32>
      %gather3A_427 = tpu.vector_load_idx %arg11[%add3A_421, %add3A_426] : memref<800x16xf32, #tpu.memory_space<vmem>>[vector<16xi32>, vector<16xi32>], vector<16xf32>,
      %gather3A_428 = tpu.vector_load_idx %arg12[%add3A_421, %add3A_426] : memref<800x16xf32, #tpu.memory_space<vmem>>[vector<16xi32>, vector<16xi32>], vector<16xf32>,
      %mul3A_429 = arith.mulf %gather3A_427, %gather3A_428 : vector<16xf32>
      %add3A_430 = arith.constant 1 : i32
      %add3A_431 = vector.broadcast %add3A_430 : i32 to vector<16xi32>
      %add3A_432 = arith.addi %add3A_431, %select_n3A_12 : vector<16xi32>
      %gather3A_433 = tpu.vector_load_idx %arg11[%add3A_421, %add3A_432] : memref<800x16xf32, #tpu.memory_space<vmem>>[vector<16xi32>, vector<16xi32>], vector<16xf32>,
      %gather3A_434 = tpu.vector_load_idx %arg12[%add3A_421, %add3A_432] : memref<800x16xf32, #tpu.memory_space<vmem>>[vector<16xi32>, vector<16xi32>], vector<16xf32>,
      %mul3A_435 = arith.mulf %gather3A_433, %gather3A_434 : vector<16xf32>
      %add3A_436 = arith.constant 2 : i32
      %add3A_437 = vector.broadcast %add3A_436 : i32 to vector<16xi32>
      %add3A_438 = arith.addi %add3A_437, %select_n3A_12 : vector<16xi32>
      %gather3A_439 = tpu.vector_load_idx %arg11[%add3A_421, %add3A_438] : memref<800x16xf32, #tpu.memory_space<vmem>>[vector<16xi32>, vector<16xi32>], vector<16xf32>,
      %gather3A_440 = tpu.vector_load_idx %arg12[%add3A_421, %add3A_438] : memref<800x16xf32, #tpu.memory_space<vmem>>[vector<16xi32>, vector<16xi32>], vector<16xf32>,
      %mul3A_441 = arith.mulf %gather3A_439, %gather3A_440 : vector<16xf32>
      %add3A_442 = arith.addf %mul3A_435, %mul3A_441 : vector<16xf32>
      %add3A_443 = arith.constant 3 : i32
      %add3A_444 = vector.broadcast %add3A_443 : i32 to vector<16xi32>
      %add3A_445 = arith.addi %add3A_444, %select_n3A_12 : vector<16xi32>
      %gather3A_446 = tpu.vector_load_idx %arg11[%add3A_421, %add3A_445] : memref<800x16xf32, #tpu.memory_space<vmem>>[vector<16xi32>, vector<16xi32>], vector<16xf32>,
      %gather3A_447 = tpu.vector_load_idx %arg12[%add3A_421, %add3A_445] : memref<800x16xf32, #tpu.memory_space<vmem>>[vector<16xi32>, vector<16xi32>], vector<16xf32>,
      %mul3A_448 = arith.mulf %gather3A_446, %gather3A_447 : vector<16xf32>
      %add3A_449 = arith.addf %add3A_442, %mul3A_448 : vector<16xf32>
      %add3A_450 = arith.constant 4 : i32
      %add3A_451 = vector.broadcast %add3A_450 : i32 to vector<16xi32>
      %add3A_452 = arith.addi %add3A_451, %select_n3A_12 : vector<16xi32>
      %gather3A_453 = tpu.vector_load_idx %arg11[%add3A_421, %add3A_452] : memref<800x16xf32, #tpu.memory_space<vmem>>[vector<16xi32>, vector<16xi32>], vector<16xf32>,
      %gather3A_454 = tpu.vector_load_idx %arg12[%add3A_421, %add3A_452] : memref<800x16xf32, #tpu.memory_space<vmem>>[vector<16xi32>, vector<16xi32>], vector<16xf32>,
      %mul3A_455 = arith.mulf %gather3A_453, %gather3A_454 : vector<16xf32>
      %add3A_456 = arith.constant 5 : i32
      %add3A_457 = vector.broadcast %add3A_456 : i32 to vector<16xi32>
      %add3A_458 = arith.addi %add3A_457, %select_n3A_12 : vector<16xi32>
      %gather3A_459 = tpu.vector_load_idx %arg11[%add3A_421, %add3A_458] : memref<800x16xf32, #tpu.memory_space<vmem>>[vector<16xi32>, vector<16xi32>], vector<16xf32>,
      %gather3A_460 = tpu.vector_load_idx %arg12[%add3A_421, %add3A_458] : memref<800x16xf32, #tpu.memory_space<vmem>>[vector<16xi32>, vector<16xi32>], vector<16xf32>,
      %mul3A_461 = arith.mulf %gather3A_459, %gather3A_460 : vector<16xf32>
      %add3A_462 = arith.addf %mul3A_455, %mul3A_461 : vector<16xf32>
      %add3A_463 = arith.constant 6 : i32
      %add3A_464 = vector.broadcast %add3A_463 : i32 to vector<16xi32>
      %add3A_465 = arith.addi %add3A_464, %select_n3A_12 : vector<16xi32>
      %gather3A_466 = tpu.vector_load_idx %arg11[%add3A_421, %add3A_465] : memref<800x16xf32, #tpu.memory_space<vmem>>[vector<16xi32>, vector<16xi32>], vector<16xf32>,
      %gather3A_467 = tpu.vector_load_idx %arg12[%add3A_421, %add3A_465] : memref<800x16xf32, #tpu.memory_space<vmem>>[vector<16xi32>, vector<16xi32>], vector<16xf32>,
      %mul3A_468 = arith.mulf %gather3A_466, %gather3A_467 : vector<16xf32>
      %add3A_469 = arith.addf %add3A_462, %mul3A_468 : vector<16xf32>
      %add3A_470 = arith.constant 7 : i32
      %add3A_471 = vector.broadcast %add3A_470 : i32 to vector<16xi32>
      %add3A_472 = arith.addi %add3A_471, %select_n3A_12 : vector<16xi32>
      %gather3A_473 = tpu.vector_load_idx %arg11[%add3A_421, %add3A_472] : memref<800x16xf32, #tpu.memory_space<vmem>>[vector<16xi32>, vector<16xi32>], vector<16xf32>,
      %gather3A_474 = tpu.vector_load_idx %arg12[%add3A_421, %add3A_472] : memref<800x16xf32, #tpu.memory_space<vmem>>[vector<16xi32>, vector<16xi32>], vector<16xf32>,
      %mul3A_475 = arith.mulf %gather3A_473, %gather3A_474 : vector<16xf32>
      %add3A_476 = arith.addf %add3A_469, %mul3A_475 : vector<16xf32>
      %rev3A_477 = arith.constant 15 : i32
      %rev3A_478 = vector.broadcast %rev3A_477 : i32 to vector<16xi32>
      %rev3A_479 = tpu.iota {dimensions = array<i32: 0>} : vector<16xi32>
      %rev3A_480 = arith.subi %rev3A_478, %rev3A_479 : vector<16xi32>
      %rev3A_481 = tpu.dynamic_gather %mul3A_429[%rev3A_480] in [0] : vector<16xf32>, vector<16xi32> -> vector<16xf32>
      %add3A_482 = arith.addf %add3A_476, %rev3A_481 : vector<16xf32>
      %add3A_483 = arith.addf %add3A_449, %add3A_476 : vector<16xf32>
      %rev3A_484 = arith.constant 15 : i32
      %rev3A_485 = vector.broadcast %rev3A_484 : i32 to vector<16xi32>
      %rev3A_486 = tpu.iota {dimensions = array<i32: 0>} : vector<16xi32>
      %rev3A_487 = arith.subi %rev3A_485, %rev3A_486 : vector<16xi32>
      %rev3A_488 = tpu.dynamic_gather %add3A_483[%rev3A_487] in [0] : vector<16xf32>, vector<16xi32> -> vector<16xf32>
      tpu.vector_store_idx %arg17[%add3A_423], %mul3A_429 masked %lt3A_15 : memref<800xf32, #tpu.memory_space<vmem>>[vector<16xi32>], vector<16xf32>, vector<16xi1>
      tpu.vector_store_idx %arg18[%add3A_423], %add3A_449 masked %lt3A_15 : memref<800xf32, #tpu.memory_space<vmem>>[vector<16xi32>], vector<16xf32>, vector<16xi1>
      tpu.vector_store_idx %arg19[%add3A_423], %add3A_482 masked %lt3A_15 : memref<800xf32, #tpu.memory_space<vmem>>[vector<16xi32>], vector<16xf32>, vector<16xi1>
      tpu.vector_store_idx %arg20[%add3A_423], %rev3A_488 masked %lt3A_15 : memref<800xf32, #tpu.memory_space<vmem>>[vector<16xi32>], vector<16xf32>, vector<16xi1>
    }
    %scan3A_72 = arith.constant 20 : i32
    %add3A_73 = arith.constant 99200 : i32
    %add3A_74 = arith.addi %mul3A_2, %add3A_73 : i32
    %dma_start3A_75 = tpu.memref_slice %arg5[%add3A_74] : memref<3200000xf32, #tpu.memory_space<hbm>> -> memref<800xf32, #tpu.memory_space<hbm>>
    %dma_start3A_76 = tpu.memref_slice %arg5[%add3A_74] : memref<3200000xf32, #tpu.memory_space<hbm>> -> memref<800xf32, #tpu.memory_space<hbm>>
    tpu.enqueue_dma source(%arg17 : memref<800xf32, #tpu.memory_space<vmem>>) target(%dma_start3A_76 : memref<800xf32, #tpu.memory_space<hbm>>) target_semaphore(%arg29 : memref<!tpu.dma_semaphore, #tpu.memory_space<semaphore_mem>>)
    %dma_start3A_77 = tpu.memref_slice %arg6[%add3A_74] : memref<3200000xf32, #tpu.memory_space<hbm>> -> memref<800xf32, #tpu.memory_space<hbm>>
    %dma_start3A_78 = tpu.memref_slice %arg6[%add3A_74] : memref<3200000xf32, #tpu.memory_space<hbm>> -> memref<800xf32, #tpu.memory_space<hbm>>
    tpu.enqueue_dma source(%arg18 : memref<800xf32, #tpu.memory_space<vmem>>) target(%dma_start3A_78 : memref<800xf32, #tpu.memory_space<hbm>>) target_semaphore(%arg29 : memref<!tpu.dma_semaphore, #tpu.memory_space<semaphore_mem>>)
    %dma_start3A_79 = tpu.memref_slice %arg7[%add3A_74] : memref<3200000xf32, #tpu.memory_space<hbm>> -> memref<800xf32, #tpu.memory_space<hbm>>
    %dma_start3A_80 = tpu.memref_slice %arg7[%add3A_74] : memref<3200000xf32, #tpu.memory_space<hbm>> -> memref<800xf32, #tpu.memory_space<hbm>>
    tpu.enqueue_dma source(%arg19 : memref<800xf32, #tpu.memory_space<vmem>>) target(%dma_start3A_80 : memref<800xf32, #tpu.memory_space<hbm>>) target_semaphore(%arg29 : memref<!tpu.dma_semaphore, #tpu.memory_space<semaphore_mem>>)
    %dma_start3A_81 = tpu.memref_slice %arg8[%add3A_74] : memref<3200000xf32, #tpu.memory_space<hbm>> -> memref<800xf32, #tpu.memory_space<hbm>>
    %dma_start3A_82 = tpu.memref_slice %arg8[%add3A_74] : memref<3200000xf32, #tpu.memory_space<hbm>> -> memref<800xf32, #tpu.memory_space<hbm>>
    tpu.enqueue_dma source(%arg20 : memref<800xf32, #tpu.memory_space<vmem>>) target(%dma_start3A_82 : memref<800xf32, #tpu.memory_space<hbm>>) target_semaphore(%arg29 : memref<!tpu.dma_semaphore, #tpu.memory_space<semaphore_mem>>)
    %dma_wait3A_83 = arith.constant 0 : i32
    %dma_wait3A_84 = tpu.memref_slice %arg5[%dma_wait3A_83] : memref<3200000xf32, #tpu.memory_space<hbm>> -> memref<800xf32, #tpu.memory_space<hbm>>
    %dma_wait3A_85 = arith.constant 0 : i32
    %dma_wait3A_86 = tpu.memref_slice %arg5[%dma_wait3A_85] : memref<3200000xf32, #tpu.memory_space<hbm>> -> memref<800xf32, #tpu.memory_space<hbm>>
    tpu.wait_dma2 semaphore(%arg30 : memref<!tpu.dma_semaphore, #tpu.memory_space<semaphore_mem>>) src(%arg21 : memref<800xf32, #tpu.memory_space<vmem>>) dst(%dma_wait3A_86 : memref<800xf32, #tpu.memory_space<hbm>>)
    %dma_wait3A_87 = arith.constant 0 : i32
    %dma_wait3A_88 = tpu.memref_slice %arg6[%dma_wait3A_87] : memref<3200000xf32, #tpu.memory_space<hbm>> -> memref<800xf32, #tpu.memory_space<hbm>>
    %dma_wait3A_89 = arith.constant 0 : i32
    %dma_wait3A_90 = tpu.memref_slice %arg6[%dma_wait3A_89] : memref<3200000xf32, #tpu.memory_space<hbm>> -> memref<800xf32, #tpu.memory_space<hbm>>
    tpu.wait_dma2 semaphore(%arg30 : memref<!tpu.dma_semaphore, #tpu.memory_space<semaphore_mem>>) src(%arg22 : memref<800xf32, #tpu.memory_space<vmem>>) dst(%dma_wait3A_90 : memref<800xf32, #tpu.memory_space<hbm>>)
    %dma_wait3A_91 = arith.constant 0 : i32
    %dma_wait3A_92 = tpu.memref_slice %arg7[%dma_wait3A_91] : memref<3200000xf32, #tpu.memory_space<hbm>> -> memref<800xf32, #tpu.memory_space<hbm>>
    %dma_wait3A_93 = arith.constant 0 : i32
    %dma_wait3A_94 = tpu.memref_slice %arg7[%dma_wait3A_93] : memref<3200000xf32, #tpu.memory_space<hbm>> -> memref<800xf32, #tpu.memory_space<hbm>>
    tpu.wait_dma2 semaphore(%arg30 : memref<!tpu.dma_semaphore, #tpu.memory_space<semaphore_mem>>) src(%arg23 : memref<800xf32, #tpu.memory_space<vmem>>) dst(%dma_wait3A_94 : memref<800xf32, #tpu.memory_space<hbm>>)
    %dma_wait3A_95 = arith.constant 0 : i32
    %dma_wait3A_96 = tpu.memref_slice %arg8[%dma_wait3A_95] : memref<3200000xf32, #tpu.memory_space<hbm>> -> memref<800xf32, #tpu.memory_space<hbm>>
    %dma_wait3A_97 = arith.constant 0 : i32
    %dma_wait3A_98 = tpu.memref_slice %arg8[%dma_wait3A_97] : memref<3200000xf32, #tpu.memory_space<hbm>> -> memref<800xf32, #tpu.memory_space<hbm>>
    tpu.wait_dma2 semaphore(%arg30 : memref<!tpu.dma_semaphore, #tpu.memory_space<semaphore_mem>>) src(%arg24 : memref<800xf32, #tpu.memory_space<vmem>>) dst(%dma_wait3A_98 : memref<800xf32, #tpu.memory_space<hbm>>)
    %dma_wait3A_99 = arith.constant 0 : i32
    %dma_wait3A_100 = tpu.memref_slice %arg5[%dma_wait3A_99] : memref<3200000xf32, #tpu.memory_space<hbm>> -> memref<800xf32, #tpu.memory_space<hbm>>
    %dma_wait3A_101 = arith.constant 0 : i32
    %dma_wait3A_102 = tpu.memref_slice %arg5[%dma_wait3A_101] : memref<3200000xf32, #tpu.memory_space<hbm>> -> memref<800xf32, #tpu.memory_space<hbm>>
    tpu.wait_dma2 semaphore(%arg29 : memref<!tpu.dma_semaphore, #tpu.memory_space<semaphore_mem>>) src(%arg17 : memref<800xf32, #tpu.memory_space<vmem>>) dst(%dma_wait3A_102 : memref<800xf32, #tpu.memory_space<hbm>>)
    %dma_wait3A_103 = arith.constant 0 : i32
    %dma_wait3A_104 = tpu.memref_slice %arg6[%dma_wait3A_103] : memref<3200000xf32, #tpu.memory_space<hbm>> -> memref<800xf32, #tpu.memory_space<hbm>>
    %dma_wait3A_105 = arith.constant 0 : i32
    %dma_wait3A_106 = tpu.memref_slice %arg6[%dma_wait3A_105] : memref<3200000xf32, #tpu.memory_space<hbm>> -> memref<800xf32, #tpu.memory_space<hbm>>
    tpu.wait_dma2 semaphore(%arg29 : memref<!tpu.dma_semaphore, #tpu.memory_space<semaphore_mem>>) src(%arg18 : memref<800xf32, #tpu.memory_space<vmem>>) dst(%dma_wait3A_106 : memref<800xf32, #tpu.memory_space<hbm>>)
    %dma_wait3A_107 = arith.constant 0 : i32
    %dma_wait3A_108 = tpu.memref_slice %arg7[%dma_wait3A_107] : memref<3200000xf32, #tpu.memory_space<hbm>> -> memref<800xf32, #tpu.memory_space<hbm>>
    %dma_wait3A_109 = arith.constant 0 : i32
    %dma_wait3A_110 = tpu.memref_slice %arg7[%dma_wait3A_109] : memref<3200000xf32, #tpu.memory_space<hbm>> -> memref<800xf32, #tpu.memory_space<hbm>>
    tpu.wait_dma2 semaphore(%arg29 : memref<!tpu.dma_semaphore, #tpu.memory_space<semaphore_mem>>) src(%arg19 : memref<800xf32, #tpu.memory_space<vmem>>) dst(%dma_wait3A_110 : memref<800xf32, #tpu.memory_space<hbm>>)
    %dma_wait3A_111 = arith.constant 0 : i32
    %dma_wait3A_112 = tpu.memref_slice %arg8[%dma_wait3A_111] : memref<3200000xf32, #tpu.memory_space<hbm>> -> memref<800xf32, #tpu.memory_space<hbm>>
    %dma_wait3A_113 = arith.constant 0 : i32
    %dma_wait3A_114 = tpu.memref_slice %arg8[%dma_wait3A_113] : memref<3200000xf32, #tpu.memory_space<hbm>> -> memref<800xf32, #tpu.memory_space<hbm>>
    tpu.wait_dma2 semaphore(%arg29 : memref<!tpu.dma_semaphore, #tpu.memory_space<semaphore_mem>>) src(%arg20 : memref<800xf32, #tpu.memory_space<vmem>>) dst(%dma_wait3A_114 : memref<800xf32, #tpu.memory_space<hbm>>)
    return
  }
}

</mosaic_0001>

<sc_bundles>
// kernel: _sh_msg.3.cloned.1.call-start
scs
__scs_entry_jumppad:
0x0: {  	(pc) =	sbr.rel $0x88, $3  }
0x1: {  	(tag) =	ssettag $0x0;
	lr =	simm.s32 $0x1  }
0x2: {  	[smem:$0x3F9E] =	sst lr;
	_ =	strace $0xD0000000  }
0x3: {  	_ = 	snop  }
0x4: {  	_ = 	snop  }
0x5: {  	_ = 	snop  }
0x6: {  	_ = 	snop  }
0x7: {  	_ = 	snop  }
__scs_overlays_trampoline_lowered:
0x8: {  	[smem:$0x3FAD] =	sst s0  }
0x9: {  	[smem:$0x3FAE] =	sst s1  }
0xa: {  	[smem:$0x3FAF] =	sst s2  }
0xb: {  	[smem:$0x3FB0] =	sst s3  }
0xc: {  	[smem:$0x3FB1] =	sst s4  }
0xd: {  	[smem:$0x3FB2] =	sst s5  }
0xe: {  	[smem:$0x3FB3] =	sst s6  }
0xf: {  	[smem:$0x3FB4] =	sst s7  }
0x10: {  	[smem:$0x3FB5] =	sst s8  }
0x11: {  	[smem:$0x3FB6] =	sst s9;
	s0 =	simm.s32 @!p0 $0x0  }
0x12: {  	s1 =	sld [smem:$0x3F9C];
	s0 =	simm.s32 @p0 $0x1  }
0x13: {  	[smem:$0x3FB7] =	sst s0;
	s0 =	simm.s32 @!p1 $0x0  }
0x14: {  	s2 =	sld [smem:$0x3F9B];
	s0 =	simm.s32 @p1 $0x1  }
0x15: {  	[smem:$0x3FB8] =	sst s0;
	s0 =	simm.s32 @!p2 $0x0  }
0x16: {  	s3 =	sld [smem:$0x3FDB];
	s0 =	simm.s32 @p2 $0x1  }
0x17: {  	s4 =	simm.s32 $0x1BF5;
	[smem:$0x3FBA] =	sst s0  }
0x18: {  	s0 =	sld [smem:$0x3F9D];
	_ =	swait.ge [sflag:s4], $0x0  }
0x19: {  	s7 =	sld [smem:$0x3F9E]  }
0x1a: {  	s8 =	sadd.s32 $0xFFFFE003, lr  }
0x1b: {  	s9 =	sadd.s32 $0xFFFFFEF7, lr;
	s5 =	simm.s32 $0xFFFFFFFF;
	p2 =	slt.u32 s8, $0xFFFFF086  }
0x1c: {  	p1 =	slt.u32 s9, $0xF7A;
	s5 =	simm.s32 @!p2 $0x0  }
0x1d: {  	s5 =	simm.s32 @p1 $0x1;
	p0 =	seq.s32 s7, s2  }
0x1e: {  	s7 =	smul.u32 @!p0 $0xF7A, s2;
	p2 =	seq.s32 @!p0 s5, $0x0  }
0x1f: {  	s9 =	smul.u32 $0xF7A, s1;
	s8 =	simm.s32 @!p0 $0x1BF5;
	p2 =	por !p2, p0  }
0x20: {  	[sflag:s8] =	ssyncset.s32 @!p0 $0xFFFFF086;
	s6 =	sadd.s32 @!p0 s3, s7;
	s7 =	simm.s32 @!p0 $0x108  }
0x21: {  	s3 =	sadd.s32 s3, s9;
	s6 =	sadd.s32 @!p0 $0x88, s6;
	s7 =	simm.s32 @p2 $0x1082  }
0x22: {  	[simem:s7], [sflag:s8] =	dma.local @!p0 [hbm:s6], $0xF7A  }
0x23: {  	s9 =	sor.u32 $0xD0000000, s2;
	s6 =	simm.s32 $0x108;
	_ =	swait.ge @!p0 [sflag:s8], $0x0  }
0x24: {  	s3 =	sadd.s32 $0x88, s3;
	s6 =	simm.s32 @!p1 $0x1082;
	[sflag:s4] =	ssyncset.s32 $0xFFFFF086  }
0x25: {  	[simem:s6], [sflag:s4] =	dma.local [hbm:s3], $0xF7A  }
0x26: {  	[smem:$0x3F9E] =	sst s1;
	(tag) =	ssettag s2;
	_ =	strace s9  }
0x27: {  	s1 =	sld [smem:$0x3FAE]  }
0x28: {  	s2 =	sld [smem:$0x3FAF]  }
0x29: {  	s4 =	sld [smem:$0x3FB1]  }
0x2a: {  	p0 =	seq.s32 s5, $0x0;
	s5 =	sld [smem:$0x3FB2]  }
0x2b: {  	s6 =	sld [smem:$0x3FB3]  }
0x2c: {  	s7 =	sld [smem:$0x3FB4]  }
0x2d: {  	s3 =	simm.s32 $0x108;
	s8 =	sld [smem:$0x3FB5]  }
0x2e: {  	s3 =	simm.s32 @!p0 $0x1082;
	s9 =	sld [smem:$0x3FB6]  }
0x2f: {  	lr =	sadd.s32 s0, s3;
	s0 =	sld [smem:$0x3FAD]  }
0x30: {  	s3 =	sld [smem:$0x3FB0]  }
0x31: {  	[smem:$0x3FB9] =	sst s10  }
0x32: {  	s10 =	sld [smem:$0x3FB7];
	_ =	sdelay $0x3  }
0x33: {  	p0 =	seq.s32 s10, $0x1;
	s10 =	sld [smem:$0x3FB9];
	_ =	sdelay $0x3  }
0x34: {  	[smem:$0x3FB9] =	sst s10  }
0x35: {  	s10 =	sld [smem:$0x3FB8];
	_ =	sdelay $0x3  }
0x36: {  	p1 =	seq.s32 s10, $0x1;
	s10 =	sld [smem:$0x3FB9];
	_ =	sdelay $0x3  }
0x37: {  	[smem:$0x3FB9] =	sst s10  }
0x38: {  	s10 =	sld [smem:$0x3FBA]  }
0x39: {  	_ = 	snop;
	(pc) =	sbr.ind lr, $3  }
0x3a: {  	_ = 	snop  }
0x3b: {  	_ = 	snop  }
0x3c: {  	p2 =	seq.s32 s10, $0x1;
	s10 =	sld [smem:$0x3FB9]  }
0x3d: {  	_ =	shalt  }
0x3e: {  	_ =	shalt  }
0x3f: {  	_ =	shalt  }
0x40: {  	_ =	shalt  }
0x41: {  	_ =	shalt  }
0x42: {  	_ =	shalt  }
0x43: {  	_ =	shalt  }
0x44: {  	_ =	shalt  }
0x45: {  	_ =	shalt  }
0x46: {  	_ =	shalt  }
0x47: {  	_ =	shalt  }
0x48: {  	_ =	shalt  }
0x49: {  	_ =	shalt  }
0x4a: {  	_ =	shalt  }
0x4b: {  	_ =	shalt  }
0x4c: {  	_ =	shalt  }
0x4d: {  	_ =	shalt  }
0x4e: {  	_ =	shalt  }
0x4f: {  	_ =	shalt  }
0x50: {  	_ =	shalt  }
0x51: {  	_ =	shalt  }
0x52: {  	_ =	shalt  }
0x53: {  	_ =	shalt  }
0x54: {  	_ =	shalt  }
0x55: {  	_ =	shalt  }
0x56: {  	_ =	shalt  }
0x57: {  	_ =	shalt  }
0x58: {  	_ =	shalt  }
0x59: {  	_ =	shalt  }
0x5a: {  	_ =	shalt  }
0x5b: {  	_ =	shalt  }
0x5c: {  	_ =	shalt  }
0x5d: {  	_ =	shalt  }
0x5e: {  	_ =	shalt  }
0x5f: {  	_ =	shalt  }
0x60: {  	_ =	shalt  }
0x61: {  	_ =	shalt  }
0x62: {  	_ =	shalt  }
0x63: {  	_ =	shalt  }
0x64: {  	_ =	shalt  }
0x65: {  	_ =	shalt  }
0x66: {  	_ =	shalt  }
0x67: {  	_ =	shalt  }
0x68: {  	_ =	shalt  }
0x69: {  	_ =	shalt  }
0x6a: {  	_ =	shalt  }
0x6b: {  	_ =	shalt  }
0x6c: {  	_ =	shalt  }
0x6d: {  	_ =	shalt  }
0x6e: {  	_ =	shalt  }
0x6f: {  	_ =	shalt  }
0x70: {  	_ =	shalt  }
0x71: {  	_ =	shalt  }
0x72: {  	_ =	shalt  }
0x73: {  	_ =	shalt  }
0x74: {  	_ =	shalt  }
0x75: {  	_ =	shalt  }
0x76: {  	_ =	shalt  }
0x77: {  	_ =	shalt  }
0x78: {  	_ =	shalt  }
0x79: {  	_ =	shalt  }
0x7a: {  	_ =	shalt  }
0x7b: {  	_ =	shalt  }
0x7c: {  	_ =	shalt  }
0x7d: {  	_ =	shalt  }
0x7e: {  	_ =	shalt  }
0x7f: {  	_ =	shalt  }
0x80: {  	_ =	shalt  }
0x81: {  	_ =	shalt  }
0x82: {  	_ =	shalt  }
0x83: {  	_ =	shalt  }
0x84: {  	_ =	shalt  }
0x85: {  	_ =	shalt  }
0x86: {  	_ =	shalt  }
0x87: {  	_ =	shalt  }
.Lfunc_end0:
.L_simem_size_0:
called_computation_lowered:
.L_overlay_start_0:
0x88: {  	s2 =	sld [smem:$0x3FD9]  }
0x89: {  	s3 =	sld [smem:$0x3FFE];
	_ =	sdelay $0x1  }
0x8a: {  	s1 =	srdreg.scid  }
0x8b: {  	s0 =	sand.u32 $0x1, s1  }
0x8c: {  	s14 =	sshll.u32 s0, $0xA;
	s2 =	sadd.s32 s3, s2  }
0x8d: {  	s2 =	sadd.s32 s2, s14  }
0x8e: {  	[smem:$0x3FC5] =	sst s2  }
0x8f: {  	_ = 	snop  }
0x90: {  	s2 =	sld [smem:$0x3FD0];
	_ =	sdelay $0x1  }
0x91: {  	s15 =	sld [smem:$0x3FC9]  }
0x92: {  	s5 =	simm.s32 $0xA;
	s6 =	simm.s32 $0x10;
	s4 =	sld [smem:$0x3FC8]  }
0x93: {  	[smem:s6], [sflag:s5] =	dma.local [hbm:s2], $0x1  }
0x94: {  	_ =	swait.eq [sflag:s5], $0x1  }
0x95: {  	s16 =	sld [smem:$0x10]  }
0x96: {  	s17 =	sld [smem:$0x11];
	[sflag:s5] =	ssyncset.done $0x0  }
0x97: {  	s7 =	sld [smem:$0x12];
	[sflag:s5] =	ssyncadd.s32 $0xFFFFFFFF  }
0x98: {  	s18 =	sld [smem:$0x13];
	(tm) =	ssettm $0x1  }
0x99: {  	s8 =	sld [smem:$0x3FFB];
	_ =	sdelay $0x3  }
0x9a: {  	_ =	strace s8  }
0x9b: {  	s8 =	sld [smem:$0x3FFC];
	_ =	sdelay $0x3  }
0x9c: {  	_ =	strace s8  }
0x9d: {  	s8 =	sld [smem:$0x3FFD];
	_ =	sdelay $0x3  }
0x9e: {  	_ =	strace s8  }
0x9f: {  	_ =	strace $0x8FFFFFFF  }
0xa0: {  	s19 =	sld [smem:$0x3FDB];
	_ =	sdelay $0x1  }
0xa1: {  	s9 =	simm.s32 $_scs_section_size  }
0xa2: {  	s10 =	simm.s32 $_size__tile_overlayer_lowered;
	s11 =	simm.s32 $_tile_overlayer_lowered  }
0xa3: {  	s22 =	simm.s32 $0x1BFF;
	s21 =	sshll.u32 s11, $0x1;
	s8 =	sadd.s32 s9, s19  }
0xa4: {  	s12 =	simm.s32 $0x0;
	s20 =	sshll.u32 s10, $0x1;
	s10 =	sadd.s32 s21, s8  }
0xa5: {  	[timem:s12], [sflag:s22] =	dma.local [hbm:s10], s20  }
0xa6: {  	_ =	swait.ge [sflag:s22], s20  }
0xa7: {  	s9 =	ssub.s32 $0x0, s20;
	[sflag:s22] =	ssyncset.done $0x0  }
0xa8: {  	[sflag:s22] =	ssyncadd.s32 s9;
	_ =	sdelay $0x1  }
0xa9: {  	s23 =	simm.s32 $0x1B8B  }
0xaa: {  	_ =	swait.ge [sflag:s23], $0x1  }
0xab: {  	[sflag:s23] =	ssyncset.done $0x0  }
0xac: {  	s25 =	simm.s32 $0x1B8E;
	s24 =	sld [smem:$0x3FFE];
	[sflag:s23] =	ssyncadd.s32 $0xFFFFFFFF  }
0xad: {  	s26 =	simm.s32 $execute0_lowered;
	[smem:$0x3FD2] =	sst s25  }
0xae: {  	s10 =	sshll.u32 s26, $0x1;
	_ =	strace $0x80000046;
	[dreg:$0x1] =	wrdreg $0xFFFFFFFF  }
0xaf: {  	s28 =	simm.s32 $_size_execute0_lowered;
	s8 =	sadd.s32 s8, s10;
	[dreg:$0x0] =	wrdreg $0x0  }
0xb0: {  	s10 =	sshll.u32 s28, $0x1;
	[dreg:$0x2] =	wrdreg s8  }
0xb1: {  	[dreg:$0x3] =	wrdreg s10  }
0xb2: {  	[dreg:$0x4] =	wrdreg $0xC0  }
0xb3: {  	_ =	task [dreg:s12], $0x5FFFF  }
0xb4: {  	[dreg:$0x1] =	wrdreg $0xFFFFFFFF  }
0xb5: {  	[dreg:$0x0] =	wrdreg $0x60  }
0xb6: {  	[dreg:$0x2] =	wrdreg s15  }
0xb7: {  	[dreg:$0x3] =	wrdreg s4  }
0xb8: {  	[dreg:$0x4] =	wrdreg s24  }
0xb9: {  	[dreg:$0x5] =	wrdreg s16  }
0xba: {  	[dreg:$0x6] =	wrdreg s17  }
0xbb: {  	[dreg:$0x7] =	wrdreg s7  }
0xbc: {  	[dreg:$0x8] =	wrdreg s18  }
0xbd: {  	[dreg:$0x9] =	wrdreg $0x9  }
0xbe: {  	_ =	task.clear_ibuf [dreg:s12], $0xAFFFF;
	_ =	strace $0x90000046  }
0xbf: {  	s29 =	simm.s32 $0x9;
	_ =	strace $0x80000048  }
0xc0: {  	_ =	swait.ge [sflag:s29], $0x1  }
0xc1: {  	[sflag:s29] =	ssyncadd.s32 $0xFFFFFFFF  }
0xc2: {  	_ =	strace $0x90000048  }
0xc3: {  	_ =	sfence  }
0xc4: {  	s30 =	sld [smem:$0x0];
	_ =	sdelay $0x2  }
0xc5: {  	s31 =	sshll.u32 s1, $0xD;
	s1 =	sshrl.u32 s1, $0x2  }
0xc6: {  	s3 =	sand.u32 $0x4000, s31;
	s1 =	sadd.s32 s1, s30  }
0xc7: {  	s0 =	sor.u32 s3, s0;
	s1 =	sshll.u32 s1, $0x11  }
0xc8: {  	s0 =	sor.u32 s1, s0  }
0xc9: {  	s0 =	sadd.s32 $0x8F2B, s0  }
0xca: {  	[sflag:s0] =	ssyncadd.remote.s32 $0x1  }
0xcb: {  	_ =	sfence.sel $0xFFFF  }
0xcc: {  	[dreg:$0x0] =	wrdreg $0xFFFFFFFF;
	(pc) =	sbr.abs _section_cstart, $3  }
0xcd: {  	[dreg:$0x1] =	wrdreg $0xFFFFFFFF  }
0xce: {  	_ =	task.clear_ibuf [dreg:s12], $0x2FFFF;
	_ =	strace $0x9FFFFFFF  }
0xcf: {  	(tm) =	ssettm $0x7FFFFFFF  }
tec
execute0_lowered:
.L_overlay_start_1:
0x0: {  	(tag) =	ssettag $0x1  }
0x1: {  	s4 =	rddreg [dreg:$0x0]  }
0x2: {  	s6 =	rddreg [dreg:$0x1]  }
0x3: {  	s0 =	rddreg [dreg:$0x2]  }
0x4: {  	s3 =	rddreg [dreg:$0x3]  }
0x5: {  	s5 =	rddreg [dreg:$0x4]  }
0x6: {  	s7 =	rddreg [dreg:$0x5];
	s1 =	srdreg.scid  }
0x7: {  	s2 =	stileid.u32;
	s9 =	rddreg [dreg:$0x6];
	s8 =	simm.s32 $0x0  }
0x8: {  	s28 =	simm.s32 $0x640;
	s29 =	simm.s32 $0x3840;
	s30 =	simm.s32 $0x2  }
0x9: {  	s31 =	simm.s32 $0x7080;
	s13 =	simm.s32 $0xD7A0;
	s14 =	simm.s32 $0xDAC0  }
0xa: {  	s15 =	simm.s32 $0xDDE0;
	s1 =	sand.u32 $0x1, s1;
	s2 =	sshll.u32 s2, $0x1  }
0xb: {  	[smem:$0x7FF] =	sst s8;
	s2 =	sor.u32 s1, s2;
	s17 =	ssub.s32 $0x2, s1  }
0xc: {  	s10 =	sadd.s32 $0x187200, s0;
	s11 =	smul.u32 $0x186A0, s2;
	s1 =	sshrl.u32 s17, $0x1  }
0xd: {  	s16 =	smov.u32 s5;
	_ =	strace $0x80000047;
	s0 =	ssub.s32 s17, s1  }
0xe: {  	s17 =	smov.u32 s7;
	s12 =	sadd.s32 $0x320, s11;
	[dreg:$0x8] =	wrdreg s11  }
0xf: {  	s2 =	sshrl.u32 s11, $0x3;
	s22 =	sadd.s32 $0x640, s11;
	[dreg:$0x9] =	wrdreg s12  }
0x10: {  	s23 =	sadd.s32 $0x960, s11;
	s11 =	smov.u32 s9;
	[dreg:$0xe] =	wrdreg s22  }
0x11: {  	v0 =	vimm.s32 $0x30201040;
	s0 =	smax.u32 s0, $0x1;
	s18 =	sadd.s32 s4, s2;
	[dreg:$0xf] =	wrdreg s23  }
0x12: {  	v1 =	vimm.s32 $0x70605070;
	v0 =	vunpack.c.0.s8.s32 v0;
	s19 =	sshrl.u32 s12, $0x3;
	s20 =	sadd.s32 s6, s2;
	[dreg:$0x14] =	wrdreg s0  }
0x13: {  	vm0 =	vcmask $0x1304;
	v1 =	vunpack.c.0.s8.s32 v1;
	s24 =	sadd.s32 $0x3070, s2;
	s23 =	simm.s32 $0x320;
	[dreg:$0xa] =	wrdreg s18  }
0x14: {  	vm13 =	vcmask $0x2314;
	vm14 =	vcmask $0x3324;
	v2 =	vnsel vm0, $0x0, v0;
	s12 =	simm.s32 $0xD480;
	[dreg:$0xb] =	wrdreg s20;
	s21 =	sadd.s32 s4, s19  }
0x15: {  	v0 =	vlaneseq.u32;
	v2 =	vsel vm13, v1, v2;
	v1 =	vimm.s32 $0x40506030;
	s22 =	simm.s32 $0xEA60;
	s1 =	sadd.s32 s6, s19;
	[dreg:$0xc] =	wrdreg s21  }
0x16: {  	v4 =	vshrl.u32 v0, $0x3;
	v3 =	vunpack.c.0.s8.s32 v1;
	v1 =	vimm.s32 $0x102000;
	s2 =	sadd.s32 s3, s24;
	s25 =	sadd.s32 s5, s24;
	[dreg:$0xd] =	wrdreg s1  }
0x17: {  	v10 =	vmul.u32 $0xFFFFFFFF, v0;
	v5 =	vunpack.c.0.s8.s32 v1;
	v1 =	vmul.u32 $0x8, v4;
	s26 =	sadd.s32 s7, s24;
	s5 =	simm.s32 $0xA280;
	[dreg:$0x10] =	wrdreg s2  }
0x18: {  	vm15 =	vcmask $0x3F34;
	v11 =	vand.u32 $0x7, v0;
	v2 =	vsel vm14, v3, v2;
	s18 =	simm.s32 $0x4;
	s19 =	simm.s32 $0xE100;
	[dreg:$0x11] =	wrdreg s25  }
0x19: {  	v10 =	vadd.s32 $0xF, v10;
	s20 =	simm.s32 $0xE420;
	[dreg:$0x12] =	wrdreg s26;
	s1 =	sadd.s32 s9, s24;
	v2 =	vsel vm15, v5, v2;
	v3 =	vor.u32 $0x1, v1  }
0x1a: {  	s26 =	simm.s32 $0x1;
	s2 =	simm.s32 $0x3;
	v4 =	vor.u32 $0x2, v1;
	v5 =	vor.u32 $0x3, v1;
	v6 =	vor.u32 $0x4, v1;
	s21 =	simm.s32 $0xE740  }
0x1b: {  	v7 =	vor.u32 $0x5, v1;
	v8 =	vor.u32 $0x6, v1;
	v9 =	vor.u32 $0x7, v1;
	s24 =	simm.s32 $0x6;
	[dreg:$0x13] =	wrdreg s1;
	s1 =	simm.s32 $0x0  }
.LBB2_1:
0x1c: {  	[dreg:$0x15] =	wrdreg s1  }
0x1d: {  	s0 =	rddreg [dreg:$0xa]  }
0x1e: {  	[tilespmem:s8], [sflag:$0x1] =	stream.linear.gather [hbm4b:s0+s8], $0x320, $0x38;
	[tilespmem:$0xED80] =	vst v63  }
0x1f: {  	s1 =	rddreg [dreg:$0xb]  }
0x20: {  	[tilespmem:s23], [sflag:$0x1] =	stream.linear.gather [hbm4b:s1+s8], $0x320, $0x38;
	[tilespmem:$0xED80] =	vst v63  }
0x21: {  	s3 =	rddreg [dreg:$0xc];
	s7 =	simm.s32 $0x6A40  }
0x22: {  	[tilespmem:s7], [sflag:$0x2] =	stream.linear.gather [hbm4b:s3+s8], $0x320, $0x38;
	[tilespmem:$0xED80] =	vst v63  }
0x23: {  	s9 =	rddreg [dreg:$0xd];
	s25 =	simm.s32 $0x6D60  }
0x24: {  	[tilespmem:s25], [sflag:$0x2] =	stream.linear.gather [hbm4b:s9+s8], $0x320, $0x38;
	[tilespmem:$0xED80] =	vst v63  }
0x25: {  	_ =	swait.ge [sflag:s26], $0x320  }
0x26: {  	[sflag:s26] =	ssyncset.done $0x0  }
0x27: {  	[sflag:s26] =	ssyncadd.s32 $0xFFFFFCE0  }
0x28: {  	_ =	swait.ge [sflag:s26], $0x320  }
0x29: {  	[sflag:s26] =	ssyncset.done $0x0  }
0x2a: {  	[sflag:s26] =	ssyncadd.s32 $0xFFFFFCE0  }
0x2b: {  	[tilespmem:s28], [sflag:$0x3] =	stream.indirect.gather [hbm4b:s10+s23], $0x10, s8, s23, $0xb8;
	[tilespmem:$0xED80] =	vst v63  }
0x2c: {  	s25 =	simm.s32 $0x0  }
0x2d: {  	[tilespmem:s29], [sflag:$0x3] =	stream.indirect.gather [hbm4b:s10+s23], $0x10, s23, s23, $0xb8;
	[tilespmem:$0xED80] =	vst v63  }
.LBB2_2:
0x2e: {  	_ =	swait.ge [sflag:s30], $0x320  }
0x2f: {  	[sflag:s30] =	ssyncset.done $0x0  }
0x30: {  	[sflag:s30] =	ssyncadd.s32 $0xFFFFFCE0  }
0x31: {  	_ =	swait.ge [sflag:s30], $0x320  }
0x32: {  	[sflag:s30] =	ssyncset.done $0x0  }
0x33: {  	s0 =	simm.s32 $0x6A40;
	[sflag:s30] =	ssyncadd.s32 $0xFFFFFCE0  }
0x34: {  	[tilespmem:s31], [sflag:$0x4] =	stream.indirect.gather [hbm4b:s10+s23], $0x10, s0, s23, $0xb8;
	[tilespmem:$0xED80] =	vst v63  }
0x35: {  	s9 =	simm.s32 $0x6D60  }
0x36: {  	[tilespmem:s5], [sflag:$0x4] =	stream.indirect.gather [hbm4b:s10+s23], $0x10, s9, s23, $0xb8;
	[tilespmem:$0xED80] =	vst v63  }
0x37: {  	_ =	swait.ge [sflag:s2], $0x3200  }
0x38: {  	[sflag:s2] =	ssyncset.done $0x0  }
0x39: {  	[sflag:s2] =	ssyncadd.s32 $0xFFFFCE00  }
0x3a: {  	s0 =	smul.u32 $0x640, s25;
	_ =	swait.ge [sflag:s2], $0x3200  }
0x3b: {  	s1 =	rddreg [dreg:$0xe]  }
0x3c: {  	s1 =	sadd.s32 s0, s1  }
0x3d: {  	[sflag:s2] =	ssyncset.done $0x0;
	s1 =	sshrl.u32 s1, $0x3  }
0x3e: {  	[sflag:s2] =	ssyncadd.s32 $0xFFFFCE00;
	s3 =	sadd.s32 s4, s1  }
0x3f: {  	[tilespmem:s8], [sflag:$0x1] =	stream.linear.gather [hbm4b:s3+s8], $0x320, $0x38;
	[tilespmem:$0xED80] =	vst v63  }
0x40: {  	p0 =	seq.s32 s25, $0x0;
	s1 =	sadd.s32 s6, s1  }
0x41: {  	[tilespmem:s23], [sflag:$0x1] =	stream.linear.gather [hbm4b:s1+s8], $0x320, $0x38;
	[tilespmem:$0xED80] =	vst v63  }
0x42: {  	s1 =	simm.s32 @!p0 $0x5  }
0x43: {  	_ =	swait.ge @!p0 [sflag:s1], $0x320  }
0x44: {  	[sflag:s1] =	ssyncset.done @!p0 $0x0  }
0x45: {  	[sflag:s1] =	ssyncadd.s32 @!p0 $0xFFFFFCE0  }
0x46: {  	_ =	swait.ge @!p0 [sflag:s1], $0x320  }
0x47: {  	[sflag:s1] =	ssyncset.done @!p0 $0x0  }
0x48: {  	[sflag:s1] =	ssyncadd.s32 @!p0 $0xFFFFFCE0  }
0x49: {  	_ =	swait.ge @!p0 [sflag:s1], $0x320  }
0x4a: {  	[sflag:s1] =	ssyncset.done @!p0 $0x0  }
0x4b: {  	[sflag:s1] =	ssyncadd.s32 @!p0 $0xFFFFFCE0  }
0x4c: {  	_ =	swait.ge @!p0 [sflag:s1], $0x320  }
0x4d: {  	[sflag:s1] =	ssyncset.done @!p0 $0x0  }
0x4e: {  	s9 =	smov.u32 s6;
	[sflag:s1] =	ssyncadd.s32 @!p0 $0xFFFFFCE0;
	s1 =	simm.s32 $0x20  }
.LBB2_3:
0x4f: {  	s3 =	sadd.s32 $0xFFFFFFE0, s1  }
0x50: {  	v12 =	vmov s3  }
0x51: {  	v12 =	vshll.u32 v12, $0x4  }
0x52: {  	v12 =	vor.u32 v2, v12  }
0x53: {  	v14 =	vor.u32 v3, v12;
	_ =	sdelay $0x1  }
0x54: {  	v15 =	vor.u32 v4, v12;
	_ =	sdelay $0x1  }
0x55: {  	v17 =	vor.u32 v5, v12  }
0x56: {  	v18 =	vld.idx.msk [tilespmem:v14+s28+$0x0], $0xffff  }
0x57: {  	v19 =	vor.u32 v6, v12;
	v14 =	vld.idx.msk [tilespmem:v14+s29+$0x0], $0xffff  }
0x58: {  	v20 =	vld.idx.msk [tilespmem:v15+s28+$0x0], $0xffff  }
0x59: {  	v21 =	vor.u32 v7, v12;
	v15 =	vld.idx.msk [tilespmem:v15+s29+$0x0], $0xffff  }
0x5a: {  	v22 =	vld.idx.msk [tilespmem:v17+s28+$0x0], $0xffff  }
0x5b: {  	v23 =	vor.u32 v8, v12;
	v17 =	vld.idx.msk [tilespmem:v17+s29+$0x0], $0xffff  }
0x5c: {  	v24 =	vld.idx.msk [tilespmem:v19+s28+$0x0], $0xffff  }
0x5d: {  	v13 =	vor.u32 v1, v12;
	v12 =	vor.u32 v9, v12;
	v19 =	vld.idx.msk [tilespmem:v19+s29+$0x0], $0xffff  }
0x5e: {  	v25 =	vld.idx.msk [tilespmem:v21+s28+$0x0], $0xffff  }
0x5f: {  	v21 =	vld.idx.msk [tilespmem:v21+s29+$0x0], $0xffff  }
0x60: {  	v26 =	vld.idx.msk [tilespmem:v23+s28+$0x0], $0xffff  }
0x61: {  	v23 =	vld.idx.msk [tilespmem:v23+s29+$0x0], $0xffff  }
0x62: {  	v27 =	vld.idx.msk [tilespmem:v12+s28+$0x0], $0xffff  }
0x63: {  	v12 =	vld.idx.msk [tilespmem:v12+s29+$0x0], $0xffff  }
0x64: {  	v16 =	vld.idx.msk [tilespmem:v13+s28+$0x0], $0xffff  }
0x65: {  	v13 =	vld.idx.msk [tilespmem:v13+s29+$0x0], $0xffff;
	v19 =	vmul.f32 v19, v24;
	v21 =	vmul.f32 v21, v25  }
0x66: {  	v31 =	vadd.s32 s3, v0;
	v14 =	vmul.f32 v14, v18  }
0x67: {  	v15 =	vmul.f32 v15, v20;
	v32 =	vmul.f32 v23, v26;
	v19 =	vadd.f32 v21, v19  }
0x68: {  	v34 =	vand.u32 $0xFF8, v31;
	v33 =	vmul.f32 v17, v22;
	v12 =	vmul.f32 v12, v27  }
0x69: {  	s7 =	sadd.s32 $0xFFFFFFE8, s1;
	v17 =	vor.u32 v11, v34;
	v14 =	vadd.f32 v15, v14;
	v35 =	vadd.f32 v32, v19  }
0x6a: {  	v36 =	vmov s7;
	v13 =	vmul.f32 v13, v16  }
0x6b: {  	v37 =	vshll.u32 v36, $0x4;
	v14 =	vadd.f32 v33, v14;
	v12 =	vadd.f32 v12, v35  }
0x6c: {  	v38 =	vperm.xlane v13, v10;
	v15 =	vor.u32 v2, v37  }
0x6d: {  	v40 =	vor.u32 v3, v15;
	v18 =	vadd.f32 v12, v14  }
0x6e: {  	[tilespmem:v17+s12+$0x0] =	vst.idx.msk $0xff, v13;
	v12 =	vadd.f32 v12, v38  }
0x6f: {  	v42 =	vor.u32 v4, v15;
	[tilespmem:v17+s13+$0x0] =	vst.idx.msk $0xff, v14;
	v41 =	vperm.xlane v18, v10  }
0x70: {  	[tilespmem:v17+s14+$0x0] =	vst.idx.msk $0xff, v12  }
0x71: {  	v43 =	vor.u32 v5, v15;
	[tilespmem:v17+s15+$0x0] =	vst.idx.msk $0xff, v41  }
0x72: {  	v17 =	vld.idx.msk [tilespmem:v40+s28+$0x0], $0xffff  }
0x73: {  	v44 =	vor.u32 v6, v15;
	v13 =	vld.idx.msk [tilespmem:v40+s29+$0x0], $0xffff  }
0x74: {  	v45 =	vld.idx.msk [tilespmem:v42+s28+$0x0], $0xffff  }
0x75: {  	v46 =	vor.u32 v7, v15;
	v12 =	vld.idx.msk [tilespmem:v42+s29+$0x0], $0xffff  }
0x76: {  	v47 =	vld.idx.msk [tilespmem:v43+s28+$0x0], $0xffff  }
0x77: {  	v48 =	vor.u32 v8, v15;
	v16 =	vld.idx.msk [tilespmem:v43+s29+$0x0], $0xffff  }
0x78: {  	v49 =	vld.idx.msk [tilespmem:v44+s28+$0x0], $0xffff  }
0x79: {  	v39 =	vor.u32 v1, v15;
	v15 =	vor.u32 v9, v15;
	v18 =	vld.idx.msk [tilespmem:v44+s29+$0x0], $0xffff  }
0x7a: {  	v50 =	vld.idx.msk [tilespmem:v46+s28+$0x0], $0xffff  }
0x7b: {  	v21 =	vld.idx.msk [tilespmem:v46+s29+$0x0], $0xffff  }
0x7c: {  	v51 =	vld.idx.msk [tilespmem:v48+s28+$0x0], $0xffff  }
0x7d: {  	v23 =	vld.idx.msk [tilespmem:v48+s29+$0x0], $0xffff  }
0x7e: {  	v52 =	vld.idx.msk [tilespmem:v15+s28+$0x0], $0xffff  }
0x7f: {  	v15 =	vld.idx.msk [tilespmem:v15+s29+$0x0], $0xffff  }
0x80: {  	v14 =	vld.idx.msk [tilespmem:v39+s28+$0x0], $0xffff  }
0x81: {  	v19 =	vld.idx.msk [tilespmem:v39+s29+$0x0], $0xffff;
	v18 =	vmul.f32 v18, v49;
	v21 =	vmul.f32 v21, v50  }
0x82: {  	v53 =	vadd.s32 s7, v0;
	v13 =	vmul.f32 v13, v17  }
0x83: {  	v12 =	vmul.f32 v12, v45;
	v54 =	vmul.f32 v23, v51;
	v18 =	vadd.f32 v21, v18  }
0x84: {  	v56 =	vand.u32 $0x1FF8, v53;
	v55 =	vmul.f32 v16, v47;
	v15 =	vmul.f32 v15, v52  }
0x85: {  	s6 =	sadd.s32 $0xFFFFFFF0, s1;
	v16 =	vor.u32 v11, v56;
	v12 =	vadd.f32 v12, v13;
	v57 =	vadd.f32 v54, v18  }
0x86: {  	v58 =	vmov s6;
	v14 =	vmul.f32 v19, v14  }
0x87: {  	v60 =	vshll.u32 v58, $0x4;
	v12 =	vadd.f32 v55, v12;
	v59 =	vadd.f32 v15, v57  }
0x88: {  	v61 =	vperm.xlane v14, v10;
	v15 =	vor.u32 v2, v60  }
0x89: {  	v29 =	vor.u32 v3, v15;
	v62 =	vadd.f32 v59, v12  }
0x8a: {  	[tilespmem:v16+s12+$0x0] =	vst.idx.msk $0xff, v14;
	v13 =	vadd.f32 v59, v61  }
0x8b: {  	[tilespmem:v16+s13+$0x0] =	vst.idx.msk $0xff, v12;
	v31 =	vor.u32 v4, v15;
	v30 =	vperm.xlane v62, v10  }
0x8c: {  	[tilespmem:v16+s14+$0x0] =	vst.idx.msk $0xff, v13  }
0x8d: {  	v32 =	vor.u32 v5, v15;
	[tilespmem:v16+s15+$0x0] =	vst.idx.msk $0xff, v30  }
0x8e: {  	v17 =	vld.idx.msk [tilespmem:v29+s28+$0x0], $0xffff  }
0x8f: {  	v33 =	vor.u32 v6, v15;
	v14 =	vld.idx.msk [tilespmem:v29+s29+$0x0], $0xffff  }
0x90: {  	v34 =	vld.idx.msk [tilespmem:v31+s28+$0x0], $0xffff  }
0x91: {  	v35 =	vor.u32 v7, v15;
	v12 =	vld.idx.msk [tilespmem:v31+s29+$0x0], $0xffff  }
0x92: {  	v36 =	vld.idx.msk [tilespmem:v32+s28+$0x0], $0xffff  }
0x93: {  	v37 =	vor.u32 v8, v15;
	v16 =	vld.idx.msk [tilespmem:v32+s29+$0x0], $0xffff  }
0x94: {  	v38 =	vld.idx.msk [tilespmem:v33+s28+$0x0], $0xffff  }
0x95: {  	v63 =	vor.u32 v1, v15;
	v15 =	vor.u32 v9, v15;
	v18 =	vld.idx.msk [tilespmem:v33+s29+$0x0], $0xffff  }
0x96: {  	v39 =	vld.idx.msk [tilespmem:v35+s28+$0x0], $0xffff  }
0x97: {  	v21 =	vld.idx.msk [tilespmem:v35+s29+$0x0], $0xffff  }
0x98: {  	v40 =	vld.idx.msk [tilespmem:v37+s28+$0x0], $0xffff  }
0x99: {  	v23 =	vld.idx.msk [tilespmem:v37+s29+$0x0], $0xffff  }
0x9a: {  	v41 =	vld.idx.msk [tilespmem:v15+s28+$0x0], $0xffff  }
0x9b: {  	v15 =	vld.idx.msk [tilespmem:v15+s29+$0x0], $0xffff  }
0x9c: {  	v13 =	vld.idx.msk [tilespmem:v63+s28+$0x0], $0xffff  }
0x9d: {  	v19 =	vld.idx.msk [tilespmem:v63+s29+$0x0], $0xffff;
	v18 =	vmul.f32 v18, v38;
	v21 =	vmul.f32 v21, v39  }
0x9e: {  	v42 =	vadd.s32 s6, v0;
	v14 =	vmul.f32 v14, v17  }
0x9f: {  	v12 =	vmul.f32 v12, v34;
	v43 =	vmul.f32 v23, v40;
	v18 =	vadd.f32 v21, v18  }
0xa0: {  	v45 =	vand.u32 $0x1FF8, v42;
	v44 =	vmul.f32 v16, v36;
	v15 =	vmul.f32 v15, v41  }
0xa1: {  	s7 =	sadd.s32 $0xFFFFFFF8, s1;
	v16 =	vor.u32 v11, v45;
	v12 =	vadd.f32 v12, v14;
	v46 =	vadd.f32 v43, v18  }
0xa2: {  	v47 =	vmov s7;
	v13 =	vmul.f32 v19, v13  }
0xa3: {  	v49 =	vshll.u32 v47, $0x4;
	v12 =	vadd.f32 v44, v12;
	v48 =	vadd.f32 v15, v46  }
0xa4: {  	v50 =	vperm.xlane v13, v10;
	v15 =	vor.u32 v2, v49  }
0xa5: {  	v53 =	vor.u32 v3, v15;
	v51 =	vadd.f32 v48, v12  }
0xa6: {  	[tilespmem:v16+s12+$0x0] =	vst.idx.msk $0xff, v13;
	v14 =	vadd.f32 v48, v50  }
0xa7: {  	[tilespmem:v16+s13+$0x0] =	vst.idx.msk $0xff, v12;
	v55 =	vor.u32 v4, v15;
	v54 =	vperm.xlane v51, v10  }
0xa8: {  	[tilespmem:v16+s14+$0x0] =	vst.idx.msk $0xff, v14  }
0xa9: {  	v56 =	vor.u32 v5, v15;
	[tilespmem:v16+s15+$0x0] =	vst.idx.msk $0xff, v54  }
0xaa: {  	v17 =	vld.idx.msk [tilespmem:v53+s28+$0x0], $0xffff  }
0xab: {  	v57 =	vor.u32 v6, v15;
	v13 =	vld.idx.msk [tilespmem:v53+s29+$0x0], $0xffff  }
0xac: {  	v58 =	vld.idx.msk [tilespmem:v55+s28+$0x0], $0xffff  }
0xad: {  	v59 =	vor.u32 v7, v15;
	v12 =	vld.idx.msk [tilespmem:v55+s29+$0x0], $0xffff  }
0xae: {  	v60 =	vld.idx.msk [tilespmem:v56+s28+$0x0], $0xffff  }
0xaf: {  	v61 =	vor.u32 v8, v15;
	v16 =	vld.idx.msk [tilespmem:v56+s29+$0x0], $0xffff  }
0xb0: {  	v62 =	vld.idx.msk [tilespmem:v57+s28+$0x0], $0xffff  }
0xb1: {  	v52 =	vor.u32 v1, v15;
	v15 =	vor.u32 v9, v15;
	v18 =	vld.idx.msk [tilespmem:v57+s29+$0x0], $0xffff  }
0xb2: {  	v63 =	vld.idx.msk [tilespmem:v59+s28+$0x0], $0xffff  }
0xb3: {  	v21 =	vld.idx.msk [tilespmem:v59+s29+$0x0], $0xffff  }
0xb4: {  	v30 =	vld.idx.msk [tilespmem:v61+s28+$0x0], $0xffff  }
0xb5: {  	v23 =	vld.idx.msk [tilespmem:v61+s29+$0x0], $0xffff  }
0xb6: {  	v31 =	vld.idx.msk [tilespmem:v15+s28+$0x0], $0xffff  }
0xb7: {  	v15 =	vld.idx.msk [tilespmem:v15+s29+$0x0], $0xffff  }
0xb8: {  	v14 =	vld.idx.msk [tilespmem:v52+s28+$0x0], $0xffff  }
0xb9: {  	v19 =	vld.idx.msk [tilespmem:v52+s29+$0x0], $0xffff;
	v18 =	vmul.f32 v18, v62;
	v21 =	vmul.f32 v21, v63  }
0xba: {  	v32 =	vadd.s32 s7, v0;
	v13 =	vmul.f32 v13, v17  }
0xbb: {  	v12 =	vmul.f32 v12, v58;
	v33 =	vmul.f32 v23, v30;
	v18 =	vadd.f32 v21, v18  }
0xbc: {  	v35 =	vand.u32 $0x1FF8, v32;
	v34 =	vmul.f32 v16, v60;
	v15 =	vmul.f32 v15, v31  }
0xbd: {  	v16 =	vor.u32 v11, v35;
	v12 =	vadd.f32 v12, v13;
	v36 =	vadd.f32 v33, v18  }
0xbe: {  	v37 =	vmov s1;
	v14 =	vmul.f32 v19, v14  }
0xbf: {  	v39 =	vshll.u32 v37, $0x4;
	v12 =	vadd.f32 v34, v12;
	v38 =	vadd.f32 v15, v36  }
0xc0: {  	v40 =	vperm.xlane v14, v10;
	v15 =	vor.u32 v2, v39  }
0xc1: {  	v43 =	vor.u32 v3, v15;
	v41 =	vadd.f32 v38, v12  }
0xc2: {  	[tilespmem:v16+s12+$0x0] =	vst.idx.msk $0xff, v14;
	v13 =	vadd.f32 v38, v40  }
0xc3: {  	[tilespmem:v16+s13+$0x0] =	vst.idx.msk $0xff, v12;
	v45 =	vor.u32 v4, v15;
	v44 =	vperm.xlane v41, v10  }
0xc4: {  	[tilespmem:v16+s14+$0x0] =	vst.idx.msk $0xff, v13  }
0xc5: {  	v46 =	vor.u32 v5, v15;
	[tilespmem:v16+s15+$0x0] =	vst.idx.msk $0xff, v44  }
0xc6: {  	v17 =	vld.idx.msk [tilespmem:v43+s28+$0x0], $0xffff  }
0xc7: {  	v47 =	vor.u32 v6, v15;
	v14 =	vld.idx.msk [tilespmem:v43+s29+$0x0], $0xffff  }
0xc8: {  	v48 =	vld.idx.msk [tilespmem:v45+s28+$0x0], $0xffff  }
0xc9: {  	v49 =	vor.u32 v7, v15;
	v12 =	vld.idx.msk [tilespmem:v45+s29+$0x0], $0xffff  }
0xca: {  	v50 =	vld.idx.msk [tilespmem:v46+s28+$0x0], $0xffff  }
0xcb: {  	v51 =	vor.u32 v8, v15;
	v16 =	vld.idx.msk [tilespmem:v46+s29+$0x0], $0xffff  }
0xcc: {  	v52 =	vld.idx.msk [tilespmem:v47+s28+$0x0], $0xffff  }
0xcd: {  	v42 =	vor.u32 v1, v15;
	v15 =	vor.u32 v9, v15;
	v18 =	vld.idx.msk [tilespmem:v47+s29+$0x0], $0xffff  }
0xce: {  	v53 =	vld.idx.msk [tilespmem:v49+s28+$0x0], $0xffff  }
0xcf: {  	v21 =	vld.idx.msk [tilespmem:v49+s29+$0x0], $0xffff  }
0xd0: {  	v54 =	vld.idx.msk [tilespmem:v51+s28+$0x0], $0xffff  }
0xd1: {  	v23 =	vld.idx.msk [tilespmem:v51+s29+$0x0], $0xffff  }
0xd2: {  	v55 =	vld.idx.msk [tilespmem:v15+s28+$0x0], $0xffff  }
0xd3: {  	v15 =	vld.idx.msk [tilespmem:v15+s29+$0x0], $0xffff  }
0xd4: {  	v13 =	vld.idx.msk [tilespmem:v42+s28+$0x0], $0xffff  }
0xd5: {  	v19 =	vld.idx.msk [tilespmem:v42+s29+$0x0], $0xffff;
	v18 =	vmul.f32 v18, v52;
	v21 =	vmul.f32 v21, v53  }
0xd6: {  	v58 =	vadd.s32 s1, v0;
	v14 =	vmul.f32 v14, v17  }
0xd7: {  	v12 =	vmul.f32 v12, v48;
	v57 =	vmul.f32 v23, v54;
	v56 =	vadd.f32 v21, v18  }
0xd8: {  	v60 =	vand.u32 $0x1FF8, v58;
	v59 =	vmul.f32 v16, v50;
	v15 =	vmul.f32 v15, v55  }
0xd9: {  	v16 =	vor.u32 v11, v60;
	v12 =	vadd.f32 v12, v14;
	v17 =	vadd.f32 v57, v56  }
0xda: {  	v13 =	vmul.f32 v19, v13  }
0xdb: {  	v12 =	vadd.f32 v59, v12;
	v61 =	vadd.f32 v15, v17  }
0xdc: {  	p0 =	sne.s32 s1, $0x318;
	v62 =	vperm.xlane v13, v10  }
.Ltmp0:
0xdd: {  	v17 =	vadd.f32 v61, v12;
	(pc) =	sbr.rel @p0 .LBB2_3-.Ltmp0, $4  }
0xde: {  	[tilespmem:v16+s12+$0x0] =	vst.idx.msk $0xff, v13;
	v14 =	vadd.f32 v61, v62  }
0xdf: {  	[tilespmem:v16+s13+$0x0] =	vst.idx.msk $0xff, v12;
	v63 =	vperm.xlane v17, v10  }
0xe0: {  	[tilespmem:v16+s14+$0x0] =	vst.idx.msk $0xff, v14  }
0xe1: {  	s1 =	sadd.s32 $0x28, s1;
	[tilespmem:v16+s15+$0x0] =	vst.idx.msk $0xff, v63  }
0xe2: {  	s1 =	rddreg [dreg:$0x8]  }
0xe3: {  	s1 =	sadd.s32 s1, s0  }
0xe4: {  	s3 =	rddreg [dreg:$0x3];
	s1 =	sshrl.u32 s1, $0x3  }
0xe5: {  	s3 =	sadd.s32 s3, s1  }
0xe6: {  	[hbm4b:s3+s8] =	stream.linear.scatter [tilespmem:s12], [sflag:$0x5], $0x320, $0x38;
	[tilespmem:$0xED80] =	vst v63  }
0xe7: {  	s6 =	sadd.s32 s16, s1  }
0xe8: {  	[hbm4b:s6+s8] =	stream.linear.scatter [tilespmem:s13], [sflag:$0x5], $0x320, $0x38;
	[tilespmem:$0xED80] =	vst v63  }
0xe9: {  	s7 =	sadd.s32 s17, s1  }
0xea: {  	[hbm4b:s7+s8] =	stream.linear.scatter [tilespmem:s14], [sflag:$0x5], $0x320, $0x38;
	[tilespmem:$0xED80] =	vst v63  }
0xeb: {  	s1 =	sadd.s32 s11, s1  }
0xec: {  	[hbm4b:s1+s8] =	stream.linear.scatter [tilespmem:s15], [sflag:$0x5], $0x320, $0x38;
	[tilespmem:$0xED80] =	vst v63  }
0xed: {  	_ =	swait.ge [sflag:s26], $0x320  }
0xee: {  	[sflag:s26] =	ssyncset.done $0x0  }
0xef: {  	[sflag:s26] =	ssyncadd.s32 $0xFFFFFCE0  }
0xf0: {  	_ =	swait.ge [sflag:s26], $0x320  }
0xf1: {  	[sflag:s26] =	ssyncset.done $0x0  }
0xf2: {  	[sflag:s26] =	ssyncadd.s32 $0xFFFFFCE0  }
0xf3: {  	[tilespmem:s28], [sflag:$0x3] =	stream.indirect.gather [hbm4b:s10+s23], $0x10, s8, s23, $0xb8;
	[tilespmem:$0xED80] =	vst v63  }
0xf4: {  	_ = 	snop  }
0xf5: {  	[tilespmem:s29], [sflag:$0x3] =	stream.indirect.gather [hbm4b:s10+s23], $0x10, s23, s23, $0xb8;
	[tilespmem:$0xED80] =	vst v63  }
0xf6: {  	_ =	swait.ge [sflag:s18], $0x3200  }
0xf7: {  	[sflag:s18] =	ssyncset.done $0x0  }
0xf8: {  	[sflag:s18] =	ssyncadd.s32 $0xFFFFCE00  }
0xf9: {  	_ =	swait.ge [sflag:s18], $0x3200  }
0xfa: {  	p0 =	seq.s32 s25, $0x3D;
	s1 =	rddreg [dreg:$0xf]  }
0xfb: {  	s6 =	simm.s32 @!p0 $0x6A40;
	s1 =	sadd.s32 @!p0 s0, s1  }
0xfc: {  	s7 =	smov.u32 s4;
	[sflag:s18] =	ssyncset.done $0x0;
	s1 =	sshrl.u32 @!p0 s1, $0x3  }
0xfd: {  	[sflag:s18] =	ssyncadd.s32 $0xFFFFCE00;
	s3 =	sadd.s32 @!p0 s4, s1;
	s4 =	simm.s32 @!p0 $0x0  }
0xfe: {  	[tilespmem:s6], [sflag:$0x2] =	stream.linear.gather @!p0 [hbm4b:s3+s4], $0x320, $0x38;
	[tilespmem:$0xED80] =	vst v63  }
0xff: {  	p1 =	seq.s32 @!p0 s25, $0x0;
	s1 =	sadd.s32 @!p0 s9, s1;
	s3 =	simm.s32 @!p0 $0x6D60  }
0x100: {  	[tilespmem:s3], [sflag:$0x2] =	stream.linear.gather @!p0 [hbm4b:s1+s4], $0x320, $0x38;
	[tilespmem:$0xED80] =	vst v63  }
0x101: {  	p0 =	por p0, !p1  }
0x102: {  	_ =	swait.ge @p0 [sflag:s24], $0x320  }
0x103: {  	[sflag:s24] =	ssyncset.done @p0 $0x0  }
0x104: {  	[sflag:s24] =	ssyncadd.s32 @p0 $0xFFFFFCE0  }
0x105: {  	_ =	swait.ge @p0 [sflag:s24], $0x320  }
0x106: {  	[sflag:s24] =	ssyncset.done @p0 $0x0  }
0x107: {  	[sflag:s24] =	ssyncadd.s32 @p0 $0xFFFFFCE0  }
0x108: {  	_ =	swait.ge @p0 [sflag:s24], $0x320  }
0x109: {  	[sflag:s24] =	ssyncset.done @p0 $0x0  }
0x10a: {  	[sflag:s24] =	ssyncadd.s32 @p0 $0xFFFFFCE0  }
0x10b: {  	_ =	swait.ge @p0 [sflag:s24], $0x320  }
0x10c: {  	[sflag:s24] =	ssyncset.done @p0 $0x0  }
0x10d: {  	s6 =	smov.u32 s9;
	s1 =	simm.s32 $0x20;
	[sflag:s24] =	ssyncadd.s32 @p0 $0xFFFFFCE0  }
.LBB2_5:
0x10e: {  	s3 =	sadd.s32 $0xFFFFFFE0, s1  }
0x10f: {  	v12 =	vmov s3  }
0x110: {  	v12 =	vshll.u32 v12, $0x4  }
0x111: {  	v12 =	vor.u32 v2, v12  }
0x112: {  	v14 =	vor.u32 v3, v12;
	_ =	sdelay $0x1  }
0x113: {  	v15 =	vor.u32 v4, v12;
	_ =	sdelay $0x1  }
0x114: {  	v17 =	vor.u32 v5, v12  }
0x115: {  	v18 =	vld.idx.msk [tilespmem:v14+s31+$0x0], $0xffff  }
0x116: {  	v19 =	vor.u32 v6, v12;
	v14 =	vld.idx.msk [tilespmem:v14+s5+$0x0], $0xffff  }
0x117: {  	v20 =	vld.idx.msk [tilespmem:v15+s31+$0x0], $0xffff  }
0x118: {  	v21 =	vor.u32 v7, v12;
	v15 =	vld.idx.msk [tilespmem:v15+s5+$0x0], $0xffff  }
0x119: {  	v22 =	vld.idx.msk [tilespmem:v17+s31+$0x0], $0xffff  }
0x11a: {  	v23 =	vor.u32 v8, v12;
	v17 =	vld.idx.msk [tilespmem:v17+s5+$0x0], $0xffff  }
0x11b: {  	v24 =	vld.idx.msk [tilespmem:v19+s31+$0x0], $0xffff  }
0x11c: {  	v13 =	vor.u32 v1, v12;
	v12 =	vor.u32 v9, v12;
	v19 =	vld.idx.msk [tilespmem:v19+s5+$0x0], $0xffff  }
0x11d: {  	v25 =	vld.idx.msk [tilespmem:v21+s31+$0x0], $0xffff  }
0x11e: {  	v21 =	vld.idx.msk [tilespmem:v21+s5+$0x0], $0xffff  }
0x11f: {  	v26 =	vld.idx.msk [tilespmem:v23+s31+$0x0], $0xffff  }
0x120: {  	v23 =	vld.idx.msk [tilespmem:v23+s5+$0x0], $0xffff  }
0x121: {  	v27 =	vld.idx.msk [tilespmem:v12+s31+$0x0], $0xffff  }
0x122: {  	v12 =	vld.idx.msk [tilespmem:v12+s5+$0x0], $0xffff  }
0x123: {  	v16 =	vld.idx.msk [tilespmem:v13+s31+$0x0], $0xffff  }
0x124: {  	v13 =	vld.idx.msk [tilespmem:v13+s5+$0x0], $0xffff;
	v19 =	vmul.f32 v19, v24;
	v21 =	vmul.f32 v21, v25  }
0x125: {  	v31 =	vadd.s32 s3, v0;
	v14 =	vmul.f32 v14, v18  }
0x126: {  	v15 =	vmul.f32 v15, v20;
	v32 =	vmul.f32 v23, v26;
	v19 =	vadd.f32 v21, v19  }
0x127: {  	v34 =	vand.u32 $0xFF8, v31;
	v33 =	vmul.f32 v17, v22;
	v12 =	vmul.f32 v12, v27  }
0x128: {  	s9 =	sadd.s32 $0xFFFFFFE8, s1;
	v17 =	vor.u32 v11, v34;
	v14 =	vadd.f32 v15, v14;
	v35 =	vadd.f32 v32, v19  }
0x129: {  	v36 =	vmov s9;
	v13 =	vmul.f32 v13, v16  }
0x12a: {  	v37 =	vshll.u32 v36, $0x4;
	v14 =	vadd.f32 v33, v14;
	v12 =	vadd.f32 v12, v35  }
0x12b: {  	v38 =	vperm.xlane v13, v10;
	v15 =	vor.u32 v2, v37  }
0x12c: {  	v40 =	vor.u32 v3, v15;
	v18 =	vadd.f32 v12, v14  }
0x12d: {  	[tilespmem:v17+s19+$0x0] =	vst.idx.msk $0xff, v13;
	v12 =	vadd.f32 v12, v38  }
0x12e: {  	v42 =	vor.u32 v4, v15;
	[tilespmem:v17+s20+$0x0] =	vst.idx.msk $0xff, v14;
	v41 =	vperm.xlane v18, v10  }
0x12f: {  	[tilespmem:v17+s21+$0x0] =	vst.idx.msk $0xff, v12  }
0x130: {  	v43 =	vor.u32 v5, v15;
	[tilespmem:v17+s22+$0x0] =	vst.idx.msk $0xff, v41  }
0x131: {  	v17 =	vld.idx.msk [tilespmem:v40+s31+$0x0], $0xffff  }
0x132: {  	v44 =	vor.u32 v6, v15;
	v13 =	vld.idx.msk [tilespmem:v40+s5+$0x0], $0xffff  }
0x133: {  	v45 =	vld.idx.msk [tilespmem:v42+s31+$0x0], $0xffff  }
0x134: {  	v46 =	vor.u32 v7, v15;
	v12 =	vld.idx.msk [tilespmem:v42+s5+$0x0], $0xffff  }
0x135: {  	v47 =	vld.idx.msk [tilespmem:v43+s31+$0x0], $0xffff  }
0x136: {  	v48 =	vor.u32 v8, v15;
	v16 =	vld.idx.msk [tilespmem:v43+s5+$0x0], $0xffff  }
0x137: {  	v49 =	vld.idx.msk [tilespmem:v44+s31+$0x0], $0xffff  }
0x138: {  	v39 =	vor.u32 v1, v15;
	v15 =	vor.u32 v9, v15;
	v18 =	vld.idx.msk [tilespmem:v44+s5+$0x0], $0xffff  }
0x139: {  	v50 =	vld.idx.msk [tilespmem:v46+s31+$0x0], $0xffff  }
0x13a: {  	v21 =	vld.idx.msk [tilespmem:v46+s5+$0x0], $0xffff  }
0x13b: {  	v51 =	vld.idx.msk [tilespmem:v48+s31+$0x0], $0xffff  }
0x13c: {  	v23 =	vld.idx.msk [tilespmem:v48+s5+$0x0], $0xffff  }
0x13d: {  	v52 =	vld.idx.msk [tilespmem:v15+s31+$0x0], $0xffff  }
0x13e: {  	v15 =	vld.idx.msk [tilespmem:v15+s5+$0x0], $0xffff  }
0x13f: {  	v14 =	vld.idx.msk [tilespmem:v39+s31+$0x0], $0xffff  }
0x140: {  	v19 =	vld.idx.msk [tilespmem:v39+s5+$0x0], $0xffff;
	v18 =	vmul.f32 v18, v49;
	v21 =	vmul.f32 v21, v50  }
0x141: {  	v53 =	vadd.s32 s9, v0;
	v13 =	vmul.f32 v13, v17  }
0x142: {  	v12 =	vmul.f32 v12, v45;
	v54 =	vmul.f32 v23, v51;
	v18 =	vadd.f32 v21, v18  }
0x143: {  	v56 =	vand.u32 $0x1FF8, v53;
	v55 =	vmul.f32 v16, v47;
	v15 =	vmul.f32 v15, v52  }
0x144: {  	s4 =	sadd.s32 $0xFFFFFFF0, s1;
	v16 =	vor.u32 v11, v56;
	v12 =	vadd.f32 v12, v13;
	v57 =	vadd.f32 v54, v18  }
0x145: {  	v58 =	vmov s4;
	v14 =	vmul.f32 v19, v14  }
0x146: {  	v60 =	vshll.u32 v58, $0x4;
	v12 =	vadd.f32 v55, v12;
	v59 =	vadd.f32 v15, v57  }
0x147: {  	v61 =	vperm.xlane v14, v10;
	v15 =	vor.u32 v2, v60  }
0x148: {  	v29 =	vor.u32 v3, v15;
	v62 =	vadd.f32 v59, v12  }
0x149: {  	[tilespmem:v16+s19+$0x0] =	vst.idx.msk $0xff, v14;
	v13 =	vadd.f32 v59, v61  }
0x14a: {  	[tilespmem:v16+s20+$0x0] =	vst.idx.msk $0xff, v12;
	v31 =	vor.u32 v4, v15;
	v30 =	vperm.xlane v62, v10  }
0x14b: {  	[tilespmem:v16+s21+$0x0] =	vst.idx.msk $0xff, v13  }
0x14c: {  	v32 =	vor.u32 v5, v15;
	[tilespmem:v16+s22+$0x0] =	vst.idx.msk $0xff, v30  }
0x14d: {  	v17 =	vld.idx.msk [tilespmem:v29+s31+$0x0], $0xffff  }
0x14e: {  	v33 =	vor.u32 v6, v15;
	v14 =	vld.idx.msk [tilespmem:v29+s5+$0x0], $0xffff  }
0x14f: {  	v34 =	vld.idx.msk [tilespmem:v31+s31+$0x0], $0xffff  }
0x150: {  	v35 =	vor.u32 v7, v15;
	v12 =	vld.idx.msk [tilespmem:v31+s5+$0x0], $0xffff  }
0x151: {  	v36 =	vld.idx.msk [tilespmem:v32+s31+$0x0], $0xffff  }
0x152: {  	v37 =	vor.u32 v8, v15;
	v16 =	vld.idx.msk [tilespmem:v32+s5+$0x0], $0xffff  }
0x153: {  	v38 =	vld.idx.msk [tilespmem:v33+s31+$0x0], $0xffff  }
0x154: {  	v63 =	vor.u32 v1, v15;
	v15 =	vor.u32 v9, v15;
	v18 =	vld.idx.msk [tilespmem:v33+s5+$0x0], $0xffff  }
0x155: {  	v39 =	vld.idx.msk [tilespmem:v35+s31+$0x0], $0xffff  }
0x156: {  	v21 =	vld.idx.msk [tilespmem:v35+s5+$0x0], $0xffff  }
0x157: {  	v40 =	vld.idx.msk [tilespmem:v37+s31+$0x0], $0xffff  }
0x158: {  	v23 =	vld.idx.msk [tilespmem:v37+s5+$0x0], $0xffff  }
0x159: {  	v41 =	vld.idx.msk [tilespmem:v15+s31+$0x0], $0xffff  }
0x15a: {  	v15 =	vld.idx.msk [tilespmem:v15+s5+$0x0], $0xffff  }
0x15b: {  	v13 =	vld.idx.msk [tilespmem:v63+s31+$0x0], $0xffff  }
0x15c: {  	v19 =	vld.idx.msk [tilespmem:v63+s5+$0x0], $0xffff;
	v18 =	vmul.f32 v18, v38;
	v21 =	vmul.f32 v21, v39  }
0x15d: {  	v42 =	vadd.s32 s4, v0;
	v14 =	vmul.f32 v14, v17  }
0x15e: {  	v12 =	vmul.f32 v12, v34;
	v43 =	vmul.f32 v23, v40;
	v18 =	vadd.f32 v21, v18  }
0x15f: {  	v45 =	vand.u32 $0x1FF8, v42;
	v44 =	vmul.f32 v16, v36;
	v15 =	vmul.f32 v15, v41  }
0x160: {  	s9 =	sadd.s32 $0xFFFFFFF8, s1;
	v16 =	vor.u32 v11, v45;
	v12 =	vadd.f32 v12, v14;
	v46 =	vadd.f32 v43, v18  }
0x161: {  	v47 =	vmov s9;
	v13 =	vmul.f32 v19, v13  }
0x162: {  	v49 =	vshll.u32 v47, $0x4;
	v12 =	vadd.f32 v44, v12;
	v48 =	vadd.f32 v15, v46  }
0x163: {  	v50 =	vperm.xlane v13, v10;
	v15 =	vor.u32 v2, v49  }
0x164: {  	v53 =	vor.u32 v3, v15;
	v51 =	vadd.f32 v48, v12  }
0x165: {  	[tilespmem:v16+s19+$0x0] =	vst.idx.msk $0xff, v13;
	v14 =	vadd.f32 v48, v50  }
0x166: {  	[tilespmem:v16+s20+$0x0] =	vst.idx.msk $0xff, v12;
	v55 =	vor.u32 v4, v15;
	v54 =	vperm.xlane v51, v10  }
0x167: {  	[tilespmem:v16+s21+$0x0] =	vst.idx.msk $0xff, v14  }
0x168: {  	v56 =	vor.u32 v5, v15;
	[tilespmem:v16+s22+$0x0] =	vst.idx.msk $0xff, v54  }
0x169: {  	v17 =	vld.idx.msk [tilespmem:v53+s31+$0x0], $0xffff  }
0x16a: {  	v57 =	vor.u32 v6, v15;
	v13 =	vld.idx.msk [tilespmem:v53+s5+$0x0], $0xffff  }
0x16b: {  	v58 =	vld.idx.msk [tilespmem:v55+s31+$0x0], $0xffff  }
0x16c: {  	v59 =	vor.u32 v7, v15;
	v12 =	vld.idx.msk [tilespmem:v55+s5+$0x0], $0xffff  }
0x16d: {  	v60 =	vld.idx.msk [tilespmem:v56+s31+$0x0], $0xffff  }
0x16e: {  	v61 =	vor.u32 v8, v15;
	v16 =	vld.idx.msk [tilespmem:v56+s5+$0x0], $0xffff  }
0x16f: {  	v62 =	vld.idx.msk [tilespmem:v57+s31+$0x0], $0xffff  }
0x170: {  	v52 =	vor.u32 v1, v15;
	v15 =	vor.u32 v9, v15;
	v18 =	vld.idx.msk [tilespmem:v57+s5+$0x0], $0xffff  }
0x171: {  	v63 =	vld.idx.msk [tilespmem:v59+s31+$0x0], $0xffff  }
0x172: {  	v21 =	vld.idx.msk [tilespmem:v59+s5+$0x0], $0xffff  }
0x173: {  	v30 =	vld.idx.msk [tilespmem:v61+s31+$0x0], $0xffff  }
0x174: {  	v23 =	vld.idx.msk [tilespmem:v61+s5+$0x0], $0xffff  }
0x175: {  	v31 =	vld.idx.msk [tilespmem:v15+s31+$0x0], $0xffff  }
0x176: {  	v15 =	vld.idx.msk [tilespmem:v15+s5+$0x0], $0xffff  }
0x177: {  	v14 =	vld.idx.msk [tilespmem:v52+s31+$0x0], $0xffff  }
0x178: {  	v19 =	vld.idx.msk [tilespmem:v52+s5+$0x0], $0xffff;
	v18 =	vmul.f32 v18, v62;
	v21 =	vmul.f32 v21, v63  }
0x179: {  	v32 =	vadd.s32 s9, v0;
	v13 =	vmul.f32 v13, v17  }
0x17a: {  	v12 =	vmul.f32 v12, v58;
	v33 =	vmul.f32 v23, v30;
	v18 =	vadd.f32 v21, v18  }
0x17b: {  	v35 =	vand.u32 $0x1FF8, v32;
	v34 =	vmul.f32 v16, v60;
	v15 =	vmul.f32 v15, v31  }
0x17c: {  	v16 =	vor.u32 v11, v35;
	v12 =	vadd.f32 v12, v13;
	v36 =	vadd.f32 v33, v18  }
0x17d: {  	v37 =	vmov s1;
	v14 =	vmul.f32 v19, v14  }
0x17e: {  	v39 =	vshll.u32 v37, $0x4;
	v12 =	vadd.f32 v34, v12;
	v38 =	vadd.f32 v15, v36  }
0x17f: {  	v40 =	vperm.xlane v14, v10;
	v15 =	vor.u32 v2, v39  }
0x180: {  	v43 =	vor.u32 v3, v15;
	v41 =	vadd.f32 v38, v12  }
0x181: {  	[tilespmem:v16+s19+$0x0] =	vst.idx.msk $0xff, v14;
	v13 =	vadd.f32 v38, v40  }
0x182: {  	[tilespmem:v16+s20+$0x0] =	vst.idx.msk $0xff, v12;
	v45 =	vor.u32 v4, v15;
	v44 =	vperm.xlane v41, v10  }
0x183: {  	[tilespmem:v16+s21+$0x0] =	vst.idx.msk $0xff, v13  }
0x184: {  	v46 =	vor.u32 v5, v15;
	[tilespmem:v16+s22+$0x0] =	vst.idx.msk $0xff, v44  }
0x185: {  	v17 =	vld.idx.msk [tilespmem:v43+s31+$0x0], $0xffff  }
0x186: {  	v47 =	vor.u32 v6, v15;
	v14 =	vld.idx.msk [tilespmem:v43+s5+$0x0], $0xffff  }
0x187: {  	v48 =	vld.idx.msk [tilespmem:v45+s31+$0x0], $0xffff  }
0x188: {  	v49 =	vor.u32 v7, v15;
	v12 =	vld.idx.msk [tilespmem:v45+s5+$0x0], $0xffff  }
0x189: {  	v50 =	vld.idx.msk [tilespmem:v46+s31+$0x0], $0xffff  }
0x18a: {  	v51 =	vor.u32 v8, v15;
	v16 =	vld.idx.msk [tilespmem:v46+s5+$0x0], $0xffff  }
0x18b: {  	v52 =	vld.idx.msk [tilespmem:v47+s31+$0x0], $0xffff  }
0x18c: {  	v42 =	vor.u32 v1, v15;
	v15 =	vor.u32 v9, v15;
	v18 =	vld.idx.msk [tilespmem:v47+s5+$0x0], $0xffff  }
0x18d: {  	v53 =	vld.idx.msk [tilespmem:v49+s31+$0x0], $0xffff  }
0x18e: {  	v21 =	vld.idx.msk [tilespmem:v49+s5+$0x0], $0xffff  }
0x18f: {  	v54 =	vld.idx.msk [tilespmem:v51+s31+$0x0], $0xffff  }
0x190: {  	v23 =	vld.idx.msk [tilespmem:v51+s5+$0x0], $0xffff  }
0x191: {  	v55 =	vld.idx.msk [tilespmem:v15+s31+$0x0], $0xffff  }
0x192: {  	v15 =	vld.idx.msk [tilespmem:v15+s5+$0x0], $0xffff  }
0x193: {  	v13 =	vld.idx.msk [tilespmem:v42+s31+$0x0], $0xffff  }
0x194: {  	v19 =	vld.idx.msk [tilespmem:v42+s5+$0x0], $0xffff;
	v18 =	vmul.f32 v18, v52;
	v21 =	vmul.f32 v21, v53  }
0x195: {  	v58 =	vadd.s32 s1, v0;
	v14 =	vmul.f32 v14, v17  }
0x196: {  	v12 =	vmul.f32 v12, v48;
	v57 =	vmul.f32 v23, v54;
	v56 =	vadd.f32 v21, v18  }
0x197: {  	v60 =	vand.u32 $0x1FF8, v58;
	v59 =	vmul.f32 v16, v50;
	v15 =	vmul.f32 v15, v55  }
0x198: {  	v16 =	vor.u32 v11, v60;
	v12 =	vadd.f32 v12, v14;
	v17 =	vadd.f32 v57, v56  }
0x199: {  	v13 =	vmul.f32 v19, v13  }
0x19a: {  	v12 =	vadd.f32 v59, v12;
	v61 =	vadd.f32 v15, v17  }
0x19b: {  	p0 =	sne.s32 s1, $0x318;
	v62 =	vperm.xlane v13, v10  }
.Ltmp1:
0x19c: {  	v17 =	vadd.f32 v61, v12;
	(pc) =	sbr.rel @p0 .LBB2_5-.Ltmp1, $4  }
0x19d: {  	[tilespmem:v16+s19+$0x0] =	vst.idx.msk $0xff, v13;
	v14 =	vadd.f32 v61, v62  }
0x19e: {  	[tilespmem:v16+s20+$0x0] =	vst.idx.msk $0xff, v12;
	v63 =	vperm.xlane v17, v10  }
0x19f: {  	[tilespmem:v16+s21+$0x0] =	vst.idx.msk $0xff, v14  }
0x1a0: {  	s1 =	sadd.s32 $0x28, s1;
	[tilespmem:v16+s22+$0x0] =	vst.idx.msk $0xff, v63  }
0x1a1: {  	s1 =	rddreg [dreg:$0x9]  }
0x1a2: {  	s0 =	sadd.s32 s0, s1  }
0x1a3: {  	s3 =	rddreg [dreg:$0x3];
	s0 =	sshrl.u32 s0, $0x3  }
0x1a4: {  	s25 =	sadd.s32 $0x1, s25;
	s1 =	sadd.s32 s3, s0  }
0x1a5: {  	[hbm4b:s1+s8] =	stream.linear.scatter [tilespmem:s19], [sflag:$0x6], $0x320, $0x38;
	[tilespmem:$0xED80] =	vst v63  }
0x1a6: {  	p0 =	sne.s32 s25, $0x3E;
	s4 =	sadd.s32 s16, s0  }
0x1a7: {  	[hbm4b:s4+s8] =	stream.linear.scatter [tilespmem:s20], [sflag:$0x6], $0x320, $0x38;
	[tilespmem:$0xED80] =	vst v63  }
.Ltmp2:
0x1a8: {  	_ = 	snop;
	(pc) =	sbr.rel @p0 .LBB2_2-.Ltmp2, $4  }
0x1a9: {  	s9 =	sadd.s32 s17, s0  }
0x1aa: {  	[hbm4b:s9+s8] =	stream.linear.scatter [tilespmem:s21], [sflag:$0x6], $0x320, $0x38;
	[tilespmem:$0xED80] =	vst v63  }
0x1ab: {  	s0 =	sadd.s32 s11, s0;
	s4 =	smov.u32 s7  }
0x1ac: {  	[hbm4b:s0+s8] =	stream.linear.scatter [tilespmem:s22], [sflag:$0x6], $0x320, $0x38;
	[tilespmem:$0xED80] =	vst v63  }
0x1ad: {  	_ =	swait.ge [sflag:s2], $0x3200  }
0x1ae: {  	[sflag:s2] =	ssyncset.done $0x0  }
0x1af: {  	[sflag:s2] =	ssyncadd.s32 $0xFFFFCE00  }
0x1b0: {  	_ =	swait.ge [sflag:s2], $0x3200  }
0x1b1: {  	[sflag:s2] =	ssyncset.done $0x0  }
0x1b2: {  	s3 =	simm.s32 $0x5;
	[sflag:s2] =	ssyncadd.s32 $0xFFFFCE00  }
0x1b3: {  	_ =	swait.ge [sflag:s3], $0x320  }
0x1b4: {  	[sflag:s3] =	ssyncset.done $0x0  }
0x1b5: {  	[sflag:s3] =	ssyncadd.s32 $0xFFFFFCE0  }
0x1b6: {  	_ =	swait.ge [sflag:s3], $0x320  }
0x1b7: {  	[sflag:s3] =	ssyncset.done $0x0  }
0x1b8: {  	[sflag:s3] =	ssyncadd.s32 $0xFFFFFCE0  }
0x1b9: {  	_ =	swait.ge [sflag:s3], $0x320  }
0x1ba: {  	[sflag:s3] =	ssyncset.done $0x0  }
0x1bb: {  	[sflag:s3] =	ssyncadd.s32 $0xFFFFFCE0  }
0x1bc: {  	_ =	swait.ge [sflag:s3], $0x320  }
0x1bd: {  	[sflag:s3] =	ssyncset.done $0x0  }
0x1be: {  	s0 =	simm.s32 $0x20;
	[sflag:s3] =	ssyncadd.s32 $0xFFFFFCE0  }
.LBB2_8:
0x1bf: {  	s1 =	sadd.s32 $0xFFFFFFE0, s0  }
0x1c0: {  	v12 =	vmov s1  }
0x1c1: {  	v12 =	vshll.u32 v12, $0x4  }
0x1c2: {  	v12 =	vor.u32 v2, v12  }
0x1c3: {  	v14 =	vor.u32 v3, v12;
	_ =	sdelay $0x1  }
0x1c4: {  	v15 =	vor.u32 v4, v12;
	_ =	sdelay $0x1  }
0x1c5: {  	v17 =	vor.u32 v5, v12  }
0x1c6: {  	v18 =	vld.idx.msk [tilespmem:v14+s28+$0x0], $0xffff  }
0x1c7: {  	v19 =	vor.u32 v6, v12;
	v14 =	vld.idx.msk [tilespmem:v14+s29+$0x0], $0xffff  }
0x1c8: {  	v20 =	vld.idx.msk [tilespmem:v15+s28+$0x0], $0xffff  }
0x1c9: {  	v21 =	vor.u32 v7, v12;
	v15 =	vld.idx.msk [tilespmem:v15+s29+$0x0], $0xffff  }
0x1ca: {  	v22 =	vld.idx.msk [tilespmem:v17+s28+$0x0], $0xffff  }
0x1cb: {  	v23 =	vor.u32 v8, v12;
	v17 =	vld.idx.msk [tilespmem:v17+s29+$0x0], $0xffff  }
0x1cc: {  	v24 =	vld.idx.msk [tilespmem:v19+s28+$0x0], $0xffff  }
0x1cd: {  	v13 =	vor.u32 v1, v12;
	v12 =	vor.u32 v9, v12;
	v19 =	vld.idx.msk [tilespmem:v19+s29+$0x0], $0xffff  }
0x1ce: {  	v25 =	vld.idx.msk [tilespmem:v21+s28+$0x0], $0xffff  }
0x1cf: {  	v21 =	vld.idx.msk [tilespmem:v21+s29+$0x0], $0xffff  }
0x1d0: {  	v26 =	vld.idx.msk [tilespmem:v23+s28+$0x0], $0xffff  }
0x1d1: {  	v23 =	vld.idx.msk [tilespmem:v23+s29+$0x0], $0xffff  }
0x1d2: {  	v27 =	vld.idx.msk [tilespmem:v12+s28+$0x0], $0xffff  }
0x1d3: {  	v12 =	vld.idx.msk [tilespmem:v12+s29+$0x0], $0xffff  }
0x1d4: {  	v16 =	vld.idx.msk [tilespmem:v13+s28+$0x0], $0xffff  }
0x1d5: {  	v13 =	vld.idx.msk [tilespmem:v13+s29+$0x0], $0xffff;
	v19 =	vmul.f32 v19, v24;
	v21 =	vmul.f32 v21, v25  }
0x1d6: {  	v31 =	vadd.s32 s1, v0;
	v14 =	vmul.f32 v14, v18  }
0x1d7: {  	v15 =	vmul.f32 v15, v20;
	v32 =	vmul.f32 v23, v26;
	v19 =	vadd.f32 v21, v19  }
0x1d8: {  	v34 =	vand.u32 $0xFF8, v31;
	v33 =	vmul.f32 v17, v22;
	v12 =	vmul.f32 v12, v27  }
0x1d9: {  	s7 =	sadd.s32 $0xFFFFFFE8, s0;
	v17 =	vor.u32 v11, v34;
	v14 =	vadd.f32 v15, v14;
	v35 =	vadd.f32 v32, v19  }
0x1da: {  	v36 =	vmov s7;
	v13 =	vmul.f32 v13, v16  }
0x1db: {  	v37 =	vshll.u32 v36, $0x4;
	v14 =	vadd.f32 v33, v14;
	v12 =	vadd.f32 v12, v35  }
0x1dc: {  	v38 =	vperm.xlane v13, v10;
	v15 =	vor.u32 v2, v37  }
0x1dd: {  	v40 =	vor.u32 v3, v15;
	v18 =	vadd.f32 v12, v14  }
0x1de: {  	[tilespmem:v17+s12+$0x0] =	vst.idx.msk $0xff, v13;
	v12 =	vadd.f32 v12, v38  }
0x1df: {  	v42 =	vor.u32 v4, v15;
	[tilespmem:v17+s13+$0x0] =	vst.idx.msk $0xff, v14;
	v41 =	vperm.xlane v18, v10  }
0x1e0: {  	[tilespmem:v17+s14+$0x0] =	vst.idx.msk $0xff, v12  }
0x1e1: {  	v43 =	vor.u32 v5, v15;
	[tilespmem:v17+s15+$0x0] =	vst.idx.msk $0xff, v41  }
0x1e2: {  	v17 =	vld.idx.msk [tilespmem:v40+s28+$0x0], $0xffff  }
0x1e3: {  	v44 =	vor.u32 v6, v15;
	v13 =	vld.idx.msk [tilespmem:v40+s29+$0x0], $0xffff  }
0x1e4: {  	v45 =	vld.idx.msk [tilespmem:v42+s28+$0x0], $0xffff  }
0x1e5: {  	v46 =	vor.u32 v7, v15;
	v12 =	vld.idx.msk [tilespmem:v42+s29+$0x0], $0xffff  }
0x1e6: {  	v47 =	vld.idx.msk [tilespmem:v43+s28+$0x0], $0xffff  }
0x1e7: {  	v48 =	vor.u32 v8, v15;
	v16 =	vld.idx.msk [tilespmem:v43+s29+$0x0], $0xffff  }
0x1e8: {  	v49 =	vld.idx.msk [tilespmem:v44+s28+$0x0], $0xffff  }
0x1e9: {  	v39 =	vor.u32 v1, v15;
	v15 =	vor.u32 v9, v15;
	v18 =	vld.idx.msk [tilespmem:v44+s29+$0x0], $0xffff  }
0x1ea: {  	v50 =	vld.idx.msk [tilespmem:v46+s28+$0x0], $0xffff  }
0x1eb: {  	v21 =	vld.idx.msk [tilespmem:v46+s29+$0x0], $0xffff  }
0x1ec: {  	v51 =	vld.idx.msk [tilespmem:v48+s28+$0x0], $0xffff  }
0x1ed: {  	v23 =	vld.idx.msk [tilespmem:v48+s29+$0x0], $0xffff  }
0x1ee: {  	v52 =	vld.idx.msk [tilespmem:v15+s28+$0x0], $0xffff  }
0x1ef: {  	v15 =	vld.idx.msk [tilespmem:v15+s29+$0x0], $0xffff  }
0x1f0: {  	v14 =	vld.idx.msk [tilespmem:v39+s28+$0x0], $0xffff  }
0x1f1: {  	v19 =	vld.idx.msk [tilespmem:v39+s29+$0x0], $0xffff;
	v18 =	vmul.f32 v18, v49;
	v21 =	vmul.f32 v21, v50  }
0x1f2: {  	v53 =	vadd.s32 s7, v0;
	v13 =	vmul.f32 v13, v17  }
0x1f3: {  	v12 =	vmul.f32 v12, v45;
	v54 =	vmul.f32 v23, v51;
	v18 =	vadd.f32 v21, v18  }
0x1f4: {  	v56 =	vand.u32 $0x1FF8, v53;
	v55 =	vmul.f32 v16, v47;
	v15 =	vmul.f32 v15, v52  }
0x1f5: {  	s9 =	sadd.s32 $0xFFFFFFF0, s0;
	v16 =	vor.u32 v11, v56;
	v12 =	vadd.f32 v12, v13;
	v57 =	vadd.f32 v54, v18  }
0x1f6: {  	v58 =	vmov s9;
	v14 =	vmul.f32 v19, v14  }
0x1f7: {  	v60 =	vshll.u32 v58, $0x4;
	v12 =	vadd.f32 v55, v12;
	v59 =	vadd.f32 v15, v57  }
0x1f8: {  	v61 =	vperm.xlane v14, v10;
	v15 =	vor.u32 v2, v60  }
0x1f9: {  	v29 =	vor.u32 v3, v15;
	v62 =	vadd.f32 v59, v12  }
0x1fa: {  	[tilespmem:v16+s12+$0x0] =	vst.idx.msk $0xff, v14;
	v13 =	vadd.f32 v59, v61  }
0x1fb: {  	[tilespmem:v16+s13+$0x0] =	vst.idx.msk $0xff, v12;
	v31 =	vor.u32 v4, v15;
	v30 =	vperm.xlane v62, v10  }
0x1fc: {  	[tilespmem:v16+s14+$0x0] =	vst.idx.msk $0xff, v13  }
0x1fd: {  	v32 =	vor.u32 v5, v15;
	[tilespmem:v16+s15+$0x0] =	vst.idx.msk $0xff, v30  }
0x1fe: {  	v17 =	vld.idx.msk [tilespmem:v29+s28+$0x0], $0xffff  }
0x1ff: {  	v33 =	vor.u32 v6, v15;
	v14 =	vld.idx.msk [tilespmem:v29+s29+$0x0], $0xffff  }
0x200: {  	v34 =	vld.idx.msk [tilespmem:v31+s28+$0x0], $0xffff  }
0x201: {  	v35 =	vor.u32 v7, v15;
	v12 =	vld.idx.msk [tilespmem:v31+s29+$0x0], $0xffff  }
0x202: {  	v36 =	vld.idx.msk [tilespmem:v32+s28+$0x0], $0xffff  }
0x203: {  	v37 =	vor.u32 v8, v15;
	v16 =	vld.idx.msk [tilespmem:v32+s29+$0x0], $0xffff  }
0x204: {  	v38 =	vld.idx.msk [tilespmem:v33+s28+$0x0], $0xffff  }
0x205: {  	v63 =	vor.u32 v1, v15;
	v15 =	vor.u32 v9, v15;
	v18 =	vld.idx.msk [tilespmem:v33+s29+$0x0], $0xffff  }
0x206: {  	v39 =	vld.idx.msk [tilespmem:v35+s28+$0x0], $0xffff  }
0x207: {  	v21 =	vld.idx.msk [tilespmem:v35+s29+$0x0], $0xffff  }
0x208: {  	v40 =	vld.idx.msk [tilespmem:v37+s28+$0x0], $0xffff  }
0x209: {  	v23 =	vld.idx.msk [tilespmem:v37+s29+$0x0], $0xffff  }
0x20a: {  	v41 =	vld.idx.msk [tilespmem:v15+s28+$0x0], $0xffff  }
0x20b: {  	v15 =	vld.idx.msk [tilespmem:v15+s29+$0x0], $0xffff  }
0x20c: {  	v13 =	vld.idx.msk [tilespmem:v63+s28+$0x0], $0xffff  }
0x20d: {  	v19 =	vld.idx.msk [tilespmem:v63+s29+$0x0], $0xffff;
	v18 =	vmul.f32 v18, v38;
	v21 =	vmul.f32 v21, v39  }
0x20e: {  	v42 =	vadd.s32 s9, v0;
	v14 =	vmul.f32 v14, v17  }
0x20f: {  	v12 =	vmul.f32 v12, v34;
	v43 =	vmul.f32 v23, v40;
	v18 =	vadd.f32 v21, v18  }
0x210: {  	v45 =	vand.u32 $0x1FF8, v42;
	v44 =	vmul.f32 v16, v36;
	v15 =	vmul.f32 v15, v41  }
0x211: {  	s25 =	sadd.s32 $0xFFFFFFF8, s0;
	v16 =	vor.u32 v11, v45;
	v12 =	vadd.f32 v12, v14;
	v46 =	vadd.f32 v43, v18  }
0x212: {  	v47 =	vmov s25;
	v13 =	vmul.f32 v19, v13  }
0x213: {  	v49 =	vshll.u32 v47, $0x4;
	v12 =	vadd.f32 v44, v12;
	v48 =	vadd.f32 v15, v46  }
0x214: {  	v50 =	vperm.xlane v13, v10;
	v15 =	vor.u32 v2, v49  }
0x215: {  	v53 =	vor.u32 v3, v15;
	v51 =	vadd.f32 v48, v12  }
0x216: {  	[tilespmem:v16+s12+$0x0] =	vst.idx.msk $0xff, v13;
	v14 =	vadd.f32 v48, v50  }
0x217: {  	[tilespmem:v16+s13+$0x0] =	vst.idx.msk $0xff, v12;
	v55 =	vor.u32 v4, v15;
	v54 =	vperm.xlane v51, v10  }
0x218: {  	[tilespmem:v16+s14+$0x0] =	vst.idx.msk $0xff, v14  }
0x219: {  	v56 =	vor.u32 v5, v15;
	[tilespmem:v16+s15+$0x0] =	vst.idx.msk $0xff, v54  }
0x21a: {  	v17 =	vld.idx.msk [tilespmem:v53+s28+$0x0], $0xffff  }
0x21b: {  	v57 =	vor.u32 v6, v15;
	v13 =	vld.idx.msk [tilespmem:v53+s29+$0x0], $0xffff  }
0x21c: {  	v58 =	vld.idx.msk [tilespmem:v55+s28+$0x0], $0xffff  }
0x21d: {  	v59 =	vor.u32 v7, v15;
	v12 =	vld.idx.msk [tilespmem:v55+s29+$0x0], $0xffff  }
0x21e: {  	v60 =	vld.idx.msk [tilespmem:v56+s28+$0x0], $0xffff  }
0x21f: {  	v61 =	vor.u32 v8, v15;
	v16 =	vld.idx.msk [tilespmem:v56+s29+$0x0], $0xffff  }
0x220: {  	v62 =	vld.idx.msk [tilespmem:v57+s28+$0x0], $0xffff  }
0x221: {  	v52 =	vor.u32 v1, v15;
	v15 =	vor.u32 v9, v15;
	v18 =	vld.idx.msk [tilespmem:v57+s29+$0x0], $0xffff  }
0x222: {  	v63 =	vld.idx.msk [tilespmem:v59+s28+$0x0], $0xffff  }
0x223: {  	v21 =	vld.idx.msk [tilespmem:v59+s29+$0x0], $0xffff  }
0x224: {  	v30 =	vld.idx.msk [tilespmem:v61+s28+$0x0], $0xffff  }
0x225: {  	v23 =	vld.idx.msk [tilespmem:v61+s29+$0x0], $0xffff  }
0x226: {  	v31 =	vld.idx.msk [tilespmem:v15+s28+$0x0], $0xffff  }
0x227: {  	v15 =	vld.idx.msk [tilespmem:v15+s29+$0x0], $0xffff  }
0x228: {  	v14 =	vld.idx.msk [tilespmem:v52+s28+$0x0], $0xffff  }
0x229: {  	v19 =	vld.idx.msk [tilespmem:v52+s29+$0x0], $0xffff;
	v18 =	vmul.f32 v18, v62;
	v21 =	vmul.f32 v21, v63  }
0x22a: {  	v32 =	vadd.s32 s25, v0;
	v13 =	vmul.f32 v13, v17  }
0x22b: {  	v12 =	vmul.f32 v12, v58;
	v33 =	vmul.f32 v23, v30;
	v18 =	vadd.f32 v21, v18  }
0x22c: {  	v35 =	vand.u32 $0x1FF8, v32;
	v34 =	vmul.f32 v16, v60;
	v15 =	vmul.f32 v15, v31  }
0x22d: {  	v16 =	vor.u32 v11, v35;
	v12 =	vadd.f32 v12, v13;
	v36 =	vadd.f32 v33, v18  }
0x22e: {  	v37 =	vmov s0;
	v14 =	vmul.f32 v19, v14  }
0x22f: {  	v39 =	vshll.u32 v37, $0x4;
	v12 =	vadd.f32 v34, v12;
	v38 =	vadd.f32 v15, v36  }
0x230: {  	v40 =	vperm.xlane v14, v10;
	v15 =	vor.u32 v2, v39  }
0x231: {  	v43 =	vor.u32 v3, v15;
	v41 =	vadd.f32 v38, v12  }
0x232: {  	[tilespmem:v16+s12+$0x0] =	vst.idx.msk $0xff, v14;
	v13 =	vadd.f32 v38, v40  }
0x233: {  	[tilespmem:v16+s13+$0x0] =	vst.idx.msk $0xff, v12;
	v45 =	vor.u32 v4, v15;
	v44 =	vperm.xlane v41, v10  }
0x234: {  	[tilespmem:v16+s14+$0x0] =	vst.idx.msk $0xff, v13  }
0x235: {  	v46 =	vor.u32 v5, v15;
	[tilespmem:v16+s15+$0x0] =	vst.idx.msk $0xff, v44  }
0x236: {  	v17 =	vld.idx.msk [tilespmem:v43+s28+$0x0], $0xffff  }
0x237: {  	v47 =	vor.u32 v6, v15;
	v14 =	vld.idx.msk [tilespmem:v43+s29+$0x0], $0xffff  }
0x238: {  	v48 =	vld.idx.msk [tilespmem:v45+s28+$0x0], $0xffff  }
0x239: {  	v49 =	vor.u32 v7, v15;
	v12 =	vld.idx.msk [tilespmem:v45+s29+$0x0], $0xffff  }
0x23a: {  	v50 =	vld.idx.msk [tilespmem:v46+s28+$0x0], $0xffff  }
0x23b: {  	v51 =	vor.u32 v8, v15;
	v16 =	vld.idx.msk [tilespmem:v46+s29+$0x0], $0xffff  }
0x23c: {  	v52 =	vld.idx.msk [tilespmem:v47+s28+$0x0], $0xffff  }
0x23d: {  	v42 =	vor.u32 v1, v15;
	v15 =	vor.u32 v9, v15;
	v18 =	vld.idx.msk [tilespmem:v47+s29+$0x0], $0xffff  }
0x23e: {  	v53 =	vld.idx.msk [tilespmem:v49+s28+$0x0], $0xffff  }
0x23f: {  	v21 =	vld.idx.msk [tilespmem:v49+s29+$0x0], $0xffff  }
0x240: {  	v54 =	vld.idx.msk [tilespmem:v51+s28+$0x0], $0xffff  }
0x241: {  	v23 =	vld.idx.msk [tilespmem:v51+s29+$0x0], $0xffff  }
0x242: {  	v55 =	vld.idx.msk [tilespmem:v15+s28+$0x0], $0xffff  }
0x243: {  	v15 =	vld.idx.msk [tilespmem:v15+s29+$0x0], $0xffff  }
0x244: {  	v13 =	vld.idx.msk [tilespmem:v42+s28+$0x0], $0xffff  }
0x245: {  	v19 =	vld.idx.msk [tilespmem:v42+s29+$0x0], $0xffff;
	v18 =	vmul.f32 v18, v52;
	v21 =	vmul.f32 v21, v53  }
0x246: {  	v58 =	vadd.s32 s0, v0;
	v14 =	vmul.f32 v14, v17  }
0x247: {  	v12 =	vmul.f32 v12, v48;
	v57 =	vmul.f32 v23, v54;
	v56 =	vadd.f32 v21, v18  }
0x248: {  	v60 =	vand.u32 $0x1FF8, v58;
	v59 =	vmul.f32 v16, v50;
	v15 =	vmul.f32 v15, v55  }
0x249: {  	v16 =	vor.u32 v11, v60;
	v12 =	vadd.f32 v12, v14;
	v17 =	vadd.f32 v57, v56  }
0x24a: {  	v13 =	vmul.f32 v19, v13  }
0x24b: {  	v12 =	vadd.f32 v59, v12;
	v61 =	vadd.f32 v15, v17  }
0x24c: {  	p0 =	sne.s32 s0, $0x318;
	v62 =	vperm.xlane v13, v10  }
.Ltmp3:
0x24d: {  	v17 =	vadd.f32 v61, v12;
	(pc) =	sbr.rel @p0 .LBB2_8-.Ltmp3, $4  }
0x24e: {  	[tilespmem:v16+s12+$0x0] =	vst.idx.msk $0xff, v13;
	v14 =	vadd.f32 v61, v62  }
0x24f: {  	[tilespmem:v16+s13+$0x0] =	vst.idx.msk $0xff, v12;
	v63 =	vperm.xlane v17, v10  }
0x250: {  	[tilespmem:v16+s14+$0x0] =	vst.idx.msk $0xff, v14  }
0x251: {  	s0 =	sadd.s32 $0x28, s0;
	[tilespmem:v16+s15+$0x0] =	vst.idx.msk $0xff, v63  }
0x252: {  	s0 =	rddreg [dreg:$0x10]  }
0x253: {  	[hbm4b:s0+s8] =	stream.linear.scatter [tilespmem:s12], [sflag:$0x5], $0x320, $0x38;
	[tilespmem:$0xED80] =	vst v63  }
0x254: {  	s1 =	rddreg [dreg:$0x11]  }
0x255: {  	[hbm4b:s1+s8] =	stream.linear.scatter [tilespmem:s13], [sflag:$0x5], $0x320, $0x38;
	[tilespmem:$0xED80] =	vst v63  }
0x256: {  	s7 =	rddreg [dreg:$0x12]  }
0x257: {  	[hbm4b:s7+s8] =	stream.linear.scatter [tilespmem:s14], [sflag:$0x5], $0x320, $0x38;
	[tilespmem:$0xED80] =	vst v63  }
0x258: {  	s9 =	rddreg [dreg:$0x13]  }
0x259: {  	[hbm4b:s9+s8] =	stream.linear.scatter [tilespmem:s15], [sflag:$0x5], $0x320, $0x38;
	[tilespmem:$0xED80] =	vst v63  }
0x25a: {  	_ =	swait.ge [sflag:s24], $0x320  }
0x25b: {  	[sflag:s24] =	ssyncset.done $0x0  }
0x25c: {  	[sflag:s24] =	ssyncadd.s32 $0xFFFFFCE0  }
0x25d: {  	_ =	swait.ge [sflag:s24], $0x320  }
0x25e: {  	[sflag:s24] =	ssyncset.done $0x0  }
0x25f: {  	[sflag:s24] =	ssyncadd.s32 $0xFFFFFCE0  }
0x260: {  	_ =	swait.ge [sflag:s24], $0x320  }
0x261: {  	[sflag:s24] =	ssyncset.done $0x0  }
0x262: {  	[sflag:s24] =	ssyncadd.s32 $0xFFFFFCE0  }
0x263: {  	_ =	swait.ge [sflag:s24], $0x320  }
0x264: {  	[sflag:s24] =	ssyncset.done $0x0  }
0x265: {  	[sflag:s24] =	ssyncadd.s32 $0xFFFFFCE0  }
0x266: {  	_ =	swait.ge [sflag:s3], $0x320  }
0x267: {  	[sflag:s3] =	ssyncset.done $0x0  }
0x268: {  	[sflag:s3] =	ssyncadd.s32 $0xFFFFFCE0  }
0x269: {  	_ =	swait.ge [sflag:s3], $0x320  }
0x26a: {  	[sflag:s3] =	ssyncset.done $0x0  }
0x26b: {  	[sflag:s3] =	ssyncadd.s32 $0xFFFFFCE0  }
0x26c: {  	_ =	swait.ge [sflag:s3], $0x320  }
0x26d: {  	[sflag:s3] =	ssyncset.done $0x0  }
0x26e: {  	[sflag:s3] =	ssyncadd.s32 $0xFFFFFCE0  }
0x26f: {  	_ =	swait.ge [sflag:s3], $0x320  }
0x270: {  	s1 =	rddreg [dreg:$0x15]  }
0x271: {  	s25 =	rddreg [dreg:$0x14];
	s1 =	sadd.s32 $0x1, s1  }
0x272: {  	p0 =	sne.s32 s1, s25  }
.Ltmp4:
0x273: {  	_ = 	snop;
	(pc) =	sbr.rel @p0 .LBB2_1-.Ltmp4, $3  }
0x274: {  	_ =	sdelay $0x1  }
0x275: {  	[sflag:s3] =	ssyncset.done $0x0  }
0x276: {  	[sflag:s3] =	ssyncadd.s32 $0xFFFFFCE0  }
0x277: {  	_ =	sfence.sel $0x180000  }
0x278: {  	[bflag:$0x0] =	sbarrier.arrive $0xFFFF  }
0x279: {  	_ =	strace $0x90000047  }
0x27a: {  	s0 =	stileid.u32;
	[bflag:$0x2] =	sbarrier.arrive $0xFFFF  }
0x27b: {  	p0 =	sne.s32 s0, $0x0;
	s0 =	rddreg [dreg:$0x7]  }
0x27c: {  	s0 =	sadd.s32 @!p0 $0x100000, s0  }
0x27d: {  	[sflag:s0] =	ssyncadd.tile.s32 @!p0 $0x1;
	_ =	shalt  }
.Lfunc_end2:
_tile_overlayer_lowered:
.L_overlay_start_2:
0x27e: {  	(tag) =	ssettag $0x2  }
0x27f: {  	s0 =	rddreg [dreg:$0x0];
	s2 =	stileid.u32  }
0x280: {  	s1 =	rddreg [dreg:$0x1];
	p0 =	sne.s32 s2, $0x0  }
0x281: {  	s3 =	rddreg [dreg:$0x2];
	[bflag:$0x3] =	sbarrier.arrive $0xFFFF;
	s2 =	simm.s32 @!p0 $0x1C07  }
0x282: {  	[timem:s3], [sflag:s2] =	dma.local @!p0 [hbm:s0], s1  }
0x283: {  	s0 =	simm.s32 @!p0 $0x7  }
0x284: {  	_ =	swait.ge @!p0 [sflag:s0], s1  }
0x285: {  	s1 =	ssub.s32 @!p0 $0x0, s1;
	[sflag:s0] =	ssyncset.done @!p0 $0x0  }
0x286: {  	[sflag:s0] =	ssyncadd.s32 @!p0 s1  }
0x287: {  	[bflag:$0x3] =	sbarrier.arrive $0xFFFF  }
0x288: {  	_ =	shalt  }

</sc_bundles>
